<compile_context>
chip_gen: v7x
topology: tpu7x:2x2x1
jax: 0.10.2.dev20260603
libtpu: 0.0.44.dev20260713+nightly
codegen_flags: <defaults>
</compile_context>

<pallas_src>
import functools

import jax
import jax.numpy as jnp
from jax import lax
from jax.experimental import pallas as pl
from jax.experimental.pallas import tpu as pltpu
from jax.experimental.pallas import tpu_sc as plsc

NC = 2
NS = 16
NW = NC * NS
L = 16

G = 125


def _worker_id():
  return lax.axis_index("s") * NC + lax.axis_index("c")


def _make_deg_kernel(n_nodes, edges_per_worker):
  T = edges_per_worker
  mesh = plsc.VectorSubcoreMesh(core_axis_name="c", subcore_axis_name="s")

  @functools.partial(
      pl.kernel,
      out_type=(
          jax.ShapeDtypeStruct((NW, n_nodes), jnp.float32),
          jax.ShapeDtypeStruct((NW, n_nodes), jnp.float32),
      ),
      mesh=mesh,
      scratch_types=[
          pltpu.VMEM((T,), jnp.int32),
          pltpu.VMEM((n_nodes,), jnp.float32),
      ],
      compiler_params=pltpu.CompilerParams(
          needs_layout_passes=False, use_tc_tiling_on_sc=False),
  )
  def k(ei_hbm, outs_hbm, outd_hbm, idx_v, hist_v):
    wid = _worker_id()
    zeros = jnp.zeros((L,), jnp.float32)
    ones = jnp.ones((L,), jnp.float32)

    def run(row, out_hbm):
      def zstep(i, _):
        hist_v[pl.ds(i * L, L)] = zeros
        return 0

      lax.fori_loop(0, n_nodes // L, zstep, 0)
      pltpu.sync_copy(ei_hbm.at[row, pl.ds(wid * T, T)], idx_v)

      def astep(i, _):
        iv = idx_v[pl.ds(i * L, L)]
        plsc.addupdate_scatter(hist_v, [iv], ones)
        return 0

      lax.fori_loop(0, T // L, astep, 0)
      pltpu.sync_copy(hist_v, out_hbm.at[wid])

    run(0, outs_hbm)
    run(1, outd_hbm)

  return k


def _make_gs_kernel(n_acc, n_drain, n_chunks, d):
  rpt = (n_drain // NS) // 8 * 8
  rem_start = rpt * NS
  rem = n_drain - rem_start
  assert rem % 8 == 0
  nb = 3
  nbuf = 4
  mesh = plsc.VectorSubcoreMesh(core_axis_name="c", subcore_axis_name="s")

  @functools.partial(
      pl.kernel,
      out_type=jax.ShapeDtypeStruct((NC, n_drain, d), jnp.float32),
      mesh=mesh,
      scratch_types=[
          pltpu.VMEM((n_chunks, G), jnp.int32),
          pltpu.VMEM((n_chunks, G), jnp.int32),
          pltpu.VMEM((nbuf, G, d), jnp.float32),
          pltpu.VMEM_SHARED((n_acc, d), jnp.float32),
          [pltpu.SemaphoreType.DMA] * nbuf,
          [pltpu.SemaphoreType.DMA] * nbuf,
      ],
      compiler_params=pltpu.CompilerParams(use_tc_tiling_on_sc=False),
  )
  def k(h_hbm, sidx_hbm, didx_hbm, zero_hbm, out_hbm, sidx_v, didx_v, buf_v,
        acc_sh, gsems, ssems):
    cid = lax.axis_index("c")
    sid = lax.axis_index("s")
    wid = _worker_id()

    pltpu.sync_copy(sidx_hbm.at[wid], sidx_v)
    pltpu.sync_copy(didx_hbm.at[wid], didx_v)

    for b in range(nb):
      pltpu.async_copy(h_hbm.at[sidx_v.at[b]], buf_v.at[b], gsems[b])

    base = pl.multiple_of(sid * rpt, 8)
    pltpu.sync_copy(zero_hbm.at[pl.ds(base, rpt)], acc_sh.at[pl.ds(base, rpt)])
    if rem:
      @pl.when(sid == NS - 1)
      def _():
        pltpu.sync_copy(zero_hbm.at[pl.ds(rem_start, rem)],
                        acc_sh.at[pl.ds(rem_start, rem)])
    plsc.subcore_barrier()

    assert n_chunks % nbuf == 0

    def body(g, _):
      for b in range(nbuf):
        j = g * nbuf + b
        bp = (b + nbuf - 1) % nbuf
        bn = (b + nb) % nbuf
        pltpu.make_async_copy(h_hbm.at[sidx_v.at[j]], buf_v.at[b],
                              gsems[b]).wait()

        @pl.when(j >= 1)
        def _():
          pltpu.make_async_copy(buf_v.at[bp], acc_sh.at[didx_v.at[j - 1]],
                                ssems[bp]).wait()

        @pl.when(j + nb < n_chunks)
        def _():
          pltpu.async_copy(h_hbm.at[sidx_v.at[j + nb]], buf_v.at[bn],
                           gsems[bn])

        pltpu.async_copy(buf_v.at[b], acc_sh.at[didx_v.at[j]], ssems[b],
                         add=True)
      return 0

    lax.fori_loop(0, n_chunks // nbuf, body, 0)
    j = n_chunks - 1
    pltpu.make_async_copy(buf_v.at[j % nbuf], acc_sh.at[didx_v.at[j]],
                          ssems[j % nbuf]).wait()
    plsc.subcore_barrier()

    pltpu.sync_copy(acc_sh.at[pl.ds(base, rpt)],
                    out_hbm.at[cid, pl.ds(base, rpt)])
    if rem:
      @pl.when(sid == NS - 1)
      def _():
        pltpu.sync_copy(acc_sh.at[pl.ds(rem_start, rem)],
                        out_hbm.at[cid, pl.ds(rem_start, rem)])

  return k


def _mm1_body(x_ref, w_ref, ds_ref, dd_ref, ha_ref, hb_ref, ns_ref, nd_ref):
  h = w_ref.shape[1]
  ns = lax.rsqrt(jnp.maximum(jnp.sum(ds_ref[...], axis=0), 1.0))[:, None]
  nd = lax.rsqrt(jnp.maximum(jnp.sum(dd_ref[...], axis=0), 1.0))[:, None]
  ns_ref[...] = ns
  nd_ref[...] = nd
  full = jnp.dot(x_ref[...] * ns, w_ref[...],
                 preferred_element_type=jnp.float32)
  ha_ref[...] = full[:, : h // 2]
  hb_ref[...] = full[:, h // 2 :]


def _mm1(x, w1, degs, degd):
  n, _ = x.shape
  h = w1.shape[1]
  return pl.pallas_call(
      _mm1_body,
      out_shape=[
          jax.ShapeDtypeStruct((n, h // 2), jnp.float32),
          jax.ShapeDtypeStruct((n, h // 2), jnp.float32),
          jax.ShapeDtypeStruct((n, 1), jnp.float32),
          jax.ShapeDtypeStruct((n, 1), jnp.float32),
      ],
  )(x, w1, degs, degd)


def _mm2_body(pa_ref, pb_ref, ns_ref, nd_ref, w_ref, o_ref):
  hh = w_ref.shape[0] // 2
  nd = nd_ref[...]
  ns = ns_ref[...]
  h1a = jnp.maximum((pa_ref[0] + pa_ref[1]) * nd, 0.0) * ns
  h1b = jnp.maximum((pb_ref[0] + pb_ref[1]) * nd, 0.0) * ns
  w = w_ref[...]
  z = jnp.zeros((hh, hh), jnp.float32)
  bda = jnp.concatenate(
      [jnp.concatenate([w[:hh], z], 1), jnp.concatenate([z, w[:hh]], 1)], 0)
  bdb = jnp.concatenate(
      [jnp.concatenate([w[hh:], z], 1), jnp.concatenate([z, w[hh:]], 1)], 0)
  o_ref[...] = (jnp.dot(h1a, bda, preferred_element_type=jnp.float32)
                + jnp.dot(h1b, bdb, preferred_element_type=jnp.float32))


def _mm2(pa, pb, ns, nd, w2, blk):
  np_ = pa.shape[1]
  w = pa.shape[2]
  o = w2.shape[1]
  return pl.pallas_call(
      _mm2_body,
      grid=(np_ // blk,),
      in_specs=[
          pl.BlockSpec((NC, blk, w), lambda i: (0, i, 0)),
          pl.BlockSpec((NC, blk, w), lambda i: (0, i, 0)),
          pl.BlockSpec((blk, w), lambda i: (i, 0)),
          pl.BlockSpec((blk, w), lambda i: (i, 0)),
          pl.BlockSpec((2 * o, o), lambda i: (0, 0)),
      ],
      out_specs=pl.BlockSpec((blk, w), lambda i: (i, 0)),
      out_shape=jax.ShapeDtypeStruct((np_, w), jnp.float32),
  )(pa, pb, ns, nd, w2)


def _fin_body(p_ref, nd_ref, o_ref):
  o_ref[...] = (p_ref[0] + p_ref[1]) * nd_ref[...]


def _fin(p, nd, blk):
  np_ = p.shape[1]
  w = p.shape[2]
  return pl.pallas_call(
      _fin_body,
      grid=(np_ // blk,),
      in_specs=[
          pl.BlockSpec((NC, blk, w), lambda i: (0, i, 0)),
          pl.BlockSpec((blk, w), lambda i: (i, 0)),
      ],
      out_specs=pl.BlockSpec((blk, w), lambda i: (i, 0)),
      out_shape=jax.ShapeDtypeStruct((np_, w), jnp.float32),
  )(p, nd)


@jax.jit
def kernel(x, edge_index, W1, W2):
  n, f = x.shape
  h = W1.shape[1]
  o = W2.shape[1]
  e = edge_index.shape[1]

  t = e // NW
  ch = t // G
  n_acc = n
  assert e % (NW * G) == 0 and ch % 4 == 0 and t % L == 0 and n % L == 0

  ei = edge_index.astype(jnp.int32)
  src_p = ei[0].reshape(NW, ch, G)
  dst_p = ei[1].reshape(NW, ch, G)

  degs, degd = _make_deg_kernel(n, t)(ei)
  ha, hb, ns, nd = _mm1(x, W1, degs, degd)
  ns_p = jnp.broadcast_to(ns, (n, h // 2)).reshape(n // 2, h)
  nd_p = jnp.broadcast_to(nd, (n, h // 2)).reshape(n // 2, h)

  zero_h = jnp.zeros((n, h // 2), jnp.float32)
  gs = _make_gs_kernel(n_acc, n, ch, h // 2)
  p1a = gs(ha, src_p, dst_p, zero_h)
  p1b = gs(hb, src_p, dst_p, zero_h)
  h2_p = _mm2(p1a.reshape(NC, n // 2, h), p1b.reshape(NC, n // 2, h),
              ns_p, nd_p, W2, 1000)

  zero_o = jnp.zeros((n, o), jnp.float32)
  p2 = _make_gs_kernel(n_acc, n, ch, o)(h2_p.reshape(n, o), src_p, dst_p,
                                        zero_o)
  out_p = _fin(p2.reshape(NC, n // 2, 2 * o), nd_p, 1000)
  return out_p.reshape(n, o)

# --- scband reference (transcript-rebuilt; emitter-appended) ---
"""Pipeline reference for scband-ocgnn-64948495450714 (READ-ONLY COPY).

The authoritative reference and input builder live on the scoring server;
editing this copy changes nothing except your own understanding.
"""

import jax, jax.numpy as jnp
import numpy as np

N_NODES = 10000
N_EDGES = 320000
IN_FEATS = 128
N_HIDDEN = 128


def setup_inputs(seed: int = 0) -> dict:
    key = jax.random.key(seed)
    k1, k2, k3, k4 = jax.random.split(key, 4)
    x = jax.random.normal(k1, (N_NODES, IN_FEATS), dtype=jnp.float32)
    edge_index = jax.random.randint(k2, (2, N_EDGES), 0, N_NODES, dtype=jnp.int64)
    # Glorot-initialized weights, matching dgl GraphConv (bias=False)
    s1 = float(np.sqrt(6.0 / (IN_FEATS + N_HIDDEN)))
    W1 = jax.random.uniform(k3, (IN_FEATS, N_HIDDEN), dtype=jnp.float32, minval=-s1, maxval=s1)
    s2 = float(np.sqrt(6.0 / (N_HIDDEN + N_HIDDEN // 2)))
    W2 = jax.random.uniform(k4, (N_HIDDEN, N_HIDDEN // 2), dtype=jnp.float32, minval=-s2, maxval=s2)
    return {"x": x, "edge_index": edge_index, "W1": W1, "W2": W2}


def _graph_conv_both(x, edge_index, W, n_nodes):
    # dgl GraphConv(norm='both', bias=False, allow_zero_in_degree=True)
    # out = D_in^{-1/2} * A @ (D_out^{-1/2} * (X @ W))
    src = edge_index[0]
    dst = edge_index[1]
    ones = jnp.ones((edge_index.shape[1],), dtype=jnp.float32)
    out_deg = jnp.zeros((n_nodes,), dtype=jnp.float32).at[src].add(ones)
    out_deg = jnp.clip(out_deg, 1.0, None)
    norm_src = jnp.power(out_deg, -0.5)
    h = x * norm_src[:, None]
    h = h @ W
    msg = jnp.take(h, src, axis=0)
    agg = jnp.zeros((n_nodes, h.shape[1]), dtype=h.dtype).at[dst].add(msg)
    in_deg = jnp.zeros((n_nodes,), dtype=jnp.float32).at[dst].add(ones)
    in_deg = jnp.clip(in_deg, 1.0, None)
    norm_dst = jnp.power(in_deg, -0.5)
    return agg * norm_dst[:, None]


def reference(x, edge_index, W1, W2):
    n_nodes = x.shape[0]
    h = _graph_conv_both(x, edge_index, W1, n_nodes)
    h = jax.nn.relu(h)
    h = _graph_conv_both(h, edge_index, W2, n_nodes)
    return h

if __name__ == "__main__":
    import jax
    _d = setup_inputs()
    print(jax.jit(kernel)(*tuple(_d.values())))

</pallas_src>

<mosaic_0001>
#map = affine_map<(d0, d1) -> (0, 0)>
#map1 = affine_map<(d0, d1) -> (0, 0, 0)>
module attributes {stable_mosaic.version = 14 : i64} {
  func.func @k(%arg0: i32, %arg1: i32, %arg2: memref<10000x64xf32, #tpu.memory_space<hbm>>, %arg3: memref<32x80x125xi32, #tpu.memory_space<hbm>>, %arg4: memref<32x80x125xi32, #tpu.memory_space<hbm>>, %arg5: memref<10000x64xf32, #tpu.memory_space<hbm>>, %arg6: memref<2x10000x64xf32, #tpu.memory_space<hbm>>, %arg7: memref<80x125xi32, #tpu.memory_space<vmem>>, %arg8: memref<80x125xi32, #tpu.memory_space<vmem>>, %arg9: memref<4x125x64xf32, #tpu.memory_space<vmem>>, %arg10: memref<10000x64xf32, #tpu.memory_space<vmem_shared>>, %arg11: memref<!tpu.dma_semaphore, #tpu.memory_space<semaphore_mem>>, %arg12: memref<!tpu.dma_semaphore, #tpu.memory_space<semaphore_mem>>, %arg13: memref<!tpu.dma_semaphore, #tpu.memory_space<semaphore_mem>>, %arg14: memref<!tpu.dma_semaphore, #tpu.memory_space<semaphore_mem>>, %arg15: memref<!tpu.dma_semaphore, #tpu.memory_space<semaphore_mem>>, %arg16: memref<!tpu.dma_semaphore, #tpu.memory_space<semaphore_mem>>, %arg17: memref<!tpu.dma_semaphore, #tpu.memory_space<semaphore_mem>>, %arg18: memref<!tpu.dma_semaphore, #tpu.memory_space<semaphore_mem>>) attributes {dimension_semantics = [#tpu.dimension_semantics<core_parallel>, #tpu.dimension_semantics<subcore_parallel>], iteration_bounds = array<i64: 2, 16>, scalar_prefetch = 0 : i64, scratch_operands = 12 : i64, tpu.core_type = #tpu.core_type<sc_vector_subcore>, window_params = [{transform_indices = #map}, {transform_indices = #map1}, {transform_indices = #map1}, {transform_indices = #map}, {transform_indices = #map1}]} {
    %mul3A = arith.constant 2 : i32
    %mul3A_0 = arith.muli %arg1, %mul3A : i32
    %add3A = arith.addi %mul3A_0, %arg0 : i32
    "tpu.region"() ({
      %run_scoped3A = tpu.sem_alloc : memref<!tpu.dma_semaphore, #tpu.memory_space<semaphore_mem>>
      %dma_start3A_63 = arith.constant 0 : i32
      %dma_start3A_64 = arith.constant 0 : i32
      %dma_start3A_65 = tpu.memref_slice %arg3[%add3A, %dma_start3A_63, %dma_start3A_64] : memref<32x80x125xi32, #tpu.memory_space<hbm>> -> memref<1x80x125xi32, #tpu.memory_space<hbm>>
      %dma_start3A_66 = tpu.memref_squeeze %dma_start3A_65 : memref<1x80x125xi32, #tpu.memory_space<hbm>> -> memref<80x125xi32, #tpu.memory_space<hbm>>
      %dma_start3A_67 = arith.constant 0 : i32
      %dma_start3A_68 = arith.constant 0 : i32
      %dma_start3A_69 = tpu.memref_slice %arg3[%add3A, %dma_start3A_67, %dma_start3A_68] : memref<32x80x125xi32, #tpu.memory_space<hbm>> -> memref<1x80x125xi32, #tpu.memory_space<hbm>>
      %dma_start3A_70 = tpu.memref_squeeze %dma_start3A_69 : memref<1x80x125xi32, #tpu.memory_space<hbm>> -> memref<80x125xi32, #tpu.memory_space<hbm>>
      tpu.enqueue_dma source(%dma_start3A_70 : memref<80x125xi32, #tpu.memory_space<hbm>>) target(%arg7 : memref<80x125xi32, #tpu.memory_space<vmem>>) target_semaphore(%run_scoped3A : memref<!tpu.dma_semaphore, #tpu.memory_space<semaphore_mem>>)
      %dma_wait3A_71 = arith.constant 0 : i32
      %dma_wait3A_72 = arith.constant 0 : i32
      %dma_wait3A_73 = tpu.memref_slice %arg3[%add3A, %dma_wait3A_71, %dma_wait3A_72] : memref<32x80x125xi32, #tpu.memory_space<hbm>> -> memref<1x80x125xi32, #tpu.memory_space<hbm>>
      %dma_wait3A_74 = tpu.memref_squeeze %dma_wait3A_73 : memref<1x80x125xi32, #tpu.memory_space<hbm>> -> memref<80x125xi32, #tpu.memory_space<hbm>>
      %dma_wait3A_75 = arith.constant 0 : i32
      %dma_wait3A_76 = arith.constant 0 : i32
      %dma_wait3A_77 = tpu.memref_slice %arg3[%add3A, %dma_wait3A_75, %dma_wait3A_76] : memref<32x80x125xi32, #tpu.memory_space<hbm>> -> memref<1x80x125xi32, #tpu.memory_space<hbm>>
      %dma_wait3A_78 = tpu.memref_squeeze %dma_wait3A_77 : memref<1x80x125xi32, #tpu.memory_space<hbm>> -> memref<80x125xi32, #tpu.memory_space<hbm>>
      tpu.wait_dma2 semaphore(%run_scoped3A : memref<!tpu.dma_semaphore, #tpu.memory_space<semaphore_mem>>) src(%dma_wait3A_78 : memref<80x125xi32, #tpu.memory_space<hbm>>) dst(%arg7 : memref<80x125xi32, #tpu.memory_space<vmem>>)
      tpu.yield
    }) : () -> ()
    "tpu.region"() ({
      %run_scoped3A = tpu.sem_alloc : memref<!tpu.dma_semaphore, #tpu.memory_space<semaphore_mem>>
      %dma_start3A_63 = arith.constant 0 : i32
      %dma_start3A_64 = arith.constant 0 : i32
      %dma_start3A_65 = tpu.memref_slice %arg4[%add3A, %dma_start3A_63, %dma_start3A_64] : memref<32x80x125xi32, #tpu.memory_space<hbm>> -> memref<1x80x125xi32, #tpu.memory_space<hbm>>
      %dma_start3A_66 = tpu.memref_squeeze %dma_start3A_65 : memref<1x80x125xi32, #tpu.memory_space<hbm>> -> memref<80x125xi32, #tpu.memory_space<hbm>>
      %dma_start3A_67 = arith.constant 0 : i32
      %dma_start3A_68 = arith.constant 0 : i32
      %dma_start3A_69 = tpu.memref_slice %arg4[%add3A, %dma_start3A_67, %dma_start3A_68] : memref<32x80x125xi32, #tpu.memory_space<hbm>> -> memref<1x80x125xi32, #tpu.memory_space<hbm>>
      %dma_start3A_70 = tpu.memref_squeeze %dma_start3A_69 : memref<1x80x125xi32, #tpu.memory_space<hbm>> -> memref<80x125xi32, #tpu.memory_space<hbm>>
      tpu.enqueue_dma source(%dma_start3A_70 : memref<80x125xi32, #tpu.memory_space<hbm>>) target(%arg8 : memref<80x125xi32, #tpu.memory_space<vmem>>) target_semaphore(%run_scoped3A : memref<!tpu.dma_semaphore, #tpu.memory_space<semaphore_mem>>)
      %dma_wait3A_71 = arith.constant 0 : i32
      %dma_wait3A_72 = arith.constant 0 : i32
      %dma_wait3A_73 = tpu.memref_slice %arg4[%add3A, %dma_wait3A_71, %dma_wait3A_72] : memref<32x80x125xi32, #tpu.memory_space<hbm>> -> memref<1x80x125xi32, #tpu.memory_space<hbm>>
      %dma_wait3A_74 = tpu.memref_squeeze %dma_wait3A_73 : memref<1x80x125xi32, #tpu.memory_space<hbm>> -> memref<80x125xi32, #tpu.memory_space<hbm>>
      %dma_wait3A_75 = arith.constant 0 : i32
      %dma_wait3A_76 = arith.constant 0 : i32
      %dma_wait3A_77 = tpu.memref_slice %arg4[%add3A, %dma_wait3A_75, %dma_wait3A_76] : memref<32x80x125xi32, #tpu.memory_space<hbm>> -> memref<1x80x125xi32, #tpu.memory_space<hbm>>
      %dma_wait3A_78 = tpu.memref_squeeze %dma_wait3A_77 : memref<1x80x125xi32, #tpu.memory_space<hbm>> -> memref<80x125xi32, #tpu.memory_space<hbm>>
      tpu.wait_dma2 semaphore(%run_scoped3A : memref<!tpu.dma_semaphore, #tpu.memory_space<semaphore_mem>>) src(%dma_wait3A_78 : memref<80x125xi32, #tpu.memory_space<hbm>>) dst(%arg8 : memref<80x125xi32, #tpu.memory_space<vmem>>)
      tpu.yield
    }) : () -> ()
    %dma_start3A = arith.constant 0 : i32
    %dma_start3A_1 = arith.constant 0 : i32
    %dma_start3A_2 = arith.constant 0 : i32
    %dma_start3A_3 = arith.constant 0 : i32
    %dma_start3A_4 = tpu.memref_slice %arg9[%dma_start3A_1, %dma_start3A_2, %dma_start3A_3] : memref<4x125x64xf32, #tpu.memory_space<vmem>> -> memref<1x125x64xf32, #tpu.memory_space<vmem>>
    %dma_start3A_5 = tpu.memref_squeeze %dma_start3A_4 : memref<1x125x64xf32, #tpu.memory_space<vmem>> -> memref<125x64xf32, #tpu.memory_space<vmem>>
    %dma_start3A_6 = arith.constant 0 : i32
    %dma_start3A_7 = tpu.memref_slice %arg7[%dma_start3A, %dma_start3A_6] : memref<80x125xi32, #tpu.memory_space<vmem>> -> memref<1x125xi32, #tpu.memory_space<vmem>>
    %dma_start3A_8 = tpu.memref_squeeze %dma_start3A_7 : memref<1x125xi32, #tpu.memory_space<vmem>> -> memref<125xi32, #tpu.memory_space<vmem>>
    %dma_start3A_9 = arith.constant 0 : i32
    %dma_start3A_10 = arith.constant 0 : i32
    %dma_start3A_11 = tpu.memref_slice %arg2[%dma_start3A_9, %dma_start3A_10] : memref<10000x64xf32, #tpu.memory_space<hbm>> -> memref<10000x64xf32, #tpu.memory_space<hbm>>
    tpu.enqueue_indirect_dma source(%dma_start3A_11 : memref<10000x64xf32, #tpu.memory_space<hbm>>) target(%dma_start3A_5 : memref<125x64xf32, #tpu.memory_space<vmem>>) offsets(%dma_start3A_8 : memref<125xi32, #tpu.memory_space<vmem>>) semaphore(%arg11 : memref<!tpu.dma_semaphore, #tpu.memory_space<semaphore_mem>>)
    %dma_start3A_12 = arith.constant 1 : i32
    %dma_start3A_13 = arith.constant 1 : i32
    %dma_start3A_14 = arith.constant 0 : i32
    %dma_start3A_15 = arith.constant 0 : i32
    %dma_start3A_16 = tpu.memref_slice %arg9[%dma_start3A_13, %dma_start3A_14, %dma_start3A_15] : memref<4x125x64xf32, #tpu.memory_space<vmem>> -> memref<1x125x64xf32, #tpu.memory_space<vmem>>
    %dma_start3A_17 = tpu.memref_squeeze %dma_start3A_16 : memref<1x125x64xf32, #tpu.memory_space<vmem>> -> memref<125x64xf32, #tpu.memory_space<vmem>>
    %dma_start3A_18 = arith.constant 0 : i32
    %dma_start3A_19 = tpu.memref_slice %arg7[%dma_start3A_12, %dma_start3A_18] : memref<80x125xi32, #tpu.memory_space<vmem>> -> memref<1x125xi32, #tpu.memory_space<vmem>>
    %dma_start3A_20 = tpu.memref_squeeze %dma_start3A_19 : memref<1x125xi32, #tpu.memory_space<vmem>> -> memref<125xi32, #tpu.memory_space<vmem>>
    %dma_start3A_21 = arith.constant 0 : i32
    %dma_start3A_22 = arith.constant 0 : i32
    %dma_start3A_23 = tpu.memref_slice %arg2[%dma_start3A_21, %dma_start3A_22] : memref<10000x64xf32, #tpu.memory_space<hbm>> -> memref<10000x64xf32, #tpu.memory_space<hbm>>
    tpu.enqueue_indirect_dma source(%dma_start3A_23 : memref<10000x64xf32, #tpu.memory_space<hbm>>) target(%dma_start3A_17 : memref<125x64xf32, #tpu.memory_space<vmem>>) offsets(%dma_start3A_20 : memref<125xi32, #tpu.memory_space<vmem>>) semaphore(%arg12 : memref<!tpu.dma_semaphore, #tpu.memory_space<semaphore_mem>>)
    %dma_start3A_24 = arith.constant 2 : i32
    %dma_start3A_25 = arith.constant 2 : i32
    %dma_start3A_26 = arith.constant 0 : i32
    %dma_start3A_27 = arith.constant 0 : i32
    %dma_start3A_28 = tpu.memref_slice %arg9[%dma_start3A_25, %dma_start3A_26, %dma_start3A_27] : memref<4x125x64xf32, #tpu.memory_space<vmem>> -> memref<1x125x64xf32, #tpu.memory_space<vmem>>
    %dma_start3A_29 = tpu.memref_squeeze %dma_start3A_28 : memref<1x125x64xf32, #tpu.memory_space<vmem>> -> memref<125x64xf32, #tpu.memory_space<vmem>>
    %dma_start3A_30 = arith.constant 0 : i32
    %dma_start3A_31 = tpu.memref_slice %arg7[%dma_start3A_24, %dma_start3A_30] : memref<80x125xi32, #tpu.memory_space<vmem>> -> memref<1x125xi32, #tpu.memory_space<vmem>>
    %dma_start3A_32 = tpu.memref_squeeze %dma_start3A_31 : memref<1x125xi32, #tpu.memory_space<vmem>> -> memref<125xi32, #tpu.memory_space<vmem>>
    %dma_start3A_33 = arith.constant 0 : i32
    %dma_start3A_34 = arith.constant 0 : i32
    %dma_start3A_35 = tpu.memref_slice %arg2[%dma_start3A_33, %dma_start3A_34] : memref<10000x64xf32, #tpu.memory_space<hbm>> -> memref<10000x64xf32, #tpu.memory_space<hbm>>
    tpu.enqueue_indirect_dma source(%dma_start3A_35 : memref<10000x64xf32, #tpu.memory_space<hbm>>) target(%dma_start3A_29 : memref<125x64xf32, #tpu.memory_space<vmem>>) offsets(%dma_start3A_32 : memref<125xi32, #tpu.memory_space<vmem>>) semaphore(%arg13 : memref<!tpu.dma_semaphore, #tpu.memory_space<semaphore_mem>>)
    %mul3A_36 = arith.constant 624 : i32
    %mul3A_37 = arith.muli %arg1, %mul3A_36 : i32
    %multiple_of3A = tpu.assume_multiple %mul3A_37, 8 : i32
    "tpu.region"() ({
      %run_scoped3A = tpu.sem_alloc : memref<!tpu.dma_semaphore, #tpu.memory_space<semaphore_mem>>
      %dma_start3A_63 = arith.constant 0 : i32
      %dma_start3A_64 = tpu.memref_slice %arg10[%multiple_of3A, %dma_start3A_63] : memref<10000x64xf32, #tpu.memory_space<vmem_shared>> -> memref<624x64xf32, #tpu.memory_space<vmem_shared>>
      %dma_start3A_65 = arith.constant 0 : i32
      %dma_start3A_66 = tpu.memref_slice %arg5[%multiple_of3A, %dma_start3A_65] : memref<10000x64xf32, #tpu.memory_space<hbm>> -> memref<624x64xf32, #tpu.memory_space<hbm>>
      tpu.enqueue_dma source(%dma_start3A_66 : memref<624x64xf32, #tpu.memory_space<hbm>>) target(%dma_start3A_64 : memref<624x64xf32, #tpu.memory_space<vmem_shared>>) target_semaphore(%run_scoped3A : memref<!tpu.dma_semaphore, #tpu.memory_space<semaphore_mem>>)
      %dma_wait3A_67 = arith.constant 0 : i32
      %dma_wait3A_68 = tpu.memref_slice %arg10[%multiple_of3A, %dma_wait3A_67] : memref<10000x64xf32, #tpu.memory_space<vmem_shared>> -> memref<624x64xf32, #tpu.memory_space<vmem_shared>>
      %dma_wait3A_69 = arith.constant 0 : i32
      %dma_wait3A_70 = tpu.memref_slice %arg5[%multiple_of3A, %dma_wait3A_69] : memref<10000x64xf32, #tpu.memory_space<hbm>> -> memref<624x64xf32, #tpu.memory_space<hbm>>
      tpu.wait_dma2 semaphore(%run_scoped3A : memref<!tpu.dma_semaphore, #tpu.memory_space<semaphore_mem>>) src(%dma_wait3A_70 : memref<624x64xf32, #tpu.memory_space<hbm>>) dst(%dma_wait3A_68 : memref<624x64xf32, #tpu.memory_space<vmem_shared>>)
      tpu.yield
    }) : () -> ()
    %eq3A = arith.constant 15 : i32
    %eq3A_38 = arith.cmpi eq, %arg1, %eq3A : i32
    %convert_element_type3A = arith.extui %eq3A_38 : i1 to i32
    %cond3A = arith.constant 0 : i32
    %cond3A_39 = arith.cmpi ne, %convert_element_type3A, %cond3A : i32
    scf.if %cond3A_39 {
      "tpu.region"() ({
        %run_scoped3A = tpu.sem_alloc : memref<!tpu.dma_semaphore, #tpu.memory_space<semaphore_mem>>
        %dma_start3A_63 = arith.constant 9984 : i32
        %dma_start3A_64 = arith.constant 0 : i32
        %dma_start3A_65 = tpu.memref_slice %arg10[%dma_start3A_63, %dma_start3A_64] : memref<10000x64xf32, #tpu.memory_space<vmem_shared>> -> memref<16x64xf32, #tpu.memory_space<vmem_shared>>
        %dma_start3A_66 = arith.constant 9984 : i32
        %dma_start3A_67 = arith.constant 0 : i32
        %dma_start3A_68 = tpu.memref_slice %arg5[%dma_start3A_66, %dma_start3A_67] : memref<10000x64xf32, #tpu.memory_space<hbm>> -> memref<16x64xf32, #tpu.memory_space<hbm>>
        tpu.enqueue_dma source(%dma_start3A_68 : memref<16x64xf32, #tpu.memory_space<hbm>>) target(%dma_start3A_65 : memref<16x64xf32, #tpu.memory_space<vmem_shared>>) target_semaphore(%run_scoped3A : memref<!tpu.dma_semaphore, #tpu.memory_space<semaphore_mem>>)
        %dma_wait3A_69 = arith.constant 9984 : i32
        %dma_wait3A_70 = arith.constant 0 : i32
        %dma_wait3A_71 = tpu.memref_slice %arg10[%dma_wait3A_69, %dma_wait3A_70] : memref<10000x64xf32, #tpu.memory_space<vmem_shared>> -> memref<16x64xf32, #tpu.memory_space<vmem_shared>>
        %dma_wait3A_72 = arith.constant 9984 : i32
        %dma_wait3A_73 = arith.constant 0 : i32
        %dma_wait3A_74 = tpu.memref_slice %arg5[%dma_wait3A_72, %dma_wait3A_73] : memref<10000x64xf32, #tpu.memory_space<hbm>> -> memref<16x64xf32, #tpu.memory_space<hbm>>
        tpu.wait_dma2 semaphore(%run_scoped3A : memref<!tpu.dma_semaphore, #tpu.memory_space<semaphore_mem>>) src(%dma_wait3A_74 : memref<16x64xf32, #tpu.memory_space<hbm>>) dst(%dma_wait3A_71 : memref<16x64xf32, #tpu.memory_space<vmem_shared>>)
        tpu.yield
      }) : () -> ()
    } else {
    }
    %barrier3A = arith.constant 0 : index
    tpu.barrier barrier_id(%barrier3A)
    %scan3A = arith.constant 0 : i32
    %scan3A_40 = arith.constant 0 : i32
    %scan3A_41 = arith.constant 20 : i32
    %scan3A_42 = arith.addi %scan3A_40, %scan3A_41 : i32
    %scan3A_43 = arith.constant 1 : i32
    %scan3A_44 = scf.for %scan3A_63 = %scan3A_40 to %scan3A_42 step %scan3A_43 iter_args(%scan3A_64 = %scan3A) -> (i32)  : i32 {
      %mul3A_65 = arith.constant 4 : i32
      %mul3A_66 = arith.muli %scan3A_63, %mul3A_65 : i32
      %add3A_67 = arith.constant 0 : i32
      %add3A_68 = arith.addi %mul3A_66, %add3A_67 : i32
      %dma_wait3A_69 = arith.constant 0 : i32
      %dma_wait3A_70 = arith.constant 0 : i32
      %dma_wait3A_71 = arith.constant 0 : i32
      %dma_wait3A_72 = tpu.memref_slice %arg9[%dma_wait3A_69, %dma_wait3A_70, %dma_wait3A_71] : memref<4x125x64xf32, #tpu.memory_space<vmem>> -> memref<1x125x64xf32, #tpu.memory_space<vmem>>
      %dma_wait3A_73 = tpu.memref_squeeze %dma_wait3A_72 : memref<1x125x64xf32, #tpu.memory_space<vmem>> -> memref<125x64xf32, #tpu.memory_space<vmem>>
      %dma_wait3A_74 = arith.constant 0 : i32
      %dma_wait3A_75 = tpu.memref_slice %arg7[%add3A_68, %dma_wait3A_74] : memref<80x125xi32, #tpu.memory_space<vmem>> -> memref<1x125xi32, #tpu.memory_space<vmem>>
      %dma_wait3A_76 = tpu.memref_squeeze %dma_wait3A_75 : memref<1x125xi32, #tpu.memory_space<vmem>> -> memref<125xi32, #tpu.memory_space<vmem>>
      %dma_wait3A_77 = arith.constant 0 : i32
      %dma_wait3A_78 = arith.constant 0 : i32
      %dma_wait3A_79 = tpu.memref_slice %arg2[%dma_wait3A_77, %dma_wait3A_78] : memref<10000x64xf32, #tpu.memory_space<hbm>> -> memref<10000x64xf32, #tpu.memory_space<hbm>>
      tpu.wait_indirect_dma semaphore(%arg11 : memref<!tpu.dma_semaphore, #tpu.memory_space<semaphore_mem>>) src(%dma_wait3A_79 : memref<10000x64xf32, #tpu.memory_space<hbm>>) dst(%dma_wait3A_73 : memref<125x64xf32, #tpu.memory_space<vmem>>)
      %ge3A = arith.constant 1 : i32
      %ge3A_80 = arith.cmpi sge, %add3A_68, %ge3A : i32
      %convert_element_type3A_81 = arith.extui %ge3A_80 : i1 to i32
      %cond3A_82 = arith.constant 0 : i32
      %cond3A_83 = arith.cmpi ne, %convert_element_type3A_81, %cond3A_82 : i32
      scf.if %cond3A_83 {
        %sub3A = arith.constant 1 : i32
        %sub3A_216 = arith.subi %add3A_68, %sub3A : i32
        %dma_wait3A_217 = arith.constant 3 : i32
        %dma_wait3A_218 = arith.constant 0 : i32
        %dma_wait3A_219 = arith.constant 0 : i32
        %dma_wait3A_220 = tpu.memref_slice %arg9[%dma_wait3A_217, %dma_wait3A_218, %dma_wait3A_219] : memref<4x125x64xf32, #tpu.memory_space<vmem>> -> memref<1x125x64xf32, #tpu.memory_space<vmem>>
        %dma_wait3A_221 = tpu.memref_squeeze %dma_wait3A_220 : memref<1x125x64xf32, #tpu.memory_space<vmem>> -> memref<125x64xf32, #tpu.memory_space<vmem>>
        %dma_wait3A_222 = arith.constant 0 : i32
        %dma_wait3A_223 = tpu.memref_slice %arg8[%sub3A_216, %dma_wait3A_222] : memref<80x125xi32, #tpu.memory_space<vmem>> -> memref<1x125xi32, #tpu.memory_space<vmem>>
        %dma_wait3A_224 = tpu.memref_squeeze %dma_wait3A_223 : memref<1x125xi32, #tpu.memory_space<vmem>> -> memref<125xi32, #tpu.memory_space<vmem>>
        %dma_wait3A_225 = arith.constant 0 : i32
        %dma_wait3A_226 = arith.constant 0 : i32
        %dma_wait3A_227 = tpu.memref_slice %arg10[%dma_wait3A_225, %dma_wait3A_226] : memref<10000x64xf32, #tpu.memory_space<vmem_shared>> -> memref<10000x64xf32, #tpu.memory_space<vmem_shared>>
        tpu.wait_indirect_dma semaphore(%arg18 : memref<!tpu.dma_semaphore, #tpu.memory_space<semaphore_mem>>) src(%dma_wait3A_221 : memref<125x64xf32, #tpu.memory_space<vmem>>) dst(%dma_wait3A_227 : memref<10000x64xf32, #tpu.memory_space<vmem_shared>>)
      } else {
      }
      %add3A_84 = arith.constant 3 : i32
      %add3A_85 = arith.addi %add3A_68, %add3A_84 : i32
      %lt3A = arith.constant 80 : i32
      %lt3A_86 = arith.cmpi slt, %add3A_85, %lt3A : i32
      %convert_element_type3A_87 = arith.extui %lt3A_86 : i1 to i32
      %cond3A_88 = arith.constant 0 : i32
      %cond3A_89 = arith.cmpi ne, %convert_element_type3A_87, %cond3A_88 : i32
      scf.if %cond3A_89 {
        %add3A_216 = arith.constant 3 : i32
        %add3A_217 = arith.addi %add3A_68, %add3A_216 : i32
        %dma_start3A_218 = arith.constant 3 : i32
        %dma_start3A_219 = arith.constant 0 : i32
        %dma_start3A_220 = arith.constant 0 : i32
        %dma_start3A_221 = tpu.memref_slice %arg9[%dma_start3A_218, %dma_start3A_219, %dma_start3A_220] : memref<4x125x64xf32, #tpu.memory_space<vmem>> -> memref<1x125x64xf32, #tpu.memory_space<vmem>>
        %dma_start3A_222 = tpu.memref_squeeze %dma_start3A_221 : memref<1x125x64xf32, #tpu.memory_space<vmem>> -> memref<125x64xf32, #tpu.memory_space<vmem>>
        %dma_start3A_223 = arith.constant 0 : i32
        %dma_start3A_224 = tpu.memref_slice %arg7[%add3A_217, %dma_start3A_223] : memref<80x125xi32, #tpu.memory_space<vmem>> -> memref<1x125xi32, #tpu.memory_space<vmem>>
        %dma_start3A_225 = tpu.memref_squeeze %dma_start3A_224 : memref<1x125xi32, #tpu.memory_space<vmem>> -> memref<125xi32, #tpu.memory_space<vmem>>
        %dma_start3A_226 = arith.constant 0 : i32
        %dma_start3A_227 = arith.constant 0 : i32
        %dma_start3A_228 = tpu.memref_slice %arg2[%dma_start3A_226, %dma_start3A_227] : memref<10000x64xf32, #tpu.memory_space<hbm>> -> memref<10000x64xf32, #tpu.memory_space<hbm>>
        tpu.enqueue_indirect_dma source(%dma_start3A_228 : memref<10000x64xf32, #tpu.memory_space<hbm>>) target(%dma_start3A_222 : memref<125x64xf32, #tpu.memory_space<vmem>>) offsets(%dma_start3A_225 : memref<125xi32, #tpu.memory_space<vmem>>) semaphore(%arg14 : memref<!tpu.dma_semaphore, #tpu.memory_space<semaphore_mem>>)
      } else {
      }
      %dma_start3A_90 = arith.constant 0 : i32
      %dma_start3A_91 = arith.constant 0 : i32
      %dma_start3A_92 = arith.constant 0 : i32
      %dma_start3A_93 = tpu.memref_slice %arg9[%dma_start3A_90, %dma_start3A_91, %dma_start3A_92] : memref<4x125x64xf32, #tpu.memory_space<vmem>> -> memref<1x125x64xf32, #tpu.memory_space<vmem>>
      %dma_start3A_94 = tpu.memref_squeeze %dma_start3A_93 : memref<1x125x64xf32, #tpu.memory_space<vmem>> -> memref<125x64xf32, #tpu.memory_space<vmem>>
      %dma_start3A_95 = arith.constant 0 : i32
      %dma_start3A_96 = tpu.memref_slice %arg8[%add3A_68, %dma_start3A_95] : memref<80x125xi32, #tpu.memory_space<vmem>> -> memref<1x125xi32, #tpu.memory_space<vmem>>
      %dma_start3A_97 = tpu.memref_squeeze %dma_start3A_96 : memref<1x125xi32, #tpu.memory_space<vmem>> -> memref<125xi32, #tpu.memory_space<vmem>>
      %dma_start3A_98 = arith.constant 0 : i32
      %dma_start3A_99 = arith.constant 0 : i32
      %dma_start3A_100 = tpu.memref_slice %arg10[%dma_start3A_98, %dma_start3A_99] : memref<10000x64xf32, #tpu.memory_space<vmem_shared>> -> memref<10000x64xf32, #tpu.memory_space<vmem_shared>>
      tpu.enqueue_indirect_dma source(%dma_start3A_94 : memref<125x64xf32, #tpu.memory_space<vmem>>) target(%dma_start3A_100 : memref<10000x64xf32, #tpu.memory_space<vmem_shared>>) offsets(%dma_start3A_97 : memref<125xi32, #tpu.memory_space<vmem>>) semaphore(%arg15 : memref<!tpu.dma_semaphore, #tpu.memory_space<semaphore_mem>>) {add = true}
      %mul3A_101 = arith.constant 4 : i32
      %mul3A_102 = arith.muli %scan3A_63, %mul3A_101 : i32
      %add3A_103 = arith.constant 1 : i32
      %add3A_104 = arith.addi %mul3A_102, %add3A_103 : i32
      %dma_wait3A_105 = arith.constant 1 : i32
      %dma_wait3A_106 = arith.constant 0 : i32
      %dma_wait3A_107 = arith.constant 0 : i32
      %dma_wait3A_108 = tpu.memref_slice %arg9[%dma_wait3A_105, %dma_wait3A_106, %dma_wait3A_107] : memref<4x125x64xf32, #tpu.memory_space<vmem>> -> memref<1x125x64xf32, #tpu.memory_space<vmem>>
      %dma_wait3A_109 = tpu.memref_squeeze %dma_wait3A_108 : memref<1x125x64xf32, #tpu.memory_space<vmem>> -> memref<125x64xf32, #tpu.memory_space<vmem>>
      %dma_wait3A_110 = arith.constant 0 : i32
      %dma_wait3A_111 = tpu.memref_slice %arg7[%add3A_104, %dma_wait3A_110] : memref<80x125xi32, #tpu.memory_space<vmem>> -> memref<1x125xi32, #tpu.memory_space<vmem>>
      %dma_wait3A_112 = tpu.memref_squeeze %dma_wait3A_111 : memref<1x125xi32, #tpu.memory_space<vmem>> -> memref<125xi32, #tpu.memory_space<vmem>>
      %dma_wait3A_113 = arith.constant 0 : i32
      %dma_wait3A_114 = arith.constant 0 : i32
      %dma_wait3A_115 = tpu.memref_slice %arg2[%dma_wait3A_113, %dma_wait3A_114] : memref<10000x64xf32, #tpu.memory_space<hbm>> -> memref<10000x64xf32, #tpu.memory_space<hbm>>
      tpu.wait_indirect_dma semaphore(%arg12 : memref<!tpu.dma_semaphore, #tpu.memory_space<semaphore_mem>>) src(%dma_wait3A_115 : memref<10000x64xf32, #tpu.memory_space<hbm>>) dst(%dma_wait3A_109 : memref<125x64xf32, #tpu.memory_space<vmem>>)
      %ge3A_116 = arith.constant 1 : i32
      %ge3A_117 = arith.cmpi sge, %add3A_104, %ge3A_116 : i32
      %convert_element_type3A_118 = arith.extui %ge3A_117 : i1 to i32
      %cond3A_119 = arith.constant 0 : i32
      %cond3A_120 = arith.cmpi ne, %convert_element_type3A_118, %cond3A_119 : i32
      scf.if %cond3A_120 {
        %sub3A = arith.constant 1 : i32
        %sub3A_216 = arith.subi %add3A_104, %sub3A : i32
        %dma_wait3A_217 = arith.constant 0 : i32
        %dma_wait3A_218 = arith.constant 0 : i32
        %dma_wait3A_219 = arith.constant 0 : i32
        %dma_wait3A_220 = tpu.memref_slice %arg9[%dma_wait3A_217, %dma_wait3A_218, %dma_wait3A_219] : memref<4x125x64xf32, #tpu.memory_space<vmem>> -> memref<1x125x64xf32, #tpu.memory_space<vmem>>
        %dma_wait3A_221 = tpu.memref_squeeze %dma_wait3A_220 : memref<1x125x64xf32, #tpu.memory_space<vmem>> -> memref<125x64xf32, #tpu.memory_space<vmem>>
        %dma_wait3A_222 = arith.constant 0 : i32
        %dma_wait3A_223 = tpu.memref_slice %arg8[%sub3A_216, %dma_wait3A_222] : memref<80x125xi32, #tpu.memory_space<vmem>> -> memref<1x125xi32, #tpu.memory_space<vmem>>
        %dma_wait3A_224 = tpu.memref_squeeze %dma_wait3A_223 : memref<1x125xi32, #tpu.memory_space<vmem>> -> memref<125xi32, #tpu.memory_space<vmem>>
        %dma_wait3A_225 = arith.constant 0 : i32
        %dma_wait3A_226 = arith.constant 0 : i32
        %dma_wait3A_227 = tpu.memref_slice %arg10[%dma_wait3A_225, %dma_wait3A_226] : memref<10000x64xf32, #tpu.memory_space<vmem_shared>> -> memref<10000x64xf32, #tpu.memory_space<vmem_shared>>
        tpu.wait_indirect_dma semaphore(%arg15 : memref<!tpu.dma_semaphore, #tpu.memory_space<semaphore_mem>>) src(%dma_wait3A_221 : memref<125x64xf32, #tpu.memory_space<vmem>>) dst(%dma_wait3A_227 : memref<10000x64xf32, #tpu.memory_space<vmem_shared>>)
      } else {
      }
      %add3A_121 = arith.constant 3 : i32
      %add3A_122 = arith.addi %add3A_104, %add3A_121 : i32
      %lt3A_123 = arith.constant 80 : i32
      %lt3A_124 = arith.cmpi slt, %add3A_122, %lt3A_123 : i32
      %convert_element_type3A_125 = arith.extui %lt3A_124 : i1 to i32
      %cond3A_126 = arith.constant 0 : i32
      %cond3A_127 = arith.cmpi ne, %convert_element_type3A_125, %cond3A_126 : i32
      scf.if %cond3A_127 {
        %add3A_216 = arith.constant 3 : i32
        %add3A_217 = arith.addi %add3A_104, %add3A_216 : i32
        %dma_start3A_218 = arith.constant 0 : i32
        %dma_start3A_219 = arith.constant 0 : i32
        %dma_start3A_220 = arith.constant 0 : i32
        %dma_start3A_221 = tpu.memref_slice %arg9[%dma_start3A_218, %dma_start3A_219, %dma_start3A_220] : memref<4x125x64xf32, #tpu.memory_space<vmem>> -> memref<1x125x64xf32, #tpu.memory_space<vmem>>
        %dma_start3A_222 = tpu.memref_squeeze %dma_start3A_221 : memref<1x125x64xf32, #tpu.memory_space<vmem>> -> memref<125x64xf32, #tpu.memory_space<vmem>>
        %dma_start3A_223 = arith.constant 0 : i32
        %dma_start3A_224 = tpu.memref_slice %arg7[%add3A_217, %dma_start3A_223] : memref<80x125xi32, #tpu.memory_space<vmem>> -> memref<1x125xi32, #tpu.memory_space<vmem>>
        %dma_start3A_225 = tpu.memref_squeeze %dma_start3A_224 : memref<1x125xi32, #tpu.memory_space<vmem>> -> memref<125xi32, #tpu.memory_space<vmem>>
        %dma_start3A_226 = arith.constant 0 : i32
        %dma_start3A_227 = arith.constant 0 : i32
        %dma_start3A_228 = tpu.memref_slice %arg2[%dma_start3A_226, %dma_start3A_227] : memref<10000x64xf32, #tpu.memory_space<hbm>> -> memref<10000x64xf32, #tpu.memory_space<hbm>>
        tpu.enqueue_indirect_dma source(%dma_start3A_228 : memref<10000x64xf32, #tpu.memory_space<hbm>>) target(%dma_start3A_222 : memref<125x64xf32, #tpu.memory_space<vmem>>) offsets(%dma_start3A_225 : memref<125xi32, #tpu.memory_space<vmem>>) semaphore(%arg11 : memref<!tpu.dma_semaphore, #tpu.memory_space<semaphore_mem>>)
      } else {
      }
      %dma_start3A_128 = arith.constant 1 : i32
      %dma_start3A_129 = arith.constant 0 : i32
      %dma_start3A_130 = arith.constant 0 : i32
      %dma_start3A_131 = tpu.memref_slice %arg9[%dma_start3A_128, %dma_start3A_129, %dma_start3A_130] : memref<4x125x64xf32, #tpu.memory_space<vmem>> -> memref<1x125x64xf32, #tpu.memory_space<vmem>>
      %dma_start3A_132 = tpu.memref_squeeze %dma_start3A_131 : memref<1x125x64xf32, #tpu.memory_space<vmem>> -> memref<125x64xf32, #tpu.memory_space<vmem>>
      %dma_start3A_133 = arith.constant 0 : i32
      %dma_start3A_134 = tpu.memref_slice %arg8[%add3A_104, %dma_start3A_133] : memref<80x125xi32, #tpu.memory_space<vmem>> -> memref<1x125xi32, #tpu.memory_space<vmem>>
      %dma_start3A_135 = tpu.memref_squeeze %dma_start3A_134 : memref<1x125xi32, #tpu.memory_space<vmem>> -> memref<125xi32, #tpu.memory_space<vmem>>
      %dma_start3A_136 = arith.constant 0 : i32
      %dma_start3A_137 = arith.constant 0 : i32
      %dma_start3A_138 = tpu.memref_slice %arg10[%dma_start3A_136, %dma_start3A_137] : memref<10000x64xf32, #tpu.memory_space<vmem_shared>> -> memref<10000x64xf32, #tpu.memory_space<vmem_shared>>
      tpu.enqueue_indirect_dma source(%dma_start3A_132 : memref<125x64xf32, #tpu.memory_space<vmem>>) target(%dma_start3A_138 : memref<10000x64xf32, #tpu.memory_space<vmem_shared>>) offsets(%dma_start3A_135 : memref<125xi32, #tpu.memory_space<vmem>>) semaphore(%arg16 : memref<!tpu.dma_semaphore, #tpu.memory_space<semaphore_mem>>) {add = true}
      %mul3A_139 = arith.constant 4 : i32
      %mul3A_140 = arith.muli %scan3A_63, %mul3A_139 : i32
      %add3A_141 = arith.constant 2 : i32
      %add3A_142 = arith.addi %mul3A_140, %add3A_141 : i32
      %dma_wait3A_143 = arith.constant 2 : i32
      %dma_wait3A_144 = arith.constant 0 : i32
      %dma_wait3A_145 = arith.constant 0 : i32
      %dma_wait3A_146 = tpu.memref_slice %arg9[%dma_wait3A_143, %dma_wait3A_144, %dma_wait3A_145] : memref<4x125x64xf32, #tpu.memory_space<vmem>> -> memref<1x125x64xf32, #tpu.memory_space<vmem>>
      %dma_wait3A_147 = tpu.memref_squeeze %dma_wait3A_146 : memref<1x125x64xf32, #tpu.memory_space<vmem>> -> memref<125x64xf32, #tpu.memory_space<vmem>>
      %dma_wait3A_148 = arith.constant 0 : i32
      %dma_wait3A_149 = tpu.memref_slice %arg7[%add3A_142, %dma_wait3A_148] : memref<80x125xi32, #tpu.memory_space<vmem>> -> memref<1x125xi32, #tpu.memory_space<vmem>>
      %dma_wait3A_150 = tpu.memref_squeeze %dma_wait3A_149 : memref<1x125xi32, #tpu.memory_space<vmem>> -> memref<125xi32, #tpu.memory_space<vmem>>
      %dma_wait3A_151 = arith.constant 0 : i32
      %dma_wait3A_152 = arith.constant 0 : i32
      %dma_wait3A_153 = tpu.memref_slice %arg2[%dma_wait3A_151, %dma_wait3A_152] : memref<10000x64xf32, #tpu.memory_space<hbm>> -> memref<10000x64xf32, #tpu.memory_space<hbm>>
      tpu.wait_indirect_dma semaphore(%arg13 : memref<!tpu.dma_semaphore, #tpu.memory_space<semaphore_mem>>) src(%dma_wait3A_153 : memref<10000x64xf32, #tpu.memory_space<hbm>>) dst(%dma_wait3A_147 : memref<125x64xf32, #tpu.memory_space<vmem>>)
      %ge3A_154 = arith.constant 1 : i32
      %ge3A_155 = arith.cmpi sge, %add3A_142, %ge3A_154 : i32
      %convert_element_type3A_156 = arith.extui %ge3A_155 : i1 to i32
      %cond3A_157 = arith.constant 0 : i32
      %cond3A_158 = arith.cmpi ne, %convert_element_type3A_156, %cond3A_157 : i32
      scf.if %cond3A_158 {
        %sub3A = arith.constant 1 : i32
        %sub3A_216 = arith.subi %add3A_142, %sub3A : i32
        %dma_wait3A_217 = arith.constant 1 : i32
        %dma_wait3A_218 = arith.constant 0 : i32
        %dma_wait3A_219 = arith.constant 0 : i32
        %dma_wait3A_220 = tpu.memref_slice %arg9[%dma_wait3A_217, %dma_wait3A_218, %dma_wait3A_219] : memref<4x125x64xf32, #tpu.memory_space<vmem>> -> memref<1x125x64xf32, #tpu.memory_space<vmem>>
        %dma_wait3A_221 = tpu.memref_squeeze %dma_wait3A_220 : memref<1x125x64xf32, #tpu.memory_space<vmem>> -> memref<125x64xf32, #tpu.memory_space<vmem>>
        %dma_wait3A_222 = arith.constant 0 : i32
        %dma_wait3A_223 = tpu.memref_slice %arg8[%sub3A_216, %dma_wait3A_222] : memref<80x125xi32, #tpu.memory_space<vmem>> -> memref<1x125xi32, #tpu.memory_space<vmem>>
        %dma_wait3A_224 = tpu.memref_squeeze %dma_wait3A_223 : memref<1x125xi32, #tpu.memory_space<vmem>> -> memref<125xi32, #tpu.memory_space<vmem>>
        %dma_wait3A_225 = arith.constant 0 : i32
        %dma_wait3A_226 = arith.constant 0 : i32
        %dma_wait3A_227 = tpu.memref_slice %arg10[%dma_wait3A_225, %dma_wait3A_226] : memref<10000x64xf32, #tpu.memory_space<vmem_shared>> -> memref<10000x64xf32, #tpu.memory_space<vmem_shared>>
        tpu.wait_indirect_dma semaphore(%arg16 : memref<!tpu.dma_semaphore, #tpu.memory_space<semaphore_mem>>) src(%dma_wait3A_221 : memref<125x64xf32, #tpu.memory_space<vmem>>) dst(%dma_wait3A_227 : memref<10000x64xf32, #tpu.memory_space<vmem_shared>>)
      } else {
      }
      %add3A_159 = arith.constant 3 : i32
      %add3A_160 = arith.addi %add3A_142, %add3A_159 : i32
      %lt3A_161 = arith.constant 80 : i32
      %lt3A_162 = arith.cmpi slt, %add3A_160, %lt3A_161 : i32
      %convert_element_type3A_163 = arith.extui %lt3A_162 : i1 to i32
      %cond3A_164 = arith.constant 0 : i32
      %cond3A_165 = arith.cmpi ne, %convert_element_type3A_163, %cond3A_164 : i32
      scf.if %cond3A_165 {
        %add3A_216 = arith.constant 3 : i32
        %add3A_217 = arith.addi %add3A_142, %add3A_216 : i32
        %dma_start3A_218 = arith.constant 1 : i32
        %dma_start3A_219 = arith.constant 0 : i32
        %dma_start3A_220 = arith.constant 0 : i32
        %dma_start3A_221 = tpu.memref_slice %arg9[%dma_start3A_218, %dma_start3A_219, %dma_start3A_220] : memref<4x125x64xf32, #tpu.memory_space<vmem>> -> memref<1x125x64xf32, #tpu.memory_space<vmem>>
        %dma_start3A_222 = tpu.memref_squeeze %dma_start3A_221 : memref<1x125x64xf32, #tpu.memory_space<vmem>> -> memref<125x64xf32, #tpu.memory_space<vmem>>
        %dma_start3A_223 = arith.constant 0 : i32
        %dma_start3A_224 = tpu.memref_slice %arg7[%add3A_217, %dma_start3A_223] : memref<80x125xi32, #tpu.memory_space<vmem>> -> memref<1x125xi32, #tpu.memory_space<vmem>>
        %dma_start3A_225 = tpu.memref_squeeze %dma_start3A_224 : memref<1x125xi32, #tpu.memory_space<vmem>> -> memref<125xi32, #tpu.memory_space<vmem>>
        %dma_start3A_226 = arith.constant 0 : i32
        %dma_start3A_227 = arith.constant 0 : i32
        %dma_start3A_228 = tpu.memref_slice %arg2[%dma_start3A_226, %dma_start3A_227] : memref<10000x64xf32, #tpu.memory_space<hbm>> -> memref<10000x64xf32, #tpu.memory_space<hbm>>
        tpu.enqueue_indirect_dma source(%dma_start3A_228 : memref<10000x64xf32, #tpu.memory_space<hbm>>) target(%dma_start3A_222 : memref<125x64xf32, #tpu.memory_space<vmem>>) offsets(%dma_start3A_225 : memref<125xi32, #tpu.memory_space<vmem>>) semaphore(%arg12 : memref<!tpu.dma_semaphore, #tpu.memory_space<semaphore_mem>>)
      } else {
      }
      %dma_start3A_166 = arith.constant 2 : i32
      %dma_start3A_167 = arith.constant 0 : i32
      %dma_start3A_168 = arith.constant 0 : i32
      %dma_start3A_169 = tpu.memref_slice %arg9[%dma_start3A_166, %dma_start3A_167, %dma_start3A_168] : memref<4x125x64xf32, #tpu.memory_space<vmem>> -> memref<1x125x64xf32, #tpu.memory_space<vmem>>
      %dma_start3A_170 = tpu.memref_squeeze %dma_start3A_169 : memref<1x125x64xf32, #tpu.memory_space<vmem>> -> memref<125x64xf32, #tpu.memory_space<vmem>>
      %dma_start3A_171 = arith.constant 0 : i32
      %dma_start3A_172 = tpu.memref_slice %arg8[%add3A_142, %dma_start3A_171] : memref<80x125xi32, #tpu.memory_space<vmem>> -> memref<1x125xi32, #tpu.memory_space<vmem>>
      %dma_start3A_173 = tpu.memref_squeeze %dma_start3A_172 : memref<1x125xi32, #tpu.memory_space<vmem>> -> memref<125xi32, #tpu.memory_space<vmem>>
      %dma_start3A_174 = arith.constant 0 : i32
      %dma_start3A_175 = arith.constant 0 : i32
      %dma_start3A_176 = tpu.memref_slice %arg10[%dma_start3A_174, %dma_start3A_175] : memref<10000x64xf32, #tpu.memory_space<vmem_shared>> -> memref<10000x64xf32, #tpu.memory_space<vmem_shared>>
      tpu.enqueue_indirect_dma source(%dma_start3A_170 : memref<125x64xf32, #tpu.memory_space<vmem>>) target(%dma_start3A_176 : memref<10000x64xf32, #tpu.memory_space<vmem_shared>>) offsets(%dma_start3A_173 : memref<125xi32, #tpu.memory_space<vmem>>) semaphore(%arg17 : memref<!tpu.dma_semaphore, #tpu.memory_space<semaphore_mem>>) {add = true}
      %mul3A_177 = arith.constant 4 : i32
      %mul3A_178 = arith.muli %scan3A_63, %mul3A_177 : i32
      %add3A_179 = arith.constant 3 : i32
      %add3A_180 = arith.addi %mul3A_178, %add3A_179 : i32
      %dma_wait3A_181 = arith.constant 3 : i32
      %dma_wait3A_182 = arith.constant 0 : i32
      %dma_wait3A_183 = arith.constant 0 : i32
      %dma_wait3A_184 = tpu.memref_slice %arg9[%dma_wait3A_181, %dma_wait3A_182, %dma_wait3A_183] : memref<4x125x64xf32, #tpu.memory_space<vmem>> -> memref<1x125x64xf32, #tpu.memory_space<vmem>>
      %dma_wait3A_185 = tpu.memref_squeeze %dma_wait3A_184 : memref<1x125x64xf32, #tpu.memory_space<vmem>> -> memref<125x64xf32, #tpu.memory_space<vmem>>
      %dma_wait3A_186 = arith.constant 0 : i32
      %dma_wait3A_187 = tpu.memref_slice %arg7[%add3A_180, %dma_wait3A_186] : memref<80x125xi32, #tpu.memory_space<vmem>> -> memref<1x125xi32, #tpu.memory_space<vmem>>
      %dma_wait3A_188 = tpu.memref_squeeze %dma_wait3A_187 : memref<1x125xi32, #tpu.memory_space<vmem>> -> memref<125xi32, #tpu.memory_space<vmem>>
      %dma_wait3A_189 = arith.constant 0 : i32
      %dma_wait3A_190 = arith.constant 0 : i32
      %dma_wait3A_191 = tpu.memref_slice %arg2[%dma_wait3A_189, %dma_wait3A_190] : memref<10000x64xf32, #tpu.memory_space<hbm>> -> memref<10000x64xf32, #tpu.memory_space<hbm>>
      tpu.wait_indirect_dma semaphore(%arg14 : memref<!tpu.dma_semaphore, #tpu.memory_space<semaphore_mem>>) src(%dma_wait3A_191 : memref<10000x64xf32, #tpu.memory_space<hbm>>) dst(%dma_wait3A_185 : memref<125x64xf32, #tpu.memory_space<vmem>>)
      %ge3A_192 = arith.constant 1 : i32
      %ge3A_193 = arith.cmpi sge, %add3A_180, %ge3A_192 : i32
      %convert_element_type3A_194 = arith.extui %ge3A_193 : i1 to i32
      %cond3A_195 = arith.constant 0 : i32
      %cond3A_196 = arith.cmpi ne, %convert_element_type3A_194, %cond3A_195 : i32
      scf.if %cond3A_196 {
        %sub3A = arith.constant 1 : i32
        %sub3A_216 = arith.subi %add3A_180, %sub3A : i32
        %dma_wait3A_217 = arith.constant 2 : i32
        %dma_wait3A_218 = arith.constant 0 : i32
        %dma_wait3A_219 = arith.constant 0 : i32
        %dma_wait3A_220 = tpu.memref_slice %arg9[%dma_wait3A_217, %dma_wait3A_218, %dma_wait3A_219] : memref<4x125x64xf32, #tpu.memory_space<vmem>> -> memref<1x125x64xf32, #tpu.memory_space<vmem>>
        %dma_wait3A_221 = tpu.memref_squeeze %dma_wait3A_220 : memref<1x125x64xf32, #tpu.memory_space<vmem>> -> memref<125x64xf32, #tpu.memory_space<vmem>>
        %dma_wait3A_222 = arith.constant 0 : i32
        %dma_wait3A_223 = tpu.memref_slice %arg8[%sub3A_216, %dma_wait3A_222] : memref<80x125xi32, #tpu.memory_space<vmem>> -> memref<1x125xi32, #tpu.memory_space<vmem>>
        %dma_wait3A_224 = tpu.memref_squeeze %dma_wait3A_223 : memref<1x125xi32, #tpu.memory_space<vmem>> -> memref<125xi32, #tpu.memory_space<vmem>>
        %dma_wait3A_225 = arith.constant 0 : i32
        %dma_wait3A_226 = arith.constant 0 : i32
        %dma_wait3A_227 = tpu.memref_slice %arg10[%dma_wait3A_225, %dma_wait3A_226] : memref<10000x64xf32, #tpu.memory_space<vmem_shared>> -> memref<10000x64xf32, #tpu.memory_space<vmem_shared>>
        tpu.wait_indirect_dma semaphore(%arg17 : memref<!tpu.dma_semaphore, #tpu.memory_space<semaphore_mem>>) src(%dma_wait3A_221 : memref<125x64xf32, #tpu.memory_space<vmem>>) dst(%dma_wait3A_227 : memref<10000x64xf32, #tpu.memory_space<vmem_shared>>)
      } else {
      }
      %add3A_197 = arith.constant 3 : i32
      %add3A_198 = arith.addi %add3A_180, %add3A_197 : i32
      %lt3A_199 = arith.constant 80 : i32
      %lt3A_200 = arith.cmpi slt, %add3A_198, %lt3A_199 : i32
      %convert_element_type3A_201 = arith.extui %lt3A_200 : i1 to i32
      %cond3A_202 = arith.constant 0 : i32
      %cond3A_203 = arith.cmpi ne, %convert_element_type3A_201, %cond3A_202 : i32
      scf.if %cond3A_203 {
        %add3A_216 = arith.constant 3 : i32
        %add3A_217 = arith.addi %add3A_180, %add3A_216 : i32
        %dma_start3A_218 = arith.constant 2 : i32
        %dma_start3A_219 = arith.constant 0 : i32
        %dma_start3A_220 = arith.constant 0 : i32
        %dma_start3A_221 = tpu.memref_slice %arg9[%dma_start3A_218, %dma_start3A_219, %dma_start3A_220] : memref<4x125x64xf32, #tpu.memory_space<vmem>> -> memref<1x125x64xf32, #tpu.memory_space<vmem>>
        %dma_start3A_222 = tpu.memref_squeeze %dma_start3A_221 : memref<1x125x64xf32, #tpu.memory_space<vmem>> -> memref<125x64xf32, #tpu.memory_space<vmem>>
        %dma_start3A_223 = arith.constant 0 : i32
        %dma_start3A_224 = tpu.memref_slice %arg7[%add3A_217, %dma_start3A_223] : memref<80x125xi32, #tpu.memory_space<vmem>> -> memref<1x125xi32, #tpu.memory_space<vmem>>
        %dma_start3A_225 = tpu.memref_squeeze %dma_start3A_224 : memref<1x125xi32, #tpu.memory_space<vmem>> -> memref<125xi32, #tpu.memory_space<vmem>>
        %dma_start3A_226 = arith.constant 0 : i32
        %dma_start3A_227 = arith.constant 0 : i32
        %dma_start3A_228 = tpu.memref_slice %arg2[%dma_start3A_226, %dma_start3A_227] : memref<10000x64xf32, #tpu.memory_space<hbm>> -> memref<10000x64xf32, #tpu.memory_space<hbm>>
        tpu.enqueue_indirect_dma source(%dma_start3A_228 : memref<10000x64xf32, #tpu.memory_space<hbm>>) target(%dma_start3A_222 : memref<125x64xf32, #tpu.memory_space<vmem>>) offsets(%dma_start3A_225 : memref<125xi32, #tpu.memory_space<vmem>>) semaphore(%arg13 : memref<!tpu.dma_semaphore, #tpu.memory_space<semaphore_mem>>)
      } else {
      }
      %dma_start3A_204 = arith.constant 3 : i32
      %dma_start3A_205 = arith.constant 0 : i32
      %dma_start3A_206 = arith.constant 0 : i32
      %dma_start3A_207 = tpu.memref_slice %arg9[%dma_start3A_204, %dma_start3A_205, %dma_start3A_206] : memref<4x125x64xf32, #tpu.memory_space<vmem>> -> memref<1x125x64xf32, #tpu.memory_space<vmem>>
      %dma_start3A_208 = tpu.memref_squeeze %dma_start3A_207 : memref<1x125x64xf32, #tpu.memory_space<vmem>> -> memref<125x64xf32, #tpu.memory_space<vmem>>
      %dma_start3A_209 = arith.constant 0 : i32
      %dma_start3A_210 = tpu.memref_slice %arg8[%add3A_180, %dma_start3A_209] : memref<80x125xi32, #tpu.memory_space<vmem>> -> memref<1x125xi32, #tpu.memory_space<vmem>>
      %dma_start3A_211 = tpu.memref_squeeze %dma_start3A_210 : memref<1x125xi32, #tpu.memory_space<vmem>> -> memref<125xi32, #tpu.memory_space<vmem>>
      %dma_start3A_212 = arith.constant 0 : i32
      %dma_start3A_213 = arith.constant 0 : i32
      %dma_start3A_214 = tpu.memref_slice %arg10[%dma_start3A_212, %dma_start3A_213] : memref<10000x64xf32, #tpu.memory_space<vmem_shared>> -> memref<10000x64xf32, #tpu.memory_space<vmem_shared>>
      tpu.enqueue_indirect_dma source(%dma_start3A_208 : memref<125x64xf32, #tpu.memory_space<vmem>>) target(%dma_start3A_214 : memref<10000x64xf32, #tpu.memory_space<vmem_shared>>) offsets(%dma_start3A_211 : memref<125xi32, #tpu.memory_space<vmem>>) semaphore(%arg18 : memref<!tpu.dma_semaphore, #tpu.memory_space<semaphore_mem>>) {add = true}
      %scan3A_215 = arith.constant 0 : i32
      scf.yield %scan3A_215 : i32
    }
    %scan3A_45 = arith.constant 20 : i32
    %dma_wait3A = arith.constant 3 : i32
    %dma_wait3A_46 = arith.constant 79 : i32
    %dma_wait3A_47 = arith.constant 0 : i32
    %dma_wait3A_48 = arith.constant 0 : i32
    %dma_wait3A_49 = tpu.memref_slice %arg9[%dma_wait3A, %dma_wait3A_47, %dma_wait3A_48] : memref<4x125x64xf32, #tpu.memory_space<vmem>> -> memref<1x125x64xf32, #tpu.memory_space<vmem>>
    %dma_wait3A_50 = tpu.memref_squeeze %dma_wait3A_49 : memref<1x125x64xf32, #tpu.memory_space<vmem>> -> memref<125x64xf32, #tpu.memory_space<vmem>>
    %dma_wait3A_51 = arith.constant 0 : i32
    %dma_wait3A_52 = tpu.memref_slice %arg8[%dma_wait3A_46, %dma_wait3A_51] : memref<80x125xi32, #tpu.memory_space<vmem>> -> memref<1x125xi32, #tpu.memory_space<vmem>>
    %dma_wait3A_53 = tpu.memref_squeeze %dma_wait3A_52 : memref<1x125xi32, #tpu.memory_space<vmem>> -> memref<125xi32, #tpu.memory_space<vmem>>
    %dma_wait3A_54 = arith.constant 0 : i32
    %dma_wait3A_55 = arith.constant 0 : i32
    %dma_wait3A_56 = tpu.memref_slice %arg10[%dma_wait3A_54, %dma_wait3A_55] : memref<10000x64xf32, #tpu.memory_space<vmem_shared>> -> memref<10000x64xf32, #tpu.memory_space<vmem_shared>>
    tpu.wait_indirect_dma semaphore(%arg18 : memref<!tpu.dma_semaphore, #tpu.memory_space<semaphore_mem>>) src(%dma_wait3A_50 : memref<125x64xf32, #tpu.memory_space<vmem>>) dst(%dma_wait3A_56 : memref<10000x64xf32, #tpu.memory_space<vmem_shared>>)
    %barrier3A_57 = arith.constant 0 : index
    tpu.barrier barrier_id(%barrier3A_57)
    "tpu.region"() ({
      %run_scoped3A = tpu.sem_alloc : memref<!tpu.dma_semaphore, #tpu.memory_space<semaphore_mem>>
      %dma_start3A_63 = arith.constant 0 : i32
      %dma_start3A_64 = tpu.memref_slice %arg6[%arg0, %multiple_of3A, %dma_start3A_63] : memref<2x10000x64xf32, #tpu.memory_space<hbm>> -> memref<1x624x64xf32, #tpu.memory_space<hbm>>
      %dma_start3A_65 = tpu.memref_squeeze %dma_start3A_64 : memref<1x624x64xf32, #tpu.memory_space<hbm>> -> memref<624x64xf32, #tpu.memory_space<hbm>>
      %dma_start3A_66 = arith.constant 0 : i32
      %dma_start3A_67 = tpu.memref_slice %arg10[%multiple_of3A, %dma_start3A_66] : memref<10000x64xf32, #tpu.memory_space<vmem_shared>> -> memref<624x64xf32, #tpu.memory_space<vmem_shared>>
      tpu.enqueue_dma source(%dma_start3A_67 : memref<624x64xf32, #tpu.memory_space<vmem_shared>>) target(%dma_start3A_65 : memref<624x64xf32, #tpu.memory_space<hbm>>) target_semaphore(%run_scoped3A : memref<!tpu.dma_semaphore, #tpu.memory_space<semaphore_mem>>)
      %dma_wait3A_68 = arith.constant 0 : i32
      %dma_wait3A_69 = tpu.memref_slice %arg6[%arg0, %multiple_of3A, %dma_wait3A_68] : memref<2x10000x64xf32, #tpu.memory_space<hbm>> -> memref<1x624x64xf32, #tpu.memory_space<hbm>>
      %dma_wait3A_70 = tpu.memref_squeeze %dma_wait3A_69 : memref<1x624x64xf32, #tpu.memory_space<hbm>> -> memref<624x64xf32, #tpu.memory_space<hbm>>
      %dma_wait3A_71 = arith.constant 0 : i32
      %dma_wait3A_72 = tpu.memref_slice %arg10[%multiple_of3A, %dma_wait3A_71] : memref<10000x64xf32, #tpu.memory_space<vmem_shared>> -> memref<624x64xf32, #tpu.memory_space<vmem_shared>>
      tpu.wait_dma2 semaphore(%run_scoped3A : memref<!tpu.dma_semaphore, #tpu.memory_space<semaphore_mem>>) src(%dma_wait3A_72 : memref<624x64xf32, #tpu.memory_space<vmem_shared>>) dst(%dma_wait3A_70 : memref<624x64xf32, #tpu.memory_space<hbm>>)
      tpu.yield
    }) : () -> ()
    %eq3A_58 = arith.constant 15 : i32
    %eq3A_59 = arith.cmpi eq, %arg1, %eq3A_58 : i32
    %convert_element_type3A_60 = arith.extui %eq3A_59 : i1 to i32
    %cond3A_61 = arith.constant 0 : i32
    %cond3A_62 = arith.cmpi ne, %convert_element_type3A_60, %cond3A_61 : i32
    scf.if %cond3A_62 {
      "tpu.region"() ({
        %run_scoped3A = tpu.sem_alloc : memref<!tpu.dma_semaphore, #tpu.memory_space<semaphore_mem>>
        %dma_start3A_63 = arith.constant 9984 : i32
        %dma_start3A_64 = arith.constant 0 : i32
        %dma_start3A_65 = tpu.memref_slice %arg6[%arg0, %dma_start3A_63, %dma_start3A_64] : memref<2x10000x64xf32, #tpu.memory_space<hbm>> -> memref<1x16x64xf32, #tpu.memory_space<hbm>>
        %dma_start3A_66 = tpu.memref_squeeze %dma_start3A_65 : memref<1x16x64xf32, #tpu.memory_space<hbm>> -> memref<16x64xf32, #tpu.memory_space<hbm>>
        %dma_start3A_67 = arith.constant 9984 : i32
        %dma_start3A_68 = arith.constant 0 : i32
        %dma_start3A_69 = tpu.memref_slice %arg10[%dma_start3A_67, %dma_start3A_68] : memref<10000x64xf32, #tpu.memory_space<vmem_shared>> -> memref<16x64xf32, #tpu.memory_space<vmem_shared>>
        tpu.enqueue_dma source(%dma_start3A_69 : memref<16x64xf32, #tpu.memory_space<vmem_shared>>) target(%dma_start3A_66 : memref<16x64xf32, #tpu.memory_space<hbm>>) target_semaphore(%run_scoped3A : memref<!tpu.dma_semaphore, #tpu.memory_space<semaphore_mem>>)
        %dma_wait3A_70 = arith.constant 9984 : i32
        %dma_wait3A_71 = arith.constant 0 : i32
        %dma_wait3A_72 = tpu.memref_slice %arg6[%arg0, %dma_wait3A_70, %dma_wait3A_71] : memref<2x10000x64xf32, #tpu.memory_space<hbm>> -> memref<1x16x64xf32, #tpu.memory_space<hbm>>
        %dma_wait3A_73 = tpu.memref_squeeze %dma_wait3A_72 : memref<1x16x64xf32, #tpu.memory_space<hbm>> -> memref<16x64xf32, #tpu.memory_space<hbm>>
        %dma_wait3A_74 = arith.constant 9984 : i32
        %dma_wait3A_75 = arith.constant 0 : i32
        %dma_wait3A_76 = tpu.memref_slice %arg10[%dma_wait3A_74, %dma_wait3A_75] : memref<10000x64xf32, #tpu.memory_space<vmem_shared>> -> memref<16x64xf32, #tpu.memory_space<vmem_shared>>
        tpu.wait_dma2 semaphore(%run_scoped3A : memref<!tpu.dma_semaphore, #tpu.memory_space<semaphore_mem>>) src(%dma_wait3A_76 : memref<16x64xf32, #tpu.memory_space<vmem_shared>>) dst(%dma_wait3A_73 : memref<16x64xf32, #tpu.memory_space<hbm>>)
        tpu.yield
      }) : () -> ()
    } else {
    }
    return
  }
}

#map = affine_map<(d0, d1) -> (0, 0)>
#map1 = affine_map<(d0, d1) -> (0, 0, 0)>
module attributes {stable_mosaic.version = 14 : i64} {
  func.func @k(%arg0: i32, %arg1: i32, %arg2: memref<10000x64xf32, #tpu.memory_space<hbm>>, %arg3: memref<32x80x125xi32, #tpu.memory_space<hbm>>, %arg4: memref<32x80x125xi32, #tpu.memory_space<hbm>>, %arg5: memref<10000x64xf32, #tpu.memory_space<hbm>>, %arg6: memref<2x10000x64xf32, #tpu.memory_space<hbm>>, %arg7: memref<80x125xi32, #tpu.memory_space<vmem>>, %arg8: memref<80x125xi32, #tpu.memory_space<vmem>>, %arg9: memref<4x125x64xf32, #tpu.memory_space<vmem>>, %arg10: memref<10000x64xf32, #tpu.memory_space<vmem_shared>>, %arg11: memref<!tpu.dma_semaphore, #tpu.memory_space<semaphore_mem>>, %arg12: memref<!tpu.dma_semaphore, #tpu.memory_space<semaphore_mem>>, %arg13: memref<!tpu.dma_semaphore, #tpu.memory_space<semaphore_mem>>, %arg14: memref<!tpu.dma_semaphore, #tpu.memory_space<semaphore_mem>>, %arg15: memref<!tpu.dma_semaphore, #tpu.memory_space<semaphore_mem>>, %arg16: memref<!tpu.dma_semaphore, #tpu.memory_space<semaphore_mem>>, %arg17: memref<!tpu.dma_semaphore, #tpu.memory_space<semaphore_mem>>, %arg18: memref<!tpu.dma_semaphore, #tpu.memory_space<semaphore_mem>>) attributes {dimension_semantics = [#tpu.dimension_semantics<core_parallel>, #tpu.dimension_semantics<subcore_parallel>], iteration_bounds = array<i64: 2, 16>, scalar_prefetch = 0 : i64, scratch_operands = 12 : i64, tpu.core_type = #tpu.core_type<sc_vector_subcore>, window_params = [{transform_indices = #map}, {transform_indices = #map1}, {transform_indices = #map1}, {transform_indices = #map}, {transform_indices = #map1}]} {
    %mul3A = arith.constant 2 : i32
    %mul3A_0 = arith.muli %arg1, %mul3A : i32
    %add3A = arith.addi %mul3A_0, %arg0 : i32
    "tpu.region"() ({
      %run_scoped3A = tpu.sem_alloc : memref<!tpu.dma_semaphore, #tpu.memory_space<semaphore_mem>>
      %dma_start3A_63 = arith.constant 0 : i32
      %dma_start3A_64 = arith.constant 0 : i32
      %dma_start3A_65 = tpu.memref_slice %arg3[%add3A, %dma_start3A_63, %dma_start3A_64] : memref<32x80x125xi32, #tpu.memory_space<hbm>> -> memref<1x80x125xi32, #tpu.memory_space<hbm>>
      %dma_start3A_66 = tpu.memref_squeeze %dma_start3A_65 : memref<1x80x125xi32, #tpu.memory_space<hbm>> -> memref<80x125xi32, #tpu.memory_space<hbm>>
      %dma_start3A_67 = arith.constant 0 : i32
      %dma_start3A_68 = arith.constant 0 : i32
      %dma_start3A_69 = tpu.memref_slice %arg3[%add3A, %dma_start3A_67, %dma_start3A_68] : memref<32x80x125xi32, #tpu.memory_space<hbm>> -> memref<1x80x125xi32, #tpu.memory_space<hbm>>
      %dma_start3A_70 = tpu.memref_squeeze %dma_start3A_69 : memref<1x80x125xi32, #tpu.memory_space<hbm>> -> memref<80x125xi32, #tpu.memory_space<hbm>>
      tpu.enqueue_dma source(%dma_start3A_70 : memref<80x125xi32, #tpu.memory_space<hbm>>) target(%arg7 : memref<80x125xi32, #tpu.memory_space<vmem>>) target_semaphore(%run_scoped3A : memref<!tpu.dma_semaphore, #tpu.memory_space<semaphore_mem>>)
      %dma_wait3A_71 = arith.constant 0 : i32
      %dma_wait3A_72 = arith.constant 0 : i32
      %dma_wait3A_73 = tpu.memref_slice %arg3[%add3A, %dma_wait3A_71, %dma_wait3A_72] : memref<32x80x125xi32, #tpu.memory_space<hbm>> -> memref<1x80x125xi32, #tpu.memory_space<hbm>>
      %dma_wait3A_74 = tpu.memref_squeeze %dma_wait3A_73 : memref<1x80x125xi32, #tpu.memory_space<hbm>> -> memref<80x125xi32, #tpu.memory_space<hbm>>
      %dma_wait3A_75 = arith.constant 0 : i32
      %dma_wait3A_76 = arith.constant 0 : i32
      %dma_wait3A_77 = tpu.memref_slice %arg3[%add3A, %dma_wait3A_75, %dma_wait3A_76] : memref<32x80x125xi32, #tpu.memory_space<hbm>> -> memref<1x80x125xi32, #tpu.memory_space<hbm>>
      %dma_wait3A_78 = tpu.memref_squeeze %dma_wait3A_77 : memref<1x80x125xi32, #tpu.memory_space<hbm>> -> memref<80x125xi32, #tpu.memory_space<hbm>>
      tpu.wait_dma2 semaphore(%run_scoped3A : memref<!tpu.dma_semaphore, #tpu.memory_space<semaphore_mem>>) src(%dma_wait3A_78 : memref<80x125xi32, #tpu.memory_space<hbm>>) dst(%arg7 : memref<80x125xi32, #tpu.memory_space<vmem>>)
      tpu.yield
    }) : () -> ()
    "tpu.region"() ({
      %run_scoped3A = tpu.sem_alloc : memref<!tpu.dma_semaphore, #tpu.memory_space<semaphore_mem>>
      %dma_start3A_63 = arith.constant 0 : i32
      %dma_start3A_64 = arith.constant 0 : i32
      %dma_start3A_65 = tpu.memref_slice %arg4[%add3A, %dma_start3A_63, %dma_start3A_64] : memref<32x80x125xi32, #tpu.memory_space<hbm>> -> memref<1x80x125xi32, #tpu.memory_space<hbm>>
      %dma_start3A_66 = tpu.memref_squeeze %dma_start3A_65 : memref<1x80x125xi32, #tpu.memory_space<hbm>> -> memref<80x125xi32, #tpu.memory_space<hbm>>
      %dma_start3A_67 = arith.constant 0 : i32
      %dma_start3A_68 = arith.constant 0 : i32
      %dma_start3A_69 = tpu.memref_slice %arg4[%add3A, %dma_start3A_67, %dma_start3A_68] : memref<32x80x125xi32, #tpu.memory_space<hbm>> -> memref<1x80x125xi32, #tpu.memory_space<hbm>>
      %dma_start3A_70 = tpu.memref_squeeze %dma_start3A_69 : memref<1x80x125xi32, #tpu.memory_space<hbm>> -> memref<80x125xi32, #tpu.memory_space<hbm>>
      tpu.enqueue_dma source(%dma_start3A_70 : memref<80x125xi32, #tpu.memory_space<hbm>>) target(%arg8 : memref<80x125xi32, #tpu.memory_space<vmem>>) target_semaphore(%run_scoped3A : memref<!tpu.dma_semaphore, #tpu.memory_space<semaphore_mem>>)
      %dma_wait3A_71 = arith.constant 0 : i32
      %dma_wait3A_72 = arith.constant 0 : i32
      %dma_wait3A_73 = tpu.memref_slice %arg4[%add3A, %dma_wait3A_71, %dma_wait3A_72] : memref<32x80x125xi32, #tpu.memory_space<hbm>> -> memref<1x80x125xi32, #tpu.memory_space<hbm>>
      %dma_wait3A_74 = tpu.memref_squeeze %dma_wait3A_73 : memref<1x80x125xi32, #tpu.memory_space<hbm>> -> memref<80x125xi32, #tpu.memory_space<hbm>>
      %dma_wait3A_75 = arith.constant 0 : i32
      %dma_wait3A_76 = arith.constant 0 : i32
      %dma_wait3A_77 = tpu.memref_slice %arg4[%add3A, %dma_wait3A_75, %dma_wait3A_76] : memref<32x80x125xi32, #tpu.memory_space<hbm>> -> memref<1x80x125xi32, #tpu.memory_space<hbm>>
      %dma_wait3A_78 = tpu.memref_squeeze %dma_wait3A_77 : memref<1x80x125xi32, #tpu.memory_space<hbm>> -> memref<80x125xi32, #tpu.memory_space<hbm>>
      tpu.wait_dma2 semaphore(%run_scoped3A : memref<!tpu.dma_semaphore, #tpu.memory_space<semaphore_mem>>) src(%dma_wait3A_78 : memref<80x125xi32, #tpu.memory_space<hbm>>) dst(%arg8 : memref<80x125xi32, #tpu.memory_space<vmem>>)
      tpu.yield
    }) : () -> ()
    %dma_start3A = arith.constant 0 : i32
    %dma_start3A_1 = arith.constant 0 : i32
    %dma_start3A_2 = arith.constant 0 : i32
    %dma_start3A_3 = arith.constant 0 : i32
    %dma_start3A_4 = tpu.memref_slice %arg9[%dma_start3A_1, %dma_start3A_2, %dma_start3A_3] : memref<4x125x64xf32, #tpu.memory_space<vmem>> -> memref<1x125x64xf32, #tpu.memory_space<vmem>>
    %dma_start3A_5 = tpu.memref_squeeze %dma_start3A_4 : memref<1x125x64xf32, #tpu.memory_space<vmem>> -> memref<125x64xf32, #tpu.memory_space<vmem>>
    %dma_start3A_6 = arith.constant 0 : i32
    %dma_start3A_7 = tpu.memref_slice %arg7[%dma_start3A, %dma_start3A_6] : memref<80x125xi32, #tpu.memory_space<vmem>> -> memref<1x125xi32, #tpu.memory_space<vmem>>
    %dma_start3A_8 = tpu.memref_squeeze %dma_start3A_7 : memref<1x125xi32, #tpu.memory_space<vmem>> -> memref<125xi32, #tpu.memory_space<vmem>>
    %dma_start3A_9 = arith.constant 0 : i32
    %dma_start3A_10 = arith.constant 0 : i32
    %dma_start3A_11 = tpu.memref_slice %arg2[%dma_start3A_9, %dma_start3A_10] : memref<10000x64xf32, #tpu.memory_space<hbm>> -> memref<10000x64xf32, #tpu.memory_space<hbm>>
    tpu.enqueue_indirect_dma source(%dma_start3A_11 : memref<10000x64xf32, #tpu.memory_space<hbm>>) target(%dma_start3A_5 : memref<125x64xf32, #tpu.memory_space<vmem>>) offsets(%dma_start3A_8 : memref<125xi32, #tpu.memory_space<vmem>>) semaphore(%arg11 : memref<!tpu.dma_semaphore, #tpu.memory_space<semaphore_mem>>)
    %dma_start3A_12 = arith.constant 1 : i32
    %dma_start3A_13 = arith.constant 1 : i32
    %dma_start3A_14 = arith.constant 0 : i32
    %dma_start3A_15 = arith.constant 0 : i32
    %dma_start3A_16 = tpu.memref_slice %arg9[%dma_start3A_13, %dma_start3A_14, %dma_start3A_15] : memref<4x125x64xf32, #tpu.memory_space<vmem>> -> memref<1x125x64xf32, #tpu.memory_space<vmem>>
    %dma_start3A_17 = tpu.memref_squeeze %dma_start3A_16 : memref<1x125x64xf32, #tpu.memory_space<vmem>> -> memref<125x64xf32, #tpu.memory_space<vmem>>
    %dma_start3A_18 = arith.constant 0 : i32
    %dma_start3A_19 = tpu.memref_slice %arg7[%dma_start3A_12, %dma_start3A_18] : memref<80x125xi32, #tpu.memory_space<vmem>> -> memref<1x125xi32, #tpu.memory_space<vmem>>
    %dma_start3A_20 = tpu.memref_squeeze %dma_start3A_19 : memref<1x125xi32, #tpu.memory_space<vmem>> -> memref<125xi32, #tpu.memory_space<vmem>>
    %dma_start3A_21 = arith.constant 0 : i32
    %dma_start3A_22 = arith.constant 0 : i32
    %dma_start3A_23 = tpu.memref_slice %arg2[%dma_start3A_21, %dma_start3A_22] : memref<10000x64xf32, #tpu.memory_space<hbm>> -> memref<10000x64xf32, #tpu.memory_space<hbm>>
    tpu.enqueue_indirect_dma source(%dma_start3A_23 : memref<10000x64xf32, #tpu.memory_space<hbm>>) target(%dma_start3A_17 : memref<125x64xf32, #tpu.memory_space<vmem>>) offsets(%dma_start3A_20 : memref<125xi32, #tpu.memory_space<vmem>>) semaphore(%arg12 : memref<!tpu.dma_semaphore, #tpu.memory_space<semaphore_mem>>)
    %dma_start3A_24 = arith.constant 2 : i32
    %dma_start3A_25 = arith.constant 2 : i32
    %dma_start3A_26 = arith.constant 0 : i32
    %dma_start3A_27 = arith.constant 0 : i32
    %dma_start3A_28 = tpu.memref_slice %arg9[%dma_start3A_25, %dma_start3A_26, %dma_start3A_27] : memref<4x125x64xf32, #tpu.memory_space<vmem>> -> memref<1x125x64xf32, #tpu.memory_space<vmem>>
    %dma_start3A_29 = tpu.memref_squeeze %dma_start3A_28 : memref<1x125x64xf32, #tpu.memory_space<vmem>> -> memref<125x64xf32, #tpu.memory_space<vmem>>
    %dma_start3A_30 = arith.constant 0 : i32
    %dma_start3A_31 = tpu.memref_slice %arg7[%dma_start3A_24, %dma_start3A_30] : memref<80x125xi32, #tpu.memory_space<vmem>> -> memref<1x125xi32, #tpu.memory_space<vmem>>
    %dma_start3A_32 = tpu.memref_squeeze %dma_start3A_31 : memref<1x125xi32, #tpu.memory_space<vmem>> -> memref<125xi32, #tpu.memory_space<vmem>>
    %dma_start3A_33 = arith.constant 0 : i32
    %dma_start3A_34 = arith.constant 0 : i32
    %dma_start3A_35 = tpu.memref_slice %arg2[%dma_start3A_33, %dma_start3A_34] : memref<10000x64xf32, #tpu.memory_space<hbm>> -> memref<10000x64xf32, #tpu.memory_space<hbm>>
    tpu.enqueue_indirect_dma source(%dma_start3A_35 : memref<10000x64xf32, #tpu.memory_space<hbm>>) target(%dma_start3A_29 : memref<125x64xf32, #tpu.memory_space<vmem>>) offsets(%dma_start3A_32 : memref<125xi32, #tpu.memory_space<vmem>>) semaphore(%arg13 : memref<!tpu.dma_semaphore, #tpu.memory_space<semaphore_mem>>)
    %mul3A_36 = arith.constant 624 : i32
    %mul3A_37 = arith.muli %arg1, %mul3A_36 : i32
    %multiple_of3A = tpu.assume_multiple %mul3A_37, 8 : i32
    "tpu.region"() ({
      %run_scoped3A = tpu.sem_alloc : memref<!tpu.dma_semaphore, #tpu.memory_space<semaphore_mem>>
      %dma_start3A_63 = arith.constant 0 : i32
      %dma_start3A_64 = tpu.memref_slice %arg10[%multiple_of3A, %dma_start3A_63] : memref<10000x64xf32, #tpu.memory_space<vmem_shared>> -> memref<624x64xf32, #tpu.memory_space<vmem_shared>>
      %dma_start3A_65 = arith.constant 0 : i32
      %dma_start3A_66 = tpu.memref_slice %arg5[%multiple_of3A, %dma_start3A_65] : memref<10000x64xf32, #tpu.memory_space<hbm>> -> memref<624x64xf32, #tpu.memory_space<hbm>>
      tpu.enqueue_dma source(%dma_start3A_66 : memref<624x64xf32, #tpu.memory_space<hbm>>) target(%dma_start3A_64 : memref<624x64xf32, #tpu.memory_space<vmem_shared>>) target_semaphore(%run_scoped3A : memref<!tpu.dma_semaphore, #tpu.memory_space<semaphore_mem>>)
      %dma_wait3A_67 = arith.constant 0 : i32
      %dma_wait3A_68 = tpu.memref_slice %arg10[%multiple_of3A, %dma_wait3A_67] : memref<10000x64xf32, #tpu.memory_space<vmem_shared>> -> memref<624x64xf32, #tpu.memory_space<vmem_shared>>
      %dma_wait3A_69 = arith.constant 0 : i32
      %dma_wait3A_70 = tpu.memref_slice %arg5[%multiple_of3A, %dma_wait3A_69] : memref<10000x64xf32, #tpu.memory_space<hbm>> -> memref<624x64xf32, #tpu.memory_space<hbm>>
      tpu.wait_dma2 semaphore(%run_scoped3A : memref<!tpu.dma_semaphore, #tpu.memory_space<semaphore_mem>>) src(%dma_wait3A_70 : memref<624x64xf32, #tpu.memory_space<hbm>>) dst(%dma_wait3A_68 : memref<624x64xf32, #tpu.memory_space<vmem_shared>>)
      tpu.yield
    }) : () -> ()
    %eq3A = arith.constant 15 : i32
    %eq3A_38 = arith.cmpi eq, %arg1, %eq3A : i32
    %convert_element_type3A = arith.extui %eq3A_38 : i1 to i32
    %cond3A = arith.constant 0 : i32
    %cond3A_39 = arith.cmpi ne, %convert_element_type3A, %cond3A : i32
    scf.if %cond3A_39 {
      "tpu.region"() ({
        %run_scoped3A = tpu.sem_alloc : memref<!tpu.dma_semaphore, #tpu.memory_space<semaphore_mem>>
        %dma_start3A_63 = arith.constant 9984 : i32
        %dma_start3A_64 = arith.constant 0 : i32
        %dma_start3A_65 = tpu.memref_slice %arg10[%dma_start3A_63, %dma_start3A_64] : memref<10000x64xf32, #tpu.memory_space<vmem_shared>> -> memref<16x64xf32, #tpu.memory_space<vmem_shared>>
        %dma_start3A_66 = arith.constant 9984 : i32
        %dma_start3A_67 = arith.constant 0 : i32
        %dma_start3A_68 = tpu.memref_slice %arg5[%dma_start3A_66, %dma_start3A_67] : memref<10000x64xf32, #tpu.memory_space<hbm>> -> memref<16x64xf32, #tpu.memory_space<hbm>>
        tpu.enqueue_dma source(%dma_start3A_68 : memref<16x64xf32, #tpu.memory_space<hbm>>) target(%dma_start3A_65 : memref<16x64xf32, #tpu.memory_space<vmem_shared>>) target_semaphore(%run_scoped3A : memref<!tpu.dma_semaphore, #tpu.memory_space<semaphore_mem>>)
        %dma_wait3A_69 = arith.constant 9984 : i32
        %dma_wait3A_70 = arith.constant 0 : i32
        %dma_wait3A_71 = tpu.memref_slice %arg10[%dma_wait3A_69, %dma_wait3A_70] : memref<10000x64xf32, #tpu.memory_space<vmem_shared>> -> memref<16x64xf32, #tpu.memory_space<vmem_shared>>
        %dma_wait3A_72 = arith.constant 9984 : i32
        %dma_wait3A_73 = arith.constant 0 : i32
        %dma_wait3A_74 = tpu.memref_slice %arg5[%dma_wait3A_72, %dma_wait3A_73] : memref<10000x64xf32, #tpu.memory_space<hbm>> -> memref<16x64xf32, #tpu.memory_space<hbm>>
        tpu.wait_dma2 semaphore(%run_scoped3A : memref<!tpu.dma_semaphore, #tpu.memory_space<semaphore_mem>>) src(%dma_wait3A_74 : memref<16x64xf32, #tpu.memory_space<hbm>>) dst(%dma_wait3A_71 : memref<16x64xf32, #tpu.memory_space<vmem_shared>>)
        tpu.yield
      }) : () -> ()
    } else {
    }
    %barrier3A = arith.constant 0 : index
    tpu.barrier barrier_id(%barrier3A)
    %scan3A = arith.constant 0 : i32
    %scan3A_40 = arith.constant 0 : i32
    %scan3A_41 = arith.constant 20 : i32
    %scan3A_42 = arith.addi %scan3A_40, %scan3A_41 : i32
    %scan3A_43 = arith.constant 1 : i32
    %scan3A_44 = scf.for %scan3A_63 = %scan3A_40 to %scan3A_42 step %scan3A_43 iter_args(%scan3A_64 = %scan3A) -> (i32)  : i32 {
      %mul3A_65 = arith.constant 4 : i32
      %mul3A_66 = arith.muli %scan3A_63, %mul3A_65 : i32
      %add3A_67 = arith.constant 0 : i32
      %add3A_68 = arith.addi %mul3A_66, %add3A_67 : i32
      %dma_wait3A_69 = arith.constant 0 : i32
      %dma_wait3A_70 = arith.constant 0 : i32
      %dma_wait3A_71 = arith.constant 0 : i32
      %dma_wait3A_72 = tpu.memref_slice %arg9[%dma_wait3A_69, %dma_wait3A_70, %dma_wait3A_71] : memref<4x125x64xf32, #tpu.memory_space<vmem>> -> memref<1x125x64xf32, #tpu.memory_space<vmem>>
      %dma_wait3A_73 = tpu.memref_squeeze %dma_wait3A_72 : memref<1x125x64xf32, #tpu.memory_space<vmem>> -> memref<125x64xf32, #tpu.memory_space<vmem>>
      %dma_wait3A_74 = arith.constant 0 : i32
      %dma_wait3A_75 = tpu.memref_slice %arg7[%add3A_68, %dma_wait3A_74] : memref<80x125xi32, #tpu.memory_space<vmem>> -> memref<1x125xi32, #tpu.memory_space<vmem>>
      %dma_wait3A_76 = tpu.memref_squeeze %dma_wait3A_75 : memref<1x125xi32, #tpu.memory_space<vmem>> -> memref<125xi32, #tpu.memory_space<vmem>>
      %dma_wait3A_77 = arith.constant 0 : i32
      %dma_wait3A_78 = arith.constant 0 : i32
      %dma_wait3A_79 = tpu.memref_slice %arg2[%dma_wait3A_77, %dma_wait3A_78] : memref<10000x64xf32, #tpu.memory_space<hbm>> -> memref<10000x64xf32, #tpu.memory_space<hbm>>
      tpu.wait_indirect_dma semaphore(%arg11 : memref<!tpu.dma_semaphore, #tpu.memory_space<semaphore_mem>>) src(%dma_wait3A_79 : memref<10000x64xf32, #tpu.memory_space<hbm>>) dst(%dma_wait3A_73 : memref<125x64xf32, #tpu.memory_space<vmem>>)
      %ge3A = arith.constant 1 : i32
      %ge3A_80 = arith.cmpi sge, %add3A_68, %ge3A : i32
      %convert_element_type3A_81 = arith.extui %ge3A_80 : i1 to i32
      %cond3A_82 = arith.constant 0 : i32
      %cond3A_83 = arith.cmpi ne, %convert_element_type3A_81, %cond3A_82 : i32
      scf.if %cond3A_83 {
        %sub3A = arith.constant 1 : i32
        %sub3A_216 = arith.subi %add3A_68, %sub3A : i32
        %dma_wait3A_217 = arith.constant 3 : i32
        %dma_wait3A_218 = arith.constant 0 : i32
        %dma_wait3A_219 = arith.constant 0 : i32
        %dma_wait3A_220 = tpu.memref_slice %arg9[%dma_wait3A_217, %dma_wait3A_218, %dma_wait3A_219] : memref<4x125x64xf32, #tpu.memory_space<vmem>> -> memref<1x125x64xf32, #tpu.memory_space<vmem>>
        %dma_wait3A_221 = tpu.memref_squeeze %dma_wait3A_220 : memref<1x125x64xf32, #tpu.memory_space<vmem>> -> memref<125x64xf32, #tpu.memory_space<vmem>>
        %dma_wait3A_222 = arith.constant 0 : i32
        %dma_wait3A_223 = tpu.memref_slice %arg8[%sub3A_216, %dma_wait3A_222] : memref<80x125xi32, #tpu.memory_space<vmem>> -> memref<1x125xi32, #tpu.memory_space<vmem>>
        %dma_wait3A_224 = tpu.memref_squeeze %dma_wait3A_223 : memref<1x125xi32, #tpu.memory_space<vmem>> -> memref<125xi32, #tpu.memory_space<vmem>>
        %dma_wait3A_225 = arith.constant 0 : i32
        %dma_wait3A_226 = arith.constant 0 : i32
        %dma_wait3A_227 = tpu.memref_slice %arg10[%dma_wait3A_225, %dma_wait3A_226] : memref<10000x64xf32, #tpu.memory_space<vmem_shared>> -> memref<10000x64xf32, #tpu.memory_space<vmem_shared>>
        tpu.wait_indirect_dma semaphore(%arg18 : memref<!tpu.dma_semaphore, #tpu.memory_space<semaphore_mem>>) src(%dma_wait3A_221 : memref<125x64xf32, #tpu.memory_space<vmem>>) dst(%dma_wait3A_227 : memref<10000x64xf32, #tpu.memory_space<vmem_shared>>)
      } else {
      }
      %add3A_84 = arith.constant 3 : i32
      %add3A_85 = arith.addi %add3A_68, %add3A_84 : i32
      %lt3A = arith.constant 80 : i32
      %lt3A_86 = arith.cmpi slt, %add3A_85, %lt3A : i32
      %convert_element_type3A_87 = arith.extui %lt3A_86 : i1 to i32
      %cond3A_88 = arith.constant 0 : i32
      %cond3A_89 = arith.cmpi ne, %convert_element_type3A_87, %cond3A_88 : i32
      scf.if %cond3A_89 {
        %add3A_216 = arith.constant 3 : i32
        %add3A_217 = arith.addi %add3A_68, %add3A_216 : i32
        %dma_start3A_218 = arith.constant 3 : i32
        %dma_start3A_219 = arith.constant 0 : i32
        %dma_start3A_220 = arith.constant 0 : i32
        %dma_start3A_221 = tpu.memref_slice %arg9[%dma_start3A_218, %dma_start3A_219, %dma_start3A_220] : memref<4x125x64xf32, #tpu.memory_space<vmem>> -> memref<1x125x64xf32, #tpu.memory_space<vmem>>
        %dma_start3A_222 = tpu.memref_squeeze %dma_start3A_221 : memref<1x125x64xf32, #tpu.memory_space<vmem>> -> memref<125x64xf32, #tpu.memory_space<vmem>>
        %dma_start3A_223 = arith.constant 0 : i32
        %dma_start3A_224 = tpu.memref_slice %arg7[%add3A_217, %dma_start3A_223] : memref<80x125xi32, #tpu.memory_space<vmem>> -> memref<1x125xi32, #tpu.memory_space<vmem>>
        %dma_start3A_225 = tpu.memref_squeeze %dma_start3A_224 : memref<1x125xi32, #tpu.memory_space<vmem>> -> memref<125xi32, #tpu.memory_space<vmem>>
        %dma_start3A_226 = arith.constant 0 : i32
        %dma_start3A_227 = arith.constant 0 : i32
        %dma_start3A_228 = tpu.memref_slice %arg2[%dma_start3A_226, %dma_start3A_227] : memref<10000x64xf32, #tpu.memory_space<hbm>> -> memref<10000x64xf32, #tpu.memory_space<hbm>>
        tpu.enqueue_indirect_dma source(%dma_start3A_228 : memref<10000x64xf32, #tpu.memory_space<hbm>>) target(%dma_start3A_222 : memref<125x64xf32, #tpu.memory_space<vmem>>) offsets(%dma_start3A_225 : memref<125xi32, #tpu.memory_space<vmem>>) semaphore(%arg14 : memref<!tpu.dma_semaphore, #tpu.memory_space<semaphore_mem>>)
      } else {
      }
      %dma_start3A_90 = arith.constant 0 : i32
      %dma_start3A_91 = arith.constant 0 : i32
      %dma_start3A_92 = arith.constant 0 : i32
      %dma_start3A_93 = tpu.memref_slice %arg9[%dma_start3A_90, %dma_start3A_91, %dma_start3A_92] : memref<4x125x64xf32, #tpu.memory_space<vmem>> -> memref<1x125x64xf32, #tpu.memory_space<vmem>>
      %dma_start3A_94 = tpu.memref_squeeze %dma_start3A_93 : memref<1x125x64xf32, #tpu.memory_space<vmem>> -> memref<125x64xf32, #tpu.memory_space<vmem>>
      %dma_start3A_95 = arith.constant 0 : i32
      %dma_start3A_96 = tpu.memref_slice %arg8[%add3A_68, %dma_start3A_95] : memref<80x125xi32, #tpu.memory_space<vmem>> -> memref<1x125xi32, #tpu.memory_space<vmem>>
      %dma_start3A_97 = tpu.memref_squeeze %dma_start3A_96 : memref<1x125xi32, #tpu.memory_space<vmem>> -> memref<125xi32, #tpu.memory_space<vmem>>
      %dma_start3A_98 = arith.constant 0 : i32
      %dma_start3A_99 = arith.constant 0 : i32
      %dma_start3A_100 = tpu.memref_slice %arg10[%dma_start3A_98, %dma_start3A_99] : memref<10000x64xf32, #tpu.memory_space<vmem_shared>> -> memref<10000x64xf32, #tpu.memory_space<vmem_shared>>
      tpu.enqueue_indirect_dma source(%dma_start3A_94 : memref<125x64xf32, #tpu.memory_space<vmem>>) target(%dma_start3A_100 : memref<10000x64xf32, #tpu.memory_space<vmem_shared>>) offsets(%dma_start3A_97 : memref<125xi32, #tpu.memory_space<vmem>>) semaphore(%arg15 : memref<!tpu.dma_semaphore, #tpu.memory_space<semaphore_mem>>) {add = true}
      %mul3A_101 = arith.constant 4 : i32
      %mul3A_102 = arith.muli %scan3A_63, %mul3A_101 : i32
      %add3A_103 = arith.constant 1 : i32
      %add3A_104 = arith.addi %mul3A_102, %add3A_103 : i32
      %dma_wait3A_105 = arith.constant 1 : i32
      %dma_wait3A_106 = arith.constant 0 : i32
      %dma_wait3A_107 = arith.constant 0 : i32
      %dma_wait3A_108 = tpu.memref_slice %arg9[%dma_wait3A_105, %dma_wait3A_106, %dma_wait3A_107] : memref<4x125x64xf32, #tpu.memory_space<vmem>> -> memref<1x125x64xf32, #tpu.memory_space<vmem>>
      %dma_wait3A_109 = tpu.memref_squeeze %dma_wait3A_108 : memref<1x125x64xf32, #tpu.memory_space<vmem>> -> memref<125x64xf32, #tpu.memory_space<vmem>>
      %dma_wait3A_110 = arith.constant 0 : i32
      %dma_wait3A_111 = tpu.memref_slice %arg7[%add3A_104, %dma_wait3A_110] : memref<80x125xi32, #tpu.memory_space<vmem>> -> memref<1x125xi32, #tpu.memory_space<vmem>>
      %dma_wait3A_112 = tpu.memref_squeeze %dma_wait3A_111 : memref<1x125xi32, #tpu.memory_space<vmem>> -> memref<125xi32, #tpu.memory_space<vmem>>
      %dma_wait3A_113 = arith.constant 0 : i32
      %dma_wait3A_114 = arith.constant 0 : i32
      %dma_wait3A_115 = tpu.memref_slice %arg2[%dma_wait3A_113, %dma_wait3A_114] : memref<10000x64xf32, #tpu.memory_space<hbm>> -> memref<10000x64xf32, #tpu.memory_space<hbm>>
      tpu.wait_indirect_dma semaphore(%arg12 : memref<!tpu.dma_semaphore, #tpu.memory_space<semaphore_mem>>) src(%dma_wait3A_115 : memref<10000x64xf32, #tpu.memory_space<hbm>>) dst(%dma_wait3A_109 : memref<125x64xf32, #tpu.memory_space<vmem>>)
      %ge3A_116 = arith.constant 1 : i32
      %ge3A_117 = arith.cmpi sge, %add3A_104, %ge3A_116 : i32
      %convert_element_type3A_118 = arith.extui %ge3A_117 : i1 to i32
      %cond3A_119 = arith.constant 0 : i32
      %cond3A_120 = arith.cmpi ne, %convert_element_type3A_118, %cond3A_119 : i32
      scf.if %cond3A_120 {
        %sub3A = arith.constant 1 : i32
        %sub3A_216 = arith.subi %add3A_104, %sub3A : i32
        %dma_wait3A_217 = arith.constant 0 : i32
        %dma_wait3A_218 = arith.constant 0 : i32
        %dma_wait3A_219 = arith.constant 0 : i32
        %dma_wait3A_220 = tpu.memref_slice %arg9[%dma_wait3A_217, %dma_wait3A_218, %dma_wait3A_219] : memref<4x125x64xf32, #tpu.memory_space<vmem>> -> memref<1x125x64xf32, #tpu.memory_space<vmem>>
        %dma_wait3A_221 = tpu.memref_squeeze %dma_wait3A_220 : memref<1x125x64xf32, #tpu.memory_space<vmem>> -> memref<125x64xf32, #tpu.memory_space<vmem>>
        %dma_wait3A_222 = arith.constant 0 : i32
        %dma_wait3A_223 = tpu.memref_slice %arg8[%sub3A_216, %dma_wait3A_222] : memref<80x125xi32, #tpu.memory_space<vmem>> -> memref<1x125xi32, #tpu.memory_space<vmem>>
        %dma_wait3A_224 = tpu.memref_squeeze %dma_wait3A_223 : memref<1x125xi32, #tpu.memory_space<vmem>> -> memref<125xi32, #tpu.memory_space<vmem>>
        %dma_wait3A_225 = arith.constant 0 : i32
        %dma_wait3A_226 = arith.constant 0 : i32
        %dma_wait3A_227 = tpu.memref_slice %arg10[%dma_wait3A_225, %dma_wait3A_226] : memref<10000x64xf32, #tpu.memory_space<vmem_shared>> -> memref<10000x64xf32, #tpu.memory_space<vmem_shared>>
        tpu.wait_indirect_dma semaphore(%arg15 : memref<!tpu.dma_semaphore, #tpu.memory_space<semaphore_mem>>) src(%dma_wait3A_221 : memref<125x64xf32, #tpu.memory_space<vmem>>) dst(%dma_wait3A_227 : memref<10000x64xf32, #tpu.memory_space<vmem_shared>>)
      } else {
      }
      %add3A_121 = arith.constant 3 : i32
      %add3A_122 = arith.addi %add3A_104, %add3A_121 : i32
      %lt3A_123 = arith.constant 80 : i32
      %lt3A_124 = arith.cmpi slt, %add3A_122, %lt3A_123 : i32
      %convert_element_type3A_125 = arith.extui %lt3A_124 : i1 to i32
      %cond3A_126 = arith.constant 0 : i32
      %cond3A_127 = arith.cmpi ne, %convert_element_type3A_125, %cond3A_126 : i32
      scf.if %cond3A_127 {
        %add3A_216 = arith.constant 3 : i32
        %add3A_217 = arith.addi %add3A_104, %add3A_216 : i32
        %dma_start3A_218 = arith.constant 0 : i32
        %dma_start3A_219 = arith.constant 0 : i32
        %dma_start3A_220 = arith.constant 0 : i32
        %dma_start3A_221 = tpu.memref_slice %arg9[%dma_start3A_218, %dma_start3A_219, %dma_start3A_220] : memref<4x125x64xf32, #tpu.memory_space<vmem>> -> memref<1x125x64xf32, #tpu.memory_space<vmem>>
        %dma_start3A_222 = tpu.memref_squeeze %dma_start3A_221 : memref<1x125x64xf32, #tpu.memory_space<vmem>> -> memref<125x64xf32, #tpu.memory_space<vmem>>
        %dma_start3A_223 = arith.constant 0 : i32
        %dma_start3A_224 = tpu.memref_slice %arg7[%add3A_217, %dma_start3A_223] : memref<80x125xi32, #tpu.memory_space<vmem>> -> memref<1x125xi32, #tpu.memory_space<vmem>>
        %dma_start3A_225 = tpu.memref_squeeze %dma_start3A_224 : memref<1x125xi32, #tpu.memory_space<vmem>> -> memref<125xi32, #tpu.memory_space<vmem>>
        %dma_start3A_226 = arith.constant 0 : i32
        %dma_start3A_227 = arith.constant 0 : i32
        %dma_start3A_228 = tpu.memref_slice %arg2[%dma_start3A_226, %dma_start3A_227] : memref<10000x64xf32, #tpu.memory_space<hbm>> -> memref<10000x64xf32, #tpu.memory_space<hbm>>
        tpu.enqueue_indirect_dma source(%dma_start3A_228 : memref<10000x64xf32, #tpu.memory_space<hbm>>) target(%dma_start3A_222 : memref<125x64xf32, #tpu.memory_space<vmem>>) offsets(%dma_start3A_225 : memref<125xi32, #tpu.memory_space<vmem>>) semaphore(%arg11 : memref<!tpu.dma_semaphore, #tpu.memory_space<semaphore_mem>>)
      } else {
      }
      %dma_start3A_128 = arith.constant 1 : i32
      %dma_start3A_129 = arith.constant 0 : i32
      %dma_start3A_130 = arith.constant 0 : i32
      %dma_start3A_131 = tpu.memref_slice %arg9[%dma_start3A_128, %dma_start3A_129, %dma_start3A_130] : memref<4x125x64xf32, #tpu.memory_space<vmem>> -> memref<1x125x64xf32, #tpu.memory_space<vmem>>
      %dma_start3A_132 = tpu.memref_squeeze %dma_start3A_131 : memref<1x125x64xf32, #tpu.memory_space<vmem>> -> memref<125x64xf32, #tpu.memory_space<vmem>>
      %dma_start3A_133 = arith.constant 0 : i32
      %dma_start3A_134 = tpu.memref_slice %arg8[%add3A_104, %dma_start3A_133] : memref<80x125xi32, #tpu.memory_space<vmem>> -> memref<1x125xi32, #tpu.memory_space<vmem>>
      %dma_start3A_135 = tpu.memref_squeeze %dma_start3A_134 : memref<1x125xi32, #tpu.memory_space<vmem>> -> memref<125xi32, #tpu.memory_space<vmem>>
      %dma_start3A_136 = arith.constant 0 : i32
      %dma_start3A_137 = arith.constant 0 : i32
      %dma_start3A_138 = tpu.memref_slice %arg10[%dma_start3A_136, %dma_start3A_137] : memref<10000x64xf32, #tpu.memory_space<vmem_shared>> -> memref<10000x64xf32, #tpu.memory_space<vmem_shared>>
      tpu.enqueue_indirect_dma source(%dma_start3A_132 : memref<125x64xf32, #tpu.memory_space<vmem>>) target(%dma_start3A_138 : memref<10000x64xf32, #tpu.memory_space<vmem_shared>>) offsets(%dma_start3A_135 : memref<125xi32, #tpu.memory_space<vmem>>) semaphore(%arg16 : memref<!tpu.dma_semaphore, #tpu.memory_space<semaphore_mem>>) {add = true}
      %mul3A_139 = arith.constant 4 : i32
      %mul3A_140 = arith.muli %scan3A_63, %mul3A_139 : i32
      %add3A_141 = arith.constant 2 : i32
      %add3A_142 = arith.addi %mul3A_140, %add3A_141 : i32
      %dma_wait3A_143 = arith.constant 2 : i32
      %dma_wait3A_144 = arith.constant 0 : i32
      %dma_wait3A_145 = arith.constant 0 : i32
      %dma_wait3A_146 = tpu.memref_slice %arg9[%dma_wait3A_143, %dma_wait3A_144, %dma_wait3A_145] : memref<4x125x64xf32, #tpu.memory_space<vmem>> -> memref<1x125x64xf32, #tpu.memory_space<vmem>>
      %dma_wait3A_147 = tpu.memref_squeeze %dma_wait3A_146 : memref<1x125x64xf32, #tpu.memory_space<vmem>> -> memref<125x64xf32, #tpu.memory_space<vmem>>
      %dma_wait3A_148 = arith.constant 0 : i32
      %dma_wait3A_149 = tpu.memref_slice %arg7[%add3A_142, %dma_wait3A_148] : memref<80x125xi32, #tpu.memory_space<vmem>> -> memref<1x125xi32, #tpu.memory_space<vmem>>
      %dma_wait3A_150 = tpu.memref_squeeze %dma_wait3A_149 : memref<1x125xi32, #tpu.memory_space<vmem>> -> memref<125xi32, #tpu.memory_space<vmem>>
      %dma_wait3A_151 = arith.constant 0 : i32
      %dma_wait3A_152 = arith.constant 0 : i32
      %dma_wait3A_153 = tpu.memref_slice %arg2[%dma_wait3A_151, %dma_wait3A_152] : memref<10000x64xf32, #tpu.memory_space<hbm>> -> memref<10000x64xf32, #tpu.memory_space<hbm>>
      tpu.wait_indirect_dma semaphore(%arg13 : memref<!tpu.dma_semaphore, #tpu.memory_space<semaphore_mem>>) src(%dma_wait3A_153 : memref<10000x64xf32, #tpu.memory_space<hbm>>) dst(%dma_wait3A_147 : memref<125x64xf32, #tpu.memory_space<vmem>>)
      %ge3A_154 = arith.constant 1 : i32
      %ge3A_155 = arith.cmpi sge, %add3A_142, %ge3A_154 : i32
      %convert_element_type3A_156 = arith.extui %ge3A_155 : i1 to i32
      %cond3A_157 = arith.constant 0 : i32
      %cond3A_158 = arith.cmpi ne, %convert_element_type3A_156, %cond3A_157 : i32
      scf.if %cond3A_158 {
        %sub3A = arith.constant 1 : i32
        %sub3A_216 = arith.subi %add3A_142, %sub3A : i32
        %dma_wait3A_217 = arith.constant 1 : i32
        %dma_wait3A_218 = arith.constant 0 : i32
        %dma_wait3A_219 = arith.constant 0 : i32
        %dma_wait3A_220 = tpu.memref_slice %arg9[%dma_wait3A_217, %dma_wait3A_218, %dma_wait3A_219] : memref<4x125x64xf32, #tpu.memory_space<vmem>> -> memref<1x125x64xf32, #tpu.memory_space<vmem>>
        %dma_wait3A_221 = tpu.memref_squeeze %dma_wait3A_220 : memref<1x125x64xf32, #tpu.memory_space<vmem>> -> memref<125x64xf32, #tpu.memory_space<vmem>>
        %dma_wait3A_222 = arith.constant 0 : i32
        %dma_wait3A_223 = tpu.memref_slice %arg8[%sub3A_216, %dma_wait3A_222] : memref<80x125xi32, #tpu.memory_space<vmem>> -> memref<1x125xi32, #tpu.memory_space<vmem>>
        %dma_wait3A_224 = tpu.memref_squeeze %dma_wait3A_223 : memref<1x125xi32, #tpu.memory_space<vmem>> -> memref<125xi32, #tpu.memory_space<vmem>>
        %dma_wait3A_225 = arith.constant 0 : i32
        %dma_wait3A_226 = arith.constant 0 : i32
        %dma_wait3A_227 = tpu.memref_slice %arg10[%dma_wait3A_225, %dma_wait3A_226] : memref<10000x64xf32, #tpu.memory_space<vmem_shared>> -> memref<10000x64xf32, #tpu.memory_space<vmem_shared>>
        tpu.wait_indirect_dma semaphore(%arg16 : memref<!tpu.dma_semaphore, #tpu.memory_space<semaphore_mem>>) src(%dma_wait3A_221 : memref<125x64xf32, #tpu.memory_space<vmem>>) dst(%dma_wait3A_227 : memref<10000x64xf32, #tpu.memory_space<vmem_shared>>)
      } else {
      }
      %add3A_159 = arith.constant 3 : i32
      %add3A_160 = arith.addi %add3A_142, %add3A_159 : i32
      %lt3A_161 = arith.constant 80 : i32
      %lt3A_162 = arith.cmpi slt, %add3A_160, %lt3A_161 : i32
      %convert_element_type3A_163 = arith.extui %lt3A_162 : i1 to i32
      %cond3A_164 = arith.constant 0 : i32
      %cond3A_165 = arith.cmpi ne, %convert_element_type3A_163, %cond3A_164 : i32
      scf.if %cond3A_165 {
        %add3A_216 = arith.constant 3 : i32
        %add3A_217 = arith.addi %add3A_142, %add3A_216 : i32
        %dma_start3A_218 = arith.constant 1 : i32
        %dma_start3A_219 = arith.constant 0 : i32
        %dma_start3A_220 = arith.constant 0 : i32
        %dma_start3A_221 = tpu.memref_slice %arg9[%dma_start3A_218, %dma_start3A_219, %dma_start3A_220] : memref<4x125x64xf32, #tpu.memory_space<vmem>> -> memref<1x125x64xf32, #tpu.memory_space<vmem>>
        %dma_start3A_222 = tpu.memref_squeeze %dma_start3A_221 : memref<1x125x64xf32, #tpu.memory_space<vmem>> -> memref<125x64xf32, #tpu.memory_space<vmem>>
        %dma_start3A_223 = arith.constant 0 : i32
        %dma_start3A_224 = tpu.memref_slice %arg7[%add3A_217, %dma_start3A_223] : memref<80x125xi32, #tpu.memory_space<vmem>> -> memref<1x125xi32, #tpu.memory_space<vmem>>
        %dma_start3A_225 = tpu.memref_squeeze %dma_start3A_224 : memref<1x125xi32, #tpu.memory_space<vmem>> -> memref<125xi32, #tpu.memory_space<vmem>>
        %dma_start3A_226 = arith.constant 0 : i32
        %dma_start3A_227 = arith.constant 0 : i32
        %dma_start3A_228 = tpu.memref_slice %arg2[%dma_start3A_226, %dma_start3A_227] : memref<10000x64xf32, #tpu.memory_space<hbm>> -> memref<10000x64xf32, #tpu.memory_space<hbm>>
        tpu.enqueue_indirect_dma source(%dma_start3A_228 : memref<10000x64xf32, #tpu.memory_space<hbm>>) target(%dma_start3A_222 : memref<125x64xf32, #tpu.memory_space<vmem>>) offsets(%dma_start3A_225 : memref<125xi32, #tpu.memory_space<vmem>>) semaphore(%arg12 : memref<!tpu.dma_semaphore, #tpu.memory_space<semaphore_mem>>)
      } else {
      }
      %dma_start3A_166 = arith.constant 2 : i32
      %dma_start3A_167 = arith.constant 0 : i32
      %dma_start3A_168 = arith.constant 0 : i32
      %dma_start3A_169 = tpu.memref_slice %arg9[%dma_start3A_166, %dma_start3A_167, %dma_start3A_168] : memref<4x125x64xf32, #tpu.memory_space<vmem>> -> memref<1x125x64xf32, #tpu.memory_space<vmem>>
      %dma_start3A_170 = tpu.memref_squeeze %dma_start3A_169 : memref<1x125x64xf32, #tpu.memory_space<vmem>> -> memref<125x64xf32, #tpu.memory_space<vmem>>
      %dma_start3A_171 = arith.constant 0 : i32
      %dma_start3A_172 = tpu.memref_slice %arg8[%add3A_142, %dma_start3A_171] : memref<80x125xi32, #tpu.memory_space<vmem>> -> memref<1x125xi32, #tpu.memory_space<vmem>>
      %dma_start3A_173 = tpu.memref_squeeze %dma_start3A_172 : memref<1x125xi32, #tpu.memory_space<vmem>> -> memref<125xi32, #tpu.memory_space<vmem>>
      %dma_start3A_174 = arith.constant 0 : i32
      %dma_start3A_175 = arith.constant 0 : i32
      %dma_start3A_176 = tpu.memref_slice %arg10[%dma_start3A_174, %dma_start3A_175] : memref<10000x64xf32, #tpu.memory_space<vmem_shared>> -> memref<10000x64xf32, #tpu.memory_space<vmem_shared>>
      tpu.enqueue_indirect_dma source(%dma_start3A_170 : memref<125x64xf32, #tpu.memory_space<vmem>>) target(%dma_start3A_176 : memref<10000x64xf32, #tpu.memory_space<vmem_shared>>) offsets(%dma_start3A_173 : memref<125xi32, #tpu.memory_space<vmem>>) semaphore(%arg17 : memref<!tpu.dma_semaphore, #tpu.memory_space<semaphore_mem>>) {add = true}
      %mul3A_177 = arith.constant 4 : i32
      %mul3A_178 = arith.muli %scan3A_63, %mul3A_177 : i32
      %add3A_179 = arith.constant 3 : i32
      %add3A_180 = arith.addi %mul3A_178, %add3A_179 : i32
      %dma_wait3A_181 = arith.constant 3 : i32
      %dma_wait3A_182 = arith.constant 0 : i32
      %dma_wait3A_183 = arith.constant 0 : i32
      %dma_wait3A_184 = tpu.memref_slice %arg9[%dma_wait3A_181, %dma_wait3A_182, %dma_wait3A_183] : memref<4x125x64xf32, #tpu.memory_space<vmem>> -> memref<1x125x64xf32, #tpu.memory_space<vmem>>
      %dma_wait3A_185 = tpu.memref_squeeze %dma_wait3A_184 : memref<1x125x64xf32, #tpu.memory_space<vmem>> -> memref<125x64xf32, #tpu.memory_space<vmem>>
      %dma_wait3A_186 = arith.constant 0 : i32
      %dma_wait3A_187 = tpu.memref_slice %arg7[%add3A_180, %dma_wait3A_186] : memref<80x125xi32, #tpu.memory_space<vmem>> -> memref<1x125xi32, #tpu.memory_space<vmem>>
      %dma_wait3A_188 = tpu.memref_squeeze %dma_wait3A_187 : memref<1x125xi32, #tpu.memory_space<vmem>> -> memref<125xi32, #tpu.memory_space<vmem>>
      %dma_wait3A_189 = arith.constant 0 : i32
      %dma_wait3A_190 = arith.constant 0 : i32
      %dma_wait3A_191 = tpu.memref_slice %arg2[%dma_wait3A_189, %dma_wait3A_190] : memref<10000x64xf32, #tpu.memory_space<hbm>> -> memref<10000x64xf32, #tpu.memory_space<hbm>>
      tpu.wait_indirect_dma semaphore(%arg14 : memref<!tpu.dma_semaphore, #tpu.memory_space<semaphore_mem>>) src(%dma_wait3A_191 : memref<10000x64xf32, #tpu.memory_space<hbm>>) dst(%dma_wait3A_185 : memref<125x64xf32, #tpu.memory_space<vmem>>)
      %ge3A_192 = arith.constant 1 : i32
      %ge3A_193 = arith.cmpi sge, %add3A_180, %ge3A_192 : i32
      %convert_element_type3A_194 = arith.extui %ge3A_193 : i1 to i32
      %cond3A_195 = arith.constant 0 : i32
      %cond3A_196 = arith.cmpi ne, %convert_element_type3A_194, %cond3A_195 : i32
      scf.if %cond3A_196 {
        %sub3A = arith.constant 1 : i32
        %sub3A_216 = arith.subi %add3A_180, %sub3A : i32
        %dma_wait3A_217 = arith.constant 2 : i32
        %dma_wait3A_218 = arith.constant 0 : i32
        %dma_wait3A_219 = arith.constant 0 : i32
        %dma_wait3A_220 = tpu.memref_slice %arg9[%dma_wait3A_217, %dma_wait3A_218, %dma_wait3A_219] : memref<4x125x64xf32, #tpu.memory_space<vmem>> -> memref<1x125x64xf32, #tpu.memory_space<vmem>>
        %dma_wait3A_221 = tpu.memref_squeeze %dma_wait3A_220 : memref<1x125x64xf32, #tpu.memory_space<vmem>> -> memref<125x64xf32, #tpu.memory_space<vmem>>
        %dma_wait3A_222 = arith.constant 0 : i32
        %dma_wait3A_223 = tpu.memref_slice %arg8[%sub3A_216, %dma_wait3A_222] : memref<80x125xi32, #tpu.memory_space<vmem>> -> memref<1x125xi32, #tpu.memory_space<vmem>>
        %dma_wait3A_224 = tpu.memref_squeeze %dma_wait3A_223 : memref<1x125xi32, #tpu.memory_space<vmem>> -> memref<125xi32, #tpu.memory_space<vmem>>
        %dma_wait3A_225 = arith.constant 0 : i32
        %dma_wait3A_226 = arith.constant 0 : i32
        %dma_wait3A_227 = tpu.memref_slice %arg10[%dma_wait3A_225, %dma_wait3A_226] : memref<10000x64xf32, #tpu.memory_space<vmem_shared>> -> memref<10000x64xf32, #tpu.memory_space<vmem_shared>>
        tpu.wait_indirect_dma semaphore(%arg17 : memref<!tpu.dma_semaphore, #tpu.memory_space<semaphore_mem>>) src(%dma_wait3A_221 : memref<125x64xf32, #tpu.memory_space<vmem>>) dst(%dma_wait3A_227 : memref<10000x64xf32, #tpu.memory_space<vmem_shared>>)
      } else {
      }
      %add3A_197 = arith.constant 3 : i32
      %add3A_198 = arith.addi %add3A_180, %add3A_197 : i32
      %lt3A_199 = arith.constant 80 : i32
      %lt3A_200 = arith.cmpi slt, %add3A_198, %lt3A_199 : i32
      %convert_element_type3A_201 = arith.extui %lt3A_200 : i1 to i32
      %cond3A_202 = arith.constant 0 : i32
      %cond3A_203 = arith.cmpi ne, %convert_element_type3A_201, %cond3A_202 : i32
      scf.if %cond3A_203 {
        %add3A_216 = arith.constant 3 : i32
        %add3A_217 = arith.addi %add3A_180, %add3A_216 : i32
        %dma_start3A_218 = arith.constant 2 : i32
        %dma_start3A_219 = arith.constant 0 : i32
        %dma_start3A_220 = arith.constant 0 : i32
        %dma_start3A_221 = tpu.memref_slice %arg9[%dma_start3A_218, %dma_start3A_219, %dma_start3A_220] : memref<4x125x64xf32, #tpu.memory_space<vmem>> -> memref<1x125x64xf32, #tpu.memory_space<vmem>>
        %dma_start3A_222 = tpu.memref_squeeze %dma_start3A_221 : memref<1x125x64xf32, #tpu.memory_space<vmem>> -> memref<125x64xf32, #tpu.memory_space<vmem>>
        %dma_start3A_223 = arith.constant 0 : i32
        %dma_start3A_224 = tpu.memref_slice %arg7[%add3A_217, %dma_start3A_223] : memref<80x125xi32, #tpu.memory_space<vmem>> -> memref<1x125xi32, #tpu.memory_space<vmem>>
        %dma_start3A_225 = tpu.memref_squeeze %dma_start3A_224 : memref<1x125xi32, #tpu.memory_space<vmem>> -> memref<125xi32, #tpu.memory_space<vmem>>
        %dma_start3A_226 = arith.constant 0 : i32
        %dma_start3A_227 = arith.constant 0 : i32
        %dma_start3A_228 = tpu.memref_slice %arg2[%dma_start3A_226, %dma_start3A_227] : memref<10000x64xf32, #tpu.memory_space<hbm>> -> memref<10000x64xf32, #tpu.memory_space<hbm>>
        tpu.enqueue_indirect_dma source(%dma_start3A_228 : memref<10000x64xf32, #tpu.memory_space<hbm>>) target(%dma_start3A_222 : memref<125x64xf32, #tpu.memory_space<vmem>>) offsets(%dma_start3A_225 : memref<125xi32, #tpu.memory_space<vmem>>) semaphore(%arg13 : memref<!tpu.dma_semaphore, #tpu.memory_space<semaphore_mem>>)
      } else {
      }
      %dma_start3A_204 = arith.constant 3 : i32
      %dma_start3A_205 = arith.constant 0 : i32
      %dma_start3A_206 = arith.constant 0 : i32
      %dma_start3A_207 = tpu.memref_slice %arg9[%dma_start3A_204, %dma_start3A_205, %dma_start3A_206] : memref<4x125x64xf32, #tpu.memory_space<vmem>> -> memref<1x125x64xf32, #tpu.memory_space<vmem>>
      %dma_start3A_208 = tpu.memref_squeeze %dma_start3A_207 : memref<1x125x64xf32, #tpu.memory_space<vmem>> -> memref<125x64xf32, #tpu.memory_space<vmem>>
      %dma_start3A_209 = arith.constant 0 : i32
      %dma_start3A_210 = tpu.memref_slice %arg8[%add3A_180, %dma_start3A_209] : memref<80x125xi32, #tpu.memory_space<vmem>> -> memref<1x125xi32, #tpu.memory_space<vmem>>
      %dma_start3A_211 = tpu.memref_squeeze %dma_start3A_210 : memref<1x125xi32, #tpu.memory_space<vmem>> -> memref<125xi32, #tpu.memory_space<vmem>>
      %dma_start3A_212 = arith.constant 0 : i32
      %dma_start3A_213 = arith.constant 0 : i32
      %dma_start3A_214 = tpu.memref_slice %arg10[%dma_start3A_212, %dma_start3A_213] : memref<10000x64xf32, #tpu.memory_space<vmem_shared>> -> memref<10000x64xf32, #tpu.memory_space<vmem_shared>>
      tpu.enqueue_indirect_dma source(%dma_start3A_208 : memref<125x64xf32, #tpu.memory_space<vmem>>) target(%dma_start3A_214 : memref<10000x64xf32, #tpu.memory_space<vmem_shared>>) offsets(%dma_start3A_211 : memref<125xi32, #tpu.memory_space<vmem>>) semaphore(%arg18 : memref<!tpu.dma_semaphore, #tpu.memory_space<semaphore_mem>>) {add = true}
      %scan3A_215 = arith.constant 0 : i32
      scf.yield %scan3A_215 : i32
    }
    %scan3A_45 = arith.constant 20 : i32
    %dma_wait3A = arith.constant 3 : i32
    %dma_wait3A_46 = arith.constant 79 : i32
    %dma_wait3A_47 = arith.constant 0 : i32
    %dma_wait3A_48 = arith.constant 0 : i32
    %dma_wait3A_49 = tpu.memref_slice %arg9[%dma_wait3A, %dma_wait3A_47, %dma_wait3A_48] : memref<4x125x64xf32, #tpu.memory_space<vmem>> -> memref<1x125x64xf32, #tpu.memory_space<vmem>>
    %dma_wait3A_50 = tpu.memref_squeeze %dma_wait3A_49 : memref<1x125x64xf32, #tpu.memory_space<vmem>> -> memref<125x64xf32, #tpu.memory_space<vmem>>
    %dma_wait3A_51 = arith.constant 0 : i32
    %dma_wait3A_52 = tpu.memref_slice %arg8[%dma_wait3A_46, %dma_wait3A_51] : memref<80x125xi32, #tpu.memory_space<vmem>> -> memref<1x125xi32, #tpu.memory_space<vmem>>
    %dma_wait3A_53 = tpu.memref_squeeze %dma_wait3A_52 : memref<1x125xi32, #tpu.memory_space<vmem>> -> memref<125xi32, #tpu.memory_space<vmem>>
    %dma_wait3A_54 = arith.constant 0 : i32
    %dma_wait3A_55 = arith.constant 0 : i32
    %dma_wait3A_56 = tpu.memref_slice %arg10[%dma_wait3A_54, %dma_wait3A_55] : memref<10000x64xf32, #tpu.memory_space<vmem_shared>> -> memref<10000x64xf32, #tpu.memory_space<vmem_shared>>
    tpu.wait_indirect_dma semaphore(%arg18 : memref<!tpu.dma_semaphore, #tpu.memory_space<semaphore_mem>>) src(%dma_wait3A_50 : memref<125x64xf32, #tpu.memory_space<vmem>>) dst(%dma_wait3A_56 : memref<10000x64xf32, #tpu.memory_space<vmem_shared>>)
    %barrier3A_57 = arith.constant 0 : index
    tpu.barrier barrier_id(%barrier3A_57)
    "tpu.region"() ({
      %run_scoped3A = tpu.sem_alloc : memref<!tpu.dma_semaphore, #tpu.memory_space<semaphore_mem>>
      %dma_start3A_63 = arith.constant 0 : i32
      %dma_start3A_64 = tpu.memref_slice %arg6[%arg0, %multiple_of3A, %dma_start3A_63] : memref<2x10000x64xf32, #tpu.memory_space<hbm>> -> memref<1x624x64xf32, #tpu.memory_space<hbm>>
      %dma_start3A_65 = tpu.memref_squeeze %dma_start3A_64 : memref<1x624x64xf32, #tpu.memory_space<hbm>> -> memref<624x64xf32, #tpu.memory_space<hbm>>
      %dma_start3A_66 = arith.constant 0 : i32
      %dma_start3A_67 = tpu.memref_slice %arg10[%multiple_of3A, %dma_start3A_66] : memref<10000x64xf32, #tpu.memory_space<vmem_shared>> -> memref<624x64xf32, #tpu.memory_space<vmem_shared>>
      tpu.enqueue_dma source(%dma_start3A_67 : memref<624x64xf32, #tpu.memory_space<vmem_shared>>) target(%dma_start3A_65 : memref<624x64xf32, #tpu.memory_space<hbm>>) target_semaphore(%run_scoped3A : memref<!tpu.dma_semaphore, #tpu.memory_space<semaphore_mem>>)
      %dma_wait3A_68 = arith.constant 0 : i32
      %dma_wait3A_69 = tpu.memref_slice %arg6[%arg0, %multiple_of3A, %dma_wait3A_68] : memref<2x10000x64xf32, #tpu.memory_space<hbm>> -> memref<1x624x64xf32, #tpu.memory_space<hbm>>
      %dma_wait3A_70 = tpu.memref_squeeze %dma_wait3A_69 : memref<1x624x64xf32, #tpu.memory_space<hbm>> -> memref<624x64xf32, #tpu.memory_space<hbm>>
      %dma_wait3A_71 = arith.constant 0 : i32
      %dma_wait3A_72 = tpu.memref_slice %arg10[%multiple_of3A, %dma_wait3A_71] : memref<10000x64xf32, #tpu.memory_space<vmem_shared>> -> memref<624x64xf32, #tpu.memory_space<vmem_shared>>
      tpu.wait_dma2 semaphore(%run_scoped3A : memref<!tpu.dma_semaphore, #tpu.memory_space<semaphore_mem>>) src(%dma_wait3A_72 : memref<624x64xf32, #tpu.memory_space<vmem_shared>>) dst(%dma_wait3A_70 : memref<624x64xf32, #tpu.memory_space<hbm>>)
      tpu.yield
    }) : () -> ()
    %eq3A_58 = arith.constant 15 : i32
    %eq3A_59 = arith.cmpi eq, %arg1, %eq3A_58 : i32
    %convert_element_type3A_60 = arith.extui %eq3A_59 : i1 to i32
    %cond3A_61 = arith.constant 0 : i32
    %cond3A_62 = arith.cmpi ne, %convert_element_type3A_60, %cond3A_61 : i32
    scf.if %cond3A_62 {
      "tpu.region"() ({
        %run_scoped3A = tpu.sem_alloc : memref<!tpu.dma_semaphore, #tpu.memory_space<semaphore_mem>>
        %dma_start3A_63 = arith.constant 9984 : i32
        %dma_start3A_64 = arith.constant 0 : i32
        %dma_start3A_65 = tpu.memref_slice %arg6[%arg0, %dma_start3A_63, %dma_start3A_64] : memref<2x10000x64xf32, #tpu.memory_space<hbm>> -> memref<1x16x64xf32, #tpu.memory_space<hbm>>
        %dma_start3A_66 = tpu.memref_squeeze %dma_start3A_65 : memref<1x16x64xf32, #tpu.memory_space<hbm>> -> memref<16x64xf32, #tpu.memory_space<hbm>>
        %dma_start3A_67 = arith.constant 9984 : i32
        %dma_start3A_68 = arith.constant 0 : i32
        %dma_start3A_69 = tpu.memref_slice %arg10[%dma_start3A_67, %dma_start3A_68] : memref<10000x64xf32, #tpu.memory_space<vmem_shared>> -> memref<16x64xf32, #tpu.memory_space<vmem_shared>>
        tpu.enqueue_dma source(%dma_start3A_69 : memref<16x64xf32, #tpu.memory_space<vmem_shared>>) target(%dma_start3A_66 : memref<16x64xf32, #tpu.memory_space<hbm>>) target_semaphore(%run_scoped3A : memref<!tpu.dma_semaphore, #tpu.memory_space<semaphore_mem>>)
        %dma_wait3A_70 = arith.constant 9984 : i32
        %dma_wait3A_71 = arith.constant 0 : i32
        %dma_wait3A_72 = tpu.memref_slice %arg6[%arg0, %dma_wait3A_70, %dma_wait3A_71] : memref<2x10000x64xf32, #tpu.memory_space<hbm>> -> memref<1x16x64xf32, #tpu.memory_space<hbm>>
        %dma_wait3A_73 = tpu.memref_squeeze %dma_wait3A_72 : memref<1x16x64xf32, #tpu.memory_space<hbm>> -> memref<16x64xf32, #tpu.memory_space<hbm>>
        %dma_wait3A_74 = arith.constant 9984 : i32
        %dma_wait3A_75 = arith.constant 0 : i32
        %dma_wait3A_76 = tpu.memref_slice %arg10[%dma_wait3A_74, %dma_wait3A_75] : memref<10000x64xf32, #tpu.memory_space<vmem_shared>> -> memref<16x64xf32, #tpu.memory_space<vmem_shared>>
        tpu.wait_dma2 semaphore(%run_scoped3A : memref<!tpu.dma_semaphore, #tpu.memory_space<semaphore_mem>>) src(%dma_wait3A_76 : memref<16x64xf32, #tpu.memory_space<vmem_shared>>) dst(%dma_wait3A_73 : memref<16x64xf32, #tpu.memory_space<hbm>>)
        tpu.yield
      }) : () -> ()
    } else {
    }
    return
  }
}

#map = affine_map<(d0, d1) -> (0, 0)>
#map1 = affine_map<(d0, d1) -> (0, 0, 0)>
module attributes {stable_mosaic.version = 14 : i64} {
  func.func @k(%arg0: i32, %arg1: i32, %arg2: memref<10000x64xf32, #tpu.memory_space<hbm>>, %arg3: memref<32x80x125xi32, #tpu.memory_space<hbm>>, %arg4: memref<32x80x125xi32, #tpu.memory_space<hbm>>, %arg5: memref<10000x64xf32, #tpu.memory_space<hbm>>, %arg6: memref<2x10000x64xf32, #tpu.memory_space<hbm>>, %arg7: memref<80x125xi32, #tpu.memory_space<vmem>>, %arg8: memref<80x125xi32, #tpu.memory_space<vmem>>, %arg9: memref<4x125x64xf32, #tpu.memory_space<vmem>>, %arg10: memref<10000x64xf32, #tpu.memory_space<vmem_shared>>, %arg11: memref<!tpu.dma_semaphore, #tpu.memory_space<semaphore_mem>>, %arg12: memref<!tpu.dma_semaphore, #tpu.memory_space<semaphore_mem>>, %arg13: memref<!tpu.dma_semaphore, #tpu.memory_space<semaphore_mem>>, %arg14: memref<!tpu.dma_semaphore, #tpu.memory_space<semaphore_mem>>, %arg15: memref<!tpu.dma_semaphore, #tpu.memory_space<semaphore_mem>>, %arg16: memref<!tpu.dma_semaphore, #tpu.memory_space<semaphore_mem>>, %arg17: memref<!tpu.dma_semaphore, #tpu.memory_space<semaphore_mem>>, %arg18: memref<!tpu.dma_semaphore, #tpu.memory_space<semaphore_mem>>) attributes {dimension_semantics = [#tpu.dimension_semantics<core_parallel>, #tpu.dimension_semantics<subcore_parallel>], iteration_bounds = array<i64: 2, 16>, scalar_prefetch = 0 : i64, scratch_operands = 12 : i64, tpu.core_type = #tpu.core_type<sc_vector_subcore>, window_params = [{transform_indices = #map}, {transform_indices = #map1}, {transform_indices = #map1}, {transform_indices = #map}, {transform_indices = #map1}]} {
    %mul3A = arith.constant 2 : i32
    %mul3A_0 = arith.muli %arg1, %mul3A : i32
    %add3A = arith.addi %mul3A_0, %arg0 : i32
    "tpu.region"() ({
      %run_scoped3A = tpu.sem_alloc : memref<!tpu.dma_semaphore, #tpu.memory_space<semaphore_mem>>
      %dma_start3A_63 = arith.constant 0 : i32
      %dma_start3A_64 = arith.constant 0 : i32
      %dma_start3A_65 = tpu.memref_slice %arg3[%add3A, %dma_start3A_63, %dma_start3A_64] : memref<32x80x125xi32, #tpu.memory_space<hbm>> -> memref<1x80x125xi32, #tpu.memory_space<hbm>>
      %dma_start3A_66 = tpu.memref_squeeze %dma_start3A_65 : memref<1x80x125xi32, #tpu.memory_space<hbm>> -> memref<80x125xi32, #tpu.memory_space<hbm>>
      %dma_start3A_67 = arith.constant 0 : i32
      %dma_start3A_68 = arith.constant 0 : i32
      %dma_start3A_69 = tpu.memref_slice %arg3[%add3A, %dma_start3A_67, %dma_start3A_68] : memref<32x80x125xi32, #tpu.memory_space<hbm>> -> memref<1x80x125xi32, #tpu.memory_space<hbm>>
      %dma_start3A_70 = tpu.memref_squeeze %dma_start3A_69 : memref<1x80x125xi32, #tpu.memory_space<hbm>> -> memref<80x125xi32, #tpu.memory_space<hbm>>
      tpu.enqueue_dma source(%dma_start3A_70 : memref<80x125xi32, #tpu.memory_space<hbm>>) target(%arg7 : memref<80x125xi32, #tpu.memory_space<vmem>>) target_semaphore(%run_scoped3A : memref<!tpu.dma_semaphore, #tpu.memory_space<semaphore_mem>>)
      %dma_wait3A_71 = arith.constant 0 : i32
      %dma_wait3A_72 = arith.constant 0 : i32
      %dma_wait3A_73 = tpu.memref_slice %arg3[%add3A, %dma_wait3A_71, %dma_wait3A_72] : memref<32x80x125xi32, #tpu.memory_space<hbm>> -> memref<1x80x125xi32, #tpu.memory_space<hbm>>
      %dma_wait3A_74 = tpu.memref_squeeze %dma_wait3A_73 : memref<1x80x125xi32, #tpu.memory_space<hbm>> -> memref<80x125xi32, #tpu.memory_space<hbm>>
      %dma_wait3A_75 = arith.constant 0 : i32
      %dma_wait3A_76 = arith.constant 0 : i32
      %dma_wait3A_77 = tpu.memref_slice %arg3[%add3A, %dma_wait3A_75, %dma_wait3A_76] : memref<32x80x125xi32, #tpu.memory_space<hbm>> -> memref<1x80x125xi32, #tpu.memory_space<hbm>>
      %dma_wait3A_78 = tpu.memref_squeeze %dma_wait3A_77 : memref<1x80x125xi32, #tpu.memory_space<hbm>> -> memref<80x125xi32, #tpu.memory_space<hbm>>
      tpu.wait_dma2 semaphore(%run_scoped3A : memref<!tpu.dma_semaphore, #tpu.memory_space<semaphore_mem>>) src(%dma_wait3A_78 : memref<80x125xi32, #tpu.memory_space<hbm>>) dst(%arg7 : memref<80x125xi32, #tpu.memory_space<vmem>>)
      tpu.yield
    }) : () -> ()
    "tpu.region"() ({
      %run_scoped3A = tpu.sem_alloc : memref<!tpu.dma_semaphore, #tpu.memory_space<semaphore_mem>>
      %dma_start3A_63 = arith.constant 0 : i32
      %dma_start3A_64 = arith.constant 0 : i32
      %dma_start3A_65 = tpu.memref_slice %arg4[%add3A, %dma_start3A_63, %dma_start3A_64] : memref<32x80x125xi32, #tpu.memory_space<hbm>> -> memref<1x80x125xi32, #tpu.memory_space<hbm>>
      %dma_start3A_66 = tpu.memref_squeeze %dma_start3A_65 : memref<1x80x125xi32, #tpu.memory_space<hbm>> -> memref<80x125xi32, #tpu.memory_space<hbm>>
      %dma_start3A_67 = arith.constant 0 : i32
      %dma_start3A_68 = arith.constant 0 : i32
      %dma_start3A_69 = tpu.memref_slice %arg4[%add3A, %dma_start3A_67, %dma_start3A_68] : memref<32x80x125xi32, #tpu.memory_space<hbm>> -> memref<1x80x125xi32, #tpu.memory_space<hbm>>
      %dma_start3A_70 = tpu.memref_squeeze %dma_start3A_69 : memref<1x80x125xi32, #tpu.memory_space<hbm>> -> memref<80x125xi32, #tpu.memory_space<hbm>>
      tpu.enqueue_dma source(%dma_start3A_70 : memref<80x125xi32, #tpu.memory_space<hbm>>) target(%arg8 : memref<80x125xi32, #tpu.memory_space<vmem>>) target_semaphore(%run_scoped3A : memref<!tpu.dma_semaphore, #tpu.memory_space<semaphore_mem>>)
      %dma_wait3A_71 = arith.constant 0 : i32
      %dma_wait3A_72 = arith.constant 0 : i32
      %dma_wait3A_73 = tpu.memref_slice %arg4[%add3A, %dma_wait3A_71, %dma_wait3A_72] : memref<32x80x125xi32, #tpu.memory_space<hbm>> -> memref<1x80x125xi32, #tpu.memory_space<hbm>>
      %dma_wait3A_74 = tpu.memref_squeeze %dma_wait3A_73 : memref<1x80x125xi32, #tpu.memory_space<hbm>> -> memref<80x125xi32, #tpu.memory_space<hbm>>
      %dma_wait3A_75 = arith.constant 0 : i32
      %dma_wait3A_76 = arith.constant 0 : i32
      %dma_wait3A_77 = tpu.memref_slice %arg4[%add3A, %dma_wait3A_75, %dma_wait3A_76] : memref<32x80x125xi32, #tpu.memory_space<hbm>> -> memref<1x80x125xi32, #tpu.memory_space<hbm>>
      %dma_wait3A_78 = tpu.memref_squeeze %dma_wait3A_77 : memref<1x80x125xi32, #tpu.memory_space<hbm>> -> memref<80x125xi32, #tpu.memory_space<hbm>>
      tpu.wait_dma2 semaphore(%run_scoped3A : memref<!tpu.dma_semaphore, #tpu.memory_space<semaphore_mem>>) src(%dma_wait3A_78 : memref<80x125xi32, #tpu.memory_space<hbm>>) dst(%arg8 : memref<80x125xi32, #tpu.memory_space<vmem>>)
      tpu.yield
    }) : () -> ()
    %dma_start3A = arith.constant 0 : i32
    %dma_start3A_1 = arith.constant 0 : i32
    %dma_start3A_2 = arith.constant 0 : i32
    %dma_start3A_3 = arith.constant 0 : i32
    %dma_start3A_4 = tpu.memref_slice %arg9[%dma_start3A_1, %dma_start3A_2, %dma_start3A_3] : memref<4x125x64xf32, #tpu.memory_space<vmem>> -> memref<1x125x64xf32, #tpu.memory_space<vmem>>
    %dma_start3A_5 = tpu.memref_squeeze %dma_start3A_4 : memref<1x125x64xf32, #tpu.memory_space<vmem>> -> memref<125x64xf32, #tpu.memory_space<vmem>>
    %dma_start3A_6 = arith.constant 0 : i32
    %dma_start3A_7 = tpu.memref_slice %arg7[%dma_start3A, %dma_start3A_6] : memref<80x125xi32, #tpu.memory_space<vmem>> -> memref<1x125xi32, #tpu.memory_space<vmem>>
    %dma_start3A_8 = tpu.memref_squeeze %dma_start3A_7 : memref<1x125xi32, #tpu.memory_space<vmem>> -> memref<125xi32, #tpu.memory_space<vmem>>
    %dma_start3A_9 = arith.constant 0 : i32
    %dma_start3A_10 = arith.constant 0 : i32
    %dma_start3A_11 = tpu.memref_slice %arg2[%dma_start3A_9, %dma_start3A_10] : memref<10000x64xf32, #tpu.memory_space<hbm>> -> memref<10000x64xf32, #tpu.memory_space<hbm>>
    tpu.enqueue_indirect_dma source(%dma_start3A_11 : memref<10000x64xf32, #tpu.memory_space<hbm>>) target(%dma_start3A_5 : memref<125x64xf32, #tpu.memory_space<vmem>>) offsets(%dma_start3A_8 : memref<125xi32, #tpu.memory_space<vmem>>) semaphore(%arg11 : memref<!tpu.dma_semaphore, #tpu.memory_space<semaphore_mem>>)
    %dma_start3A_12 = arith.constant 1 : i32
    %dma_start3A_13 = arith.constant 1 : i32
    %dma_start3A_14 = arith.constant 0 : i32
    %dma_start3A_15 = arith.constant 0 : i32
    %dma_start3A_16 = tpu.memref_slice %arg9[%dma_start3A_13, %dma_start3A_14, %dma_start3A_15] : memref<4x125x64xf32, #tpu.memory_space<vmem>> -> memref<1x125x64xf32, #tpu.memory_space<vmem>>
    %dma_start3A_17 = tpu.memref_squeeze %dma_start3A_16 : memref<1x125x64xf32, #tpu.memory_space<vmem>> -> memref<125x64xf32, #tpu.memory_space<vmem>>
    %dma_start3A_18 = arith.constant 0 : i32
    %dma_start3A_19 = tpu.memref_slice %arg7[%dma_start3A_12, %dma_start3A_18] : memref<80x125xi32, #tpu.memory_space<vmem>> -> memref<1x125xi32, #tpu.memory_space<vmem>>
    %dma_start3A_20 = tpu.memref_squeeze %dma_start3A_19 : memref<1x125xi32, #tpu.memory_space<vmem>> -> memref<125xi32, #tpu.memory_space<vmem>>
    %dma_start3A_21 = arith.constant 0 : i32
    %dma_start3A_22 = arith.constant 0 : i32
    %dma_start3A_23 = tpu.memref_slice %arg2[%dma_start3A_21, %dma_start3A_22] : memref<10000x64xf32, #tpu.memory_space<hbm>> -> memref<10000x64xf32, #tpu.memory_space<hbm>>
    tpu.enqueue_indirect_dma source(%dma_start3A_23 : memref<10000x64xf32, #tpu.memory_space<hbm>>) target(%dma_start3A_17 : memref<125x64xf32, #tpu.memory_space<vmem>>) offsets(%dma_start3A_20 : memref<125xi32, #tpu.memory_space<vmem>>) semaphore(%arg12 : memref<!tpu.dma_semaphore, #tpu.memory_space<semaphore_mem>>)
    %dma_start3A_24 = arith.constant 2 : i32
    %dma_start3A_25 = arith.constant 2 : i32
    %dma_start3A_26 = arith.constant 0 : i32
    %dma_start3A_27 = arith.constant 0 : i32
    %dma_start3A_28 = tpu.memref_slice %arg9[%dma_start3A_25, %dma_start3A_26, %dma_start3A_27] : memref<4x125x64xf32, #tpu.memory_space<vmem>> -> memref<1x125x64xf32, #tpu.memory_space<vmem>>
    %dma_start3A_29 = tpu.memref_squeeze %dma_start3A_28 : memref<1x125x64xf32, #tpu.memory_space<vmem>> -> memref<125x64xf32, #tpu.memory_space<vmem>>
    %dma_start3A_30 = arith.constant 0 : i32
    %dma_start3A_31 = tpu.memref_slice %arg7[%dma_start3A_24, %dma_start3A_30] : memref<80x125xi32, #tpu.memory_space<vmem>> -> memref<1x125xi32, #tpu.memory_space<vmem>>
    %dma_start3A_32 = tpu.memref_squeeze %dma_start3A_31 : memref<1x125xi32, #tpu.memory_space<vmem>> -> memref<125xi32, #tpu.memory_space<vmem>>
    %dma_start3A_33 = arith.constant 0 : i32
    %dma_start3A_34 = arith.constant 0 : i32
    %dma_start3A_35 = tpu.memref_slice %arg2[%dma_start3A_33, %dma_start3A_34] : memref<10000x64xf32, #tpu.memory_space<hbm>> -> memref<10000x64xf32, #tpu.memory_space<hbm>>
    tpu.enqueue_indirect_dma source(%dma_start3A_35 : memref<10000x64xf32, #tpu.memory_space<hbm>>) target(%dma_start3A_29 : memref<125x64xf32, #tpu.memory_space<vmem>>) offsets(%dma_start3A_32 : memref<125xi32, #tpu.memory_space<vmem>>) semaphore(%arg13 : memref<!tpu.dma_semaphore, #tpu.memory_space<semaphore_mem>>)
    %mul3A_36 = arith.constant 624 : i32
    %mul3A_37 = arith.muli %arg1, %mul3A_36 : i32
    %multiple_of3A = tpu.assume_multiple %mul3A_37, 8 : i32
    "tpu.region"() ({
      %run_scoped3A = tpu.sem_alloc : memref<!tpu.dma_semaphore, #tpu.memory_space<semaphore_mem>>
      %dma_start3A_63 = arith.constant 0 : i32
      %dma_start3A_64 = tpu.memref_slice %arg10[%multiple_of3A, %dma_start3A_63] : memref<10000x64xf32, #tpu.memory_space<vmem_shared>> -> memref<624x64xf32, #tpu.memory_space<vmem_shared>>
      %dma_start3A_65 = arith.constant 0 : i32
      %dma_start3A_66 = tpu.memref_slice %arg5[%multiple_of3A, %dma_start3A_65] : memref<10000x64xf32, #tpu.memory_space<hbm>> -> memref<624x64xf32, #tpu.memory_space<hbm>>
      tpu.enqueue_dma source(%dma_start3A_66 : memref<624x64xf32, #tpu.memory_space<hbm>>) target(%dma_start3A_64 : memref<624x64xf32, #tpu.memory_space<vmem_shared>>) target_semaphore(%run_scoped3A : memref<!tpu.dma_semaphore, #tpu.memory_space<semaphore_mem>>)
      %dma_wait3A_67 = arith.constant 0 : i32
      %dma_wait3A_68 = tpu.memref_slice %arg10[%multiple_of3A, %dma_wait3A_67] : memref<10000x64xf32, #tpu.memory_space<vmem_shared>> -> memref<624x64xf32, #tpu.memory_space<vmem_shared>>
      %dma_wait3A_69 = arith.constant 0 : i32
      %dma_wait3A_70 = tpu.memref_slice %arg5[%multiple_of3A, %dma_wait3A_69] : memref<10000x64xf32, #tpu.memory_space<hbm>> -> memref<624x64xf32, #tpu.memory_space<hbm>>
      tpu.wait_dma2 semaphore(%run_scoped3A : memref<!tpu.dma_semaphore, #tpu.memory_space<semaphore_mem>>) src(%dma_wait3A_70 : memref<624x64xf32, #tpu.memory_space<hbm>>) dst(%dma_wait3A_68 : memref<624x64xf32, #tpu.memory_space<vmem_shared>>)
      tpu.yield
    }) : () -> ()
    %eq3A = arith.constant 15 : i32
    %eq3A_38 = arith.cmpi eq, %arg1, %eq3A : i32
    %convert_element_type3A = arith.extui %eq3A_38 : i1 to i32
    %cond3A = arith.constant 0 : i32
    %cond3A_39 = arith.cmpi ne, %convert_element_type3A, %cond3A : i32
    scf.if %cond3A_39 {
      "tpu.region"() ({
        %run_scoped3A = tpu.sem_alloc : memref<!tpu.dma_semaphore, #tpu.memory_space<semaphore_mem>>
        %dma_start3A_63 = arith.constant 9984 : i32
        %dma_start3A_64 = arith.constant 0 : i32
        %dma_start3A_65 = tpu.memref_slice %arg10[%dma_start3A_63, %dma_start3A_64] : memref<10000x64xf32, #tpu.memory_space<vmem_shared>> -> memref<16x64xf32, #tpu.memory_space<vmem_shared>>
        %dma_start3A_66 = arith.constant 9984 : i32
        %dma_start3A_67 = arith.constant 0 : i32
        %dma_start3A_68 = tpu.memref_slice %arg5[%dma_start3A_66, %dma_start3A_67] : memref<10000x64xf32, #tpu.memory_space<hbm>> -> memref<16x64xf32, #tpu.memory_space<hbm>>
        tpu.enqueue_dma source(%dma_start3A_68 : memref<16x64xf32, #tpu.memory_space<hbm>>) target(%dma_start3A_65 : memref<16x64xf32, #tpu.memory_space<vmem_shared>>) target_semaphore(%run_scoped3A : memref<!tpu.dma_semaphore, #tpu.memory_space<semaphore_mem>>)
        %dma_wait3A_69 = arith.constant 9984 : i32
        %dma_wait3A_70 = arith.constant 0 : i32
        %dma_wait3A_71 = tpu.memref_slice %arg10[%dma_wait3A_69, %dma_wait3A_70] : memref<10000x64xf32, #tpu.memory_space<vmem_shared>> -> memref<16x64xf32, #tpu.memory_space<vmem_shared>>
        %dma_wait3A_72 = arith.constant 9984 : i32
        %dma_wait3A_73 = arith.constant 0 : i32
        %dma_wait3A_74 = tpu.memref_slice %arg5[%dma_wait3A_72, %dma_wait3A_73] : memref<10000x64xf32, #tpu.memory_space<hbm>> -> memref<16x64xf32, #tpu.memory_space<hbm>>
        tpu.wait_dma2 semaphore(%run_scoped3A : memref<!tpu.dma_semaphore, #tpu.memory_space<semaphore_mem>>) src(%dma_wait3A_74 : memref<16x64xf32, #tpu.memory_space<hbm>>) dst(%dma_wait3A_71 : memref<16x64xf32, #tpu.memory_space<vmem_shared>>)
        tpu.yield
      }) : () -> ()
    } else {
    }
    %barrier3A = arith.constant 0 : index
    tpu.barrier barrier_id(%barrier3A)
    %scan3A = arith.constant 0 : i32
    %scan3A_40 = arith.constant 0 : i32
    %scan3A_41 = arith.constant 20 : i32
    %scan3A_42 = arith.addi %scan3A_40, %scan3A_41 : i32
    %scan3A_43 = arith.constant 1 : i32
    %scan3A_44 = scf.for %scan3A_63 = %scan3A_40 to %scan3A_42 step %scan3A_43 iter_args(%scan3A_64 = %scan3A) -> (i32)  : i32 {
      %mul3A_65 = arith.constant 4 : i32
      %mul3A_66 = arith.muli %scan3A_63, %mul3A_65 : i32
      %add3A_67 = arith.constant 0 : i32
      %add3A_68 = arith.addi %mul3A_66, %add3A_67 : i32
      %dma_wait3A_69 = arith.constant 0 : i32
      %dma_wait3A_70 = arith.constant 0 : i32
      %dma_wait3A_71 = arith.constant 0 : i32
      %dma_wait3A_72 = tpu.memref_slice %arg9[%dma_wait3A_69, %dma_wait3A_70, %dma_wait3A_71] : memref<4x125x64xf32, #tpu.memory_space<vmem>> -> memref<1x125x64xf32, #tpu.memory_space<vmem>>
      %dma_wait3A_73 = tpu.memref_squeeze %dma_wait3A_72 : memref<1x125x64xf32, #tpu.memory_space<vmem>> -> memref<125x64xf32, #tpu.memory_space<vmem>>
      %dma_wait3A_74 = arith.constant 0 : i32
      %dma_wait3A_75 = tpu.memref_slice %arg7[%add3A_68, %dma_wait3A_74] : memref<80x125xi32, #tpu.memory_space<vmem>> -> memref<1x125xi32, #tpu.memory_space<vmem>>
      %dma_wait3A_76 = tpu.memref_squeeze %dma_wait3A_75 : memref<1x125xi32, #tpu.memory_space<vmem>> -> memref<125xi32, #tpu.memory_space<vmem>>
      %dma_wait3A_77 = arith.constant 0 : i32
      %dma_wait3A_78 = arith.constant 0 : i32
      %dma_wait3A_79 = tpu.memref_slice %arg2[%dma_wait3A_77, %dma_wait3A_78] : memref<10000x64xf32, #tpu.memory_space<hbm>> -> memref<10000x64xf32, #tpu.memory_space<hbm>>
      tpu.wait_indirect_dma semaphore(%arg11 : memref<!tpu.dma_semaphore, #tpu.memory_space<semaphore_mem>>) src(%dma_wait3A_79 : memref<10000x64xf32, #tpu.memory_space<hbm>>) dst(%dma_wait3A_73 : memref<125x64xf32, #tpu.memory_space<vmem>>)
      %ge3A = arith.constant 1 : i32
      %ge3A_80 = arith.cmpi sge, %add3A_68, %ge3A : i32
      %convert_element_type3A_81 = arith.extui %ge3A_80 : i1 to i32
      %cond3A_82 = arith.constant 0 : i32
      %cond3A_83 = arith.cmpi ne, %convert_element_type3A_81, %cond3A_82 : i32
      scf.if %cond3A_83 {
        %sub3A = arith.constant 1 : i32
        %sub3A_216 = arith.subi %add3A_68, %sub3A : i32
        %dma_wait3A_217 = arith.constant 3 : i32
        %dma_wait3A_218 = arith.constant 0 : i32
        %dma_wait3A_219 = arith.constant 0 : i32
        %dma_wait3A_220 = tpu.memref_slice %arg9[%dma_wait3A_217, %dma_wait3A_218, %dma_wait3A_219] : memref<4x125x64xf32, #tpu.memory_space<vmem>> -> memref<1x125x64xf32, #tpu.memory_space<vmem>>
        %dma_wait3A_221 = tpu.memref_squeeze %dma_wait3A_220 : memref<1x125x64xf32, #tpu.memory_space<vmem>> -> memref<125x64xf32, #tpu.memory_space<vmem>>
        %dma_wait3A_222 = arith.constant 0 : i32
        %dma_wait3A_223 = tpu.memref_slice %arg8[%sub3A_216, %dma_wait3A_222] : memref<80x125xi32, #tpu.memory_space<vmem>> -> memref<1x125xi32, #tpu.memory_space<vmem>>
        %dma_wait3A_224 = tpu.memref_squeeze %dma_wait3A_223 : memref<1x125xi32, #tpu.memory_space<vmem>> -> memref<125xi32, #tpu.memory_space<vmem>>
        %dma_wait3A_225 = arith.constant 0 : i32
        %dma_wait3A_226 = arith.constant 0 : i32
        %dma_wait3A_227 = tpu.memref_slice %arg10[%dma_wait3A_225, %dma_wait3A_226] : memref<10000x64xf32, #tpu.memory_space<vmem_shared>> -> memref<10000x64xf32, #tpu.memory_space<vmem_shared>>
        tpu.wait_indirect_dma semaphore(%arg18 : memref<!tpu.dma_semaphore, #tpu.memory_space<semaphore_mem>>) src(%dma_wait3A_221 : memref<125x64xf32, #tpu.memory_space<vmem>>) dst(%dma_wait3A_227 : memref<10000x64xf32, #tpu.memory_space<vmem_shared>>)
      } else {
      }
      %add3A_84 = arith.constant 3 : i32
      %add3A_85 = arith.addi %add3A_68, %add3A_84 : i32
      %lt3A = arith.constant 80 : i32
      %lt3A_86 = arith.cmpi slt, %add3A_85, %lt3A : i32
      %convert_element_type3A_87 = arith.extui %lt3A_86 : i1 to i32
      %cond3A_88 = arith.constant 0 : i32
      %cond3A_89 = arith.cmpi ne, %convert_element_type3A_87, %cond3A_88 : i32
      scf.if %cond3A_89 {
        %add3A_216 = arith.constant 3 : i32
        %add3A_217 = arith.addi %add3A_68, %add3A_216 : i32
        %dma_start3A_218 = arith.constant 3 : i32
        %dma_start3A_219 = arith.constant 0 : i32
        %dma_start3A_220 = arith.constant 0 : i32
        %dma_start3A_221 = tpu.memref_slice %arg9[%dma_start3A_218, %dma_start3A_219, %dma_start3A_220] : memref<4x125x64xf32, #tpu.memory_space<vmem>> -> memref<1x125x64xf32, #tpu.memory_space<vmem>>
        %dma_start3A_222 = tpu.memref_squeeze %dma_start3A_221 : memref<1x125x64xf32, #tpu.memory_space<vmem>> -> memref<125x64xf32, #tpu.memory_space<vmem>>
        %dma_start3A_223 = arith.constant 0 : i32
        %dma_start3A_224 = tpu.memref_slice %arg7[%add3A_217, %dma_start3A_223] : memref<80x125xi32, #tpu.memory_space<vmem>> -> memref<1x125xi32, #tpu.memory_space<vmem>>
        %dma_start3A_225 = tpu.memref_squeeze %dma_start3A_224 : memref<1x125xi32, #tpu.memory_space<vmem>> -> memref<125xi32, #tpu.memory_space<vmem>>
        %dma_start3A_226 = arith.constant 0 : i32
        %dma_start3A_227 = arith.constant 0 : i32
        %dma_start3A_228 = tpu.memref_slice %arg2[%dma_start3A_226, %dma_start3A_227] : memref<10000x64xf32, #tpu.memory_space<hbm>> -> memref<10000x64xf32, #tpu.memory_space<hbm>>
        tpu.enqueue_indirect_dma source(%dma_start3A_228 : memref<10000x64xf32, #tpu.memory_space<hbm>>) target(%dma_start3A_222 : memref<125x64xf32, #tpu.memory_space<vmem>>) offsets(%dma_start3A_225 : memref<125xi32, #tpu.memory_space<vmem>>) semaphore(%arg14 : memref<!tpu.dma_semaphore, #tpu.memory_space<semaphore_mem>>)
      } else {
      }
      %dma_start3A_90 = arith.constant 0 : i32
      %dma_start3A_91 = arith.constant 0 : i32
      %dma_start3A_92 = arith.constant 0 : i32
      %dma_start3A_93 = tpu.memref_slice %arg9[%dma_start3A_90, %dma_start3A_91, %dma_start3A_92] : memref<4x125x64xf32, #tpu.memory_space<vmem>> -> memref<1x125x64xf32, #tpu.memory_space<vmem>>
      %dma_start3A_94 = tpu.memref_squeeze %dma_start3A_93 : memref<1x125x64xf32, #tpu.memory_space<vmem>> -> memref<125x64xf32, #tpu.memory_space<vmem>>
      %dma_start3A_95 = arith.constant 0 : i32
      %dma_start3A_96 = tpu.memref_slice %arg8[%add3A_68, %dma_start3A_95] : memref<80x125xi32, #tpu.memory_space<vmem>> -> memref<1x125xi32, #tpu.memory_space<vmem>>
      %dma_start3A_97 = tpu.memref_squeeze %dma_start3A_96 : memref<1x125xi32, #tpu.memory_space<vmem>> -> memref<125xi32, #tpu.memory_space<vmem>>
      %dma_start3A_98 = arith.constant 0 : i32
      %dma_start3A_99 = arith.constant 0 : i32
      %dma_start3A_100 = tpu.memref_slice %arg10[%dma_start3A_98, %dma_start3A_99] : memref<10000x64xf32, #tpu.memory_space<vmem_shared>> -> memref<10000x64xf32, #tpu.memory_space<vmem_shared>>
      tpu.enqueue_indirect_dma source(%dma_start3A_94 : memref<125x64xf32, #tpu.memory_space<vmem>>) target(%dma_start3A_100 : memref<10000x64xf32, #tpu.memory_space<vmem_shared>>) offsets(%dma_start3A_97 : memref<125xi32, #tpu.memory_space<vmem>>) semaphore(%arg15 : memref<!tpu.dma_semaphore, #tpu.memory_space<semaphore_mem>>) {add = true}
      %mul3A_101 = arith.constant 4 : i32
      %mul3A_102 = arith.muli %scan3A_63, %mul3A_101 : i32
      %add3A_103 = arith.constant 1 : i32
      %add3A_104 = arith.addi %mul3A_102, %add3A_103 : i32
      %dma_wait3A_105 = arith.constant 1 : i32
      %dma_wait3A_106 = arith.constant 0 : i32
      %dma_wait3A_107 = arith.constant 0 : i32
      %dma_wait3A_108 = tpu.memref_slice %arg9[%dma_wait3A_105, %dma_wait3A_106, %dma_wait3A_107] : memref<4x125x64xf32, #tpu.memory_space<vmem>> -> memref<1x125x64xf32, #tpu.memory_space<vmem>>
      %dma_wait3A_109 = tpu.memref_squeeze %dma_wait3A_108 : memref<1x125x64xf32, #tpu.memory_space<vmem>> -> memref<125x64xf32, #tpu.memory_space<vmem>>
      %dma_wait3A_110 = arith.constant 0 : i32
      %dma_wait3A_111 = tpu.memref_slice %arg7[%add3A_104, %dma_wait3A_110] : memref<80x125xi32, #tpu.memory_space<vmem>> -> memref<1x125xi32, #tpu.memory_space<vmem>>
      %dma_wait3A_112 = tpu.memref_squeeze %dma_wait3A_111 : memref<1x125xi32, #tpu.memory_space<vmem>> -> memref<125xi32, #tpu.memory_space<vmem>>
      %dma_wait3A_113 = arith.constant 0 : i32
      %dma_wait3A_114 = arith.constant 0 : i32
      %dma_wait3A_115 = tpu.memref_slice %arg2[%dma_wait3A_113, %dma_wait3A_114] : memref<10000x64xf32, #tpu.memory_space<hbm>> -> memref<10000x64xf32, #tpu.memory_space<hbm>>
      tpu.wait_indirect_dma semaphore(%arg12 : memref<!tpu.dma_semaphore, #tpu.memory_space<semaphore_mem>>) src(%dma_wait3A_115 : memref<10000x64xf32, #tpu.memory_space<hbm>>) dst(%dma_wait3A_109 : memref<125x64xf32, #tpu.memory_space<vmem>>)
      %ge3A_116 = arith.constant 1 : i32
      %ge3A_117 = arith.cmpi sge, %add3A_104, %ge3A_116 : i32
      %convert_element_type3A_118 = arith.extui %ge3A_117 : i1 to i32
      %cond3A_119 = arith.constant 0 : i32
      %cond3A_120 = arith.cmpi ne, %convert_element_type3A_118, %cond3A_119 : i32
      scf.if %cond3A_120 {
        %sub3A = arith.constant 1 : i32
        %sub3A_216 = arith.subi %add3A_104, %sub3A : i32
        %dma_wait3A_217 = arith.constant 0 : i32
        %dma_wait3A_218 = arith.constant 0 : i32
        %dma_wait3A_219 = arith.constant 0 : i32
        %dma_wait3A_220 = tpu.memref_slice %arg9[%dma_wait3A_217, %dma_wait3A_218, %dma_wait3A_219] : memref<4x125x64xf32, #tpu.memory_space<vmem>> -> memref<1x125x64xf32, #tpu.memory_space<vmem>>
        %dma_wait3A_221 = tpu.memref_squeeze %dma_wait3A_220 : memref<1x125x64xf32, #tpu.memory_space<vmem>> -> memref<125x64xf32, #tpu.memory_space<vmem>>
        %dma_wait3A_222 = arith.constant 0 : i32
        %dma_wait3A_223 = tpu.memref_slice %arg8[%sub3A_216, %dma_wait3A_222] : memref<80x125xi32, #tpu.memory_space<vmem>> -> memref<1x125xi32, #tpu.memory_space<vmem>>
        %dma_wait3A_224 = tpu.memref_squeeze %dma_wait3A_223 : memref<1x125xi32, #tpu.memory_space<vmem>> -> memref<125xi32, #tpu.memory_space<vmem>>
        %dma_wait3A_225 = arith.constant 0 : i32
        %dma_wait3A_226 = arith.constant 0 : i32
        %dma_wait3A_227 = tpu.memref_slice %arg10[%dma_wait3A_225, %dma_wait3A_226] : memref<10000x64xf32, #tpu.memory_space<vmem_shared>> -> memref<10000x64xf32, #tpu.memory_space<vmem_shared>>
        tpu.wait_indirect_dma semaphore(%arg15 : memref<!tpu.dma_semaphore, #tpu.memory_space<semaphore_mem>>) src(%dma_wait3A_221 : memref<125x64xf32, #tpu.memory_space<vmem>>) dst(%dma_wait3A_227 : memref<10000x64xf32, #tpu.memory_space<vmem_shared>>)
      } else {
      }
      %add3A_121 = arith.constant 3 : i32
      %add3A_122 = arith.addi %add3A_104, %add3A_121 : i32
      %lt3A_123 = arith.constant 80 : i32
      %lt3A_124 = arith.cmpi slt, %add3A_122, %lt3A_123 : i32
      %convert_element_type3A_125 = arith.extui %lt3A_124 : i1 to i32
      %cond3A_126 = arith.constant 0 : i32
      %cond3A_127 = arith.cmpi ne, %convert_element_type3A_125, %cond3A_126 : i32
      scf.if %cond3A_127 {
        %add3A_216 = arith.constant 3 : i32
        %add3A_217 = arith.addi %add3A_104, %add3A_216 : i32
        %dma_start3A_218 = arith.constant 0 : i32
        %dma_start3A_219 = arith.constant 0 : i32
        %dma_start3A_220 = arith.constant 0 : i32
        %dma_start3A_221 = tpu.memref_slice %arg9[%dma_start3A_218, %dma_start3A_219, %dma_start3A_220] : memref<4x125x64xf32, #tpu.memory_space<vmem>> -> memref<1x125x64xf32, #tpu.memory_space<vmem>>
        %dma_start3A_222 = tpu.memref_squeeze %dma_start3A_221 : memref<1x125x64xf32, #tpu.memory_space<vmem>> -> memref<125x64xf32, #tpu.memory_space<vmem>>
        %dma_start3A_223 = arith.constant 0 : i32
        %dma_start3A_224 = tpu.memref_slice %arg7[%add3A_217, %dma_start3A_223] : memref<80x125xi32, #tpu.memory_space<vmem>> -> memref<1x125xi32, #tpu.memory_space<vmem>>
        %dma_start3A_225 = tpu.memref_squeeze %dma_start3A_224 : memref<1x125xi32, #tpu.memory_space<vmem>> -> memref<125xi32, #tpu.memory_space<vmem>>
        %dma_start3A_226 = arith.constant 0 : i32
        %dma_start3A_227 = arith.constant 0 : i32
        %dma_start3A_228 = tpu.memref_slice %arg2[%dma_start3A_226, %dma_start3A_227] : memref<10000x64xf32, #tpu.memory_space<hbm>> -> memref<10000x64xf32, #tpu.memory_space<hbm>>
        tpu.enqueue_indirect_dma source(%dma_start3A_228 : memref<10000x64xf32, #tpu.memory_space<hbm>>) target(%dma_start3A_222 : memref<125x64xf32, #tpu.memory_space<vmem>>) offsets(%dma_start3A_225 : memref<125xi32, #tpu.memory_space<vmem>>) semaphore(%arg11 : memref<!tpu.dma_semaphore, #tpu.memory_space<semaphore_mem>>)
      } else {
      }
      %dma_start3A_128 = arith.constant 1 : i32
      %dma_start3A_129 = arith.constant 0 : i32
      %dma_start3A_130 = arith.constant 0 : i32
      %dma_start3A_131 = tpu.memref_slice %arg9[%dma_start3A_128, %dma_start3A_129, %dma_start3A_130] : memref<4x125x64xf32, #tpu.memory_space<vmem>> -> memref<1x125x64xf32, #tpu.memory_space<vmem>>
      %dma_start3A_132 = tpu.memref_squeeze %dma_start3A_131 : memref<1x125x64xf32, #tpu.memory_space<vmem>> -> memref<125x64xf32, #tpu.memory_space<vmem>>
      %dma_start3A_133 = arith.constant 0 : i32
      %dma_start3A_134 = tpu.memref_slice %arg8[%add3A_104, %dma_start3A_133] : memref<80x125xi32, #tpu.memory_space<vmem>> -> memref<1x125xi32, #tpu.memory_space<vmem>>
      %dma_start3A_135 = tpu.memref_squeeze %dma_start3A_134 : memref<1x125xi32, #tpu.memory_space<vmem>> -> memref<125xi32, #tpu.memory_space<vmem>>
      %dma_start3A_136 = arith.constant 0 : i32
      %dma_start3A_137 = arith.constant 0 : i32
      %dma_start3A_138 = tpu.memref_slice %arg10[%dma_start3A_136, %dma_start3A_137] : memref<10000x64xf32, #tpu.memory_space<vmem_shared>> -> memref<10000x64xf32, #tpu.memory_space<vmem_shared>>
      tpu.enqueue_indirect_dma source(%dma_start3A_132 : memref<125x64xf32, #tpu.memory_space<vmem>>) target(%dma_start3A_138 : memref<10000x64xf32, #tpu.memory_space<vmem_shared>>) offsets(%dma_start3A_135 : memref<125xi32, #tpu.memory_space<vmem>>) semaphore(%arg16 : memref<!tpu.dma_semaphore, #tpu.memory_space<semaphore_mem>>) {add = true}
      %mul3A_139 = arith.constant 4 : i32
      %mul3A_140 = arith.muli %scan3A_63, %mul3A_139 : i32
      %add3A_141 = arith.constant 2 : i32
      %add3A_142 = arith.addi %mul3A_140, %add3A_141 : i32
      %dma_wait3A_143 = arith.constant 2 : i32
      %dma_wait3A_144 = arith.constant 0 : i32
      %dma_wait3A_145 = arith.constant 0 : i32
      %dma_wait3A_146 = tpu.memref_slice %arg9[%dma_wait3A_143, %dma_wait3A_144, %dma_wait3A_145] : memref<4x125x64xf32, #tpu.memory_space<vmem>> -> memref<1x125x64xf32, #tpu.memory_space<vmem>>
      %dma_wait3A_147 = tpu.memref_squeeze %dma_wait3A_146 : memref<1x125x64xf32, #tpu.memory_space<vmem>> -> memref<125x64xf32, #tpu.memory_space<vmem>>
      %dma_wait3A_148 = arith.constant 0 : i32
      %dma_wait3A_149 = tpu.memref_slice %arg7[%add3A_142, %dma_wait3A_148] : memref<80x125xi32, #tpu.memory_space<vmem>> -> memref<1x125xi32, #tpu.memory_space<vmem>>
      %dma_wait3A_150 = tpu.memref_squeeze %dma_wait3A_149 : memref<1x125xi32, #tpu.memory_space<vmem>> -> memref<125xi32, #tpu.memory_space<vmem>>
      %dma_wait3A_151 = arith.constant 0 : i32
      %dma_wait3A_152 = arith.constant 0 : i32
      %dma_wait3A_153 = tpu.memref_slice %arg2[%dma_wait3A_151, %dma_wait3A_152] : memref<10000x64xf32, #tpu.memory_space<hbm>> -> memref<10000x64xf32, #tpu.memory_space<hbm>>
      tpu.wait_indirect_dma semaphore(%arg13 : memref<!tpu.dma_semaphore, #tpu.memory_space<semaphore_mem>>) src(%dma_wait3A_153 : memref<10000x64xf32, #tpu.memory_space<hbm>>) dst(%dma_wait3A_147 : memref<125x64xf32, #tpu.memory_space<vmem>>)
      %ge3A_154 = arith.constant 1 : i32
      %ge3A_155 = arith.cmpi sge, %add3A_142, %ge3A_154 : i32
      %convert_element_type3A_156 = arith.extui %ge3A_155 : i1 to i32
      %cond3A_157 = arith.constant 0 : i32
      %cond3A_158 = arith.cmpi ne, %convert_element_type3A_156, %cond3A_157 : i32
      scf.if %cond3A_158 {
        %sub3A = arith.constant 1 : i32
        %sub3A_216 = arith.subi %add3A_142, %sub3A : i32
        %dma_wait3A_217 = arith.constant 1 : i32
        %dma_wait3A_218 = arith.constant 0 : i32
        %dma_wait3A_219 = arith.constant 0 : i32
        %dma_wait3A_220 = tpu.memref_slice %arg9[%dma_wait3A_217, %dma_wait3A_218, %dma_wait3A_219] : memref<4x125x64xf32, #tpu.memory_space<vmem>> -> memref<1x125x64xf32, #tpu.memory_space<vmem>>
        %dma_wait3A_221 = tpu.memref_squeeze %dma_wait3A_220 : memref<1x125x64xf32, #tpu.memory_space<vmem>> -> memref<125x64xf32, #tpu.memory_space<vmem>>
        %dma_wait3A_222 = arith.constant 0 : i32
        %dma_wait3A_223 = tpu.memref_slice %arg8[%sub3A_216, %dma_wait3A_222] : memref<80x125xi32, #tpu.memory_space<vmem>> -> memref<1x125xi32, #tpu.memory_space<vmem>>
        %dma_wait3A_224 = tpu.memref_squeeze %dma_wait3A_223 : memref<1x125xi32, #tpu.memory_space<vmem>> -> memref<125xi32, #tpu.memory_space<vmem>>
        %dma_wait3A_225 = arith.constant 0 : i32
        %dma_wait3A_226 = arith.constant 0 : i32
        %dma_wait3A_227 = tpu.memref_slice %arg10[%dma_wait3A_225, %dma_wait3A_226] : memref<10000x64xf32, #tpu.memory_space<vmem_shared>> -> memref<10000x64xf32, #tpu.memory_space<vmem_shared>>
        tpu.wait_indirect_dma semaphore(%arg16 : memref<!tpu.dma_semaphore, #tpu.memory_space<semaphore_mem>>) src(%dma_wait3A_221 : memref<125x64xf32, #tpu.memory_space<vmem>>) dst(%dma_wait3A_227 : memref<10000x64xf32, #tpu.memory_space<vmem_shared>>)
      } else {
      }
      %add3A_159 = arith.constant 3 : i32
      %add3A_160 = arith.addi %add3A_142, %add3A_159 : i32
      %lt3A_161 = arith.constant 80 : i32
      %lt3A_162 = arith.cmpi slt, %add3A_160, %lt3A_161 : i32
      %convert_element_type3A_163 = arith.extui %lt3A_162 : i1 to i32
      %cond3A_164 = arith.constant 0 : i32
      %cond3A_165 = arith.cmpi ne, %convert_element_type3A_163, %cond3A_164 : i32
      scf.if %cond3A_165 {
        %add3A_216 = arith.constant 3 : i32
        %add3A_217 = arith.addi %add3A_142, %add3A_216 : i32
        %dma_start3A_218 = arith.constant 1 : i32
        %dma_start3A_219 = arith.constant 0 : i32
        %dma_start3A_220 = arith.constant 0 : i32
        %dma_start3A_221 = tpu.memref_slice %arg9[%dma_start3A_218, %dma_start3A_219, %dma_start3A_220] : memref<4x125x64xf32, #tpu.memory_space<vmem>> -> memref<1x125x64xf32, #tpu.memory_space<vmem>>
        %dma_start3A_222 = tpu.memref_squeeze %dma_start3A_221 : memref<1x125x64xf32, #tpu.memory_space<vmem>> -> memref<125x64xf32, #tpu.memory_space<vmem>>
        %dma_start3A_223 = arith.constant 0 : i32
        %dma_start3A_224 = tpu.memref_slice %arg7[%add3A_217, %dma_start3A_223] : memref<80x125xi32, #tpu.memory_space<vmem>> -> memref<1x125xi32, #tpu.memory_space<vmem>>
        %dma_start3A_225 = tpu.memref_squeeze %dma_start3A_224 : memref<1x125xi32, #tpu.memory_space<vmem>> -> memref<125xi32, #tpu.memory_space<vmem>>
        %dma_start3A_226 = arith.constant 0 : i32
        %dma_start3A_227 = arith.constant 0 : i32
        %dma_start3A_228 = tpu.memref_slice %arg2[%dma_start3A_226, %dma_start3A_227] : memref<10000x64xf32, #tpu.memory_space<hbm>> -> memref<10000x64xf32, #tpu.memory_space<hbm>>
        tpu.enqueue_indirect_dma source(%dma_start3A_228 : memref<10000x64xf32, #tpu.memory_space<hbm>>) target(%dma_start3A_222 : memref<125x64xf32, #tpu.memory_space<vmem>>) offsets(%dma_start3A_225 : memref<125xi32, #tpu.memory_space<vmem>>) semaphore(%arg12 : memref<!tpu.dma_semaphore, #tpu.memory_space<semaphore_mem>>)
      } else {
      }
      %dma_start3A_166 = arith.constant 2 : i32
      %dma_start3A_167 = arith.constant 0 : i32
      %dma_start3A_168 = arith.constant 0 : i32
      %dma_start3A_169 = tpu.memref_slice %arg9[%dma_start3A_166, %dma_start3A_167, %dma_start3A_168] : memref<4x125x64xf32, #tpu.memory_space<vmem>> -> memref<1x125x64xf32, #tpu.memory_space<vmem>>
      %dma_start3A_170 = tpu.memref_squeeze %dma_start3A_169 : memref<1x125x64xf32, #tpu.memory_space<vmem>> -> memref<125x64xf32, #tpu.memory_space<vmem>>
      %dma_start3A_171 = arith.constant 0 : i32
      %dma_start3A_172 = tpu.memref_slice %arg8[%add3A_142, %dma_start3A_171] : memref<80x125xi32, #tpu.memory_space<vmem>> -> memref<1x125xi32, #tpu.memory_space<vmem>>
      %dma_start3A_173 = tpu.memref_squeeze %dma_start3A_172 : memref<1x125xi32, #tpu.memory_space<vmem>> -> memref<125xi32, #tpu.memory_space<vmem>>
      %dma_start3A_174 = arith.constant 0 : i32
      %dma_start3A_175 = arith.constant 0 : i32
      %dma_start3A_176 = tpu.memref_slice %arg10[%dma_start3A_174, %dma_start3A_175] : memref<10000x64xf32, #tpu.memory_space<vmem_shared>> -> memref<10000x64xf32, #tpu.memory_space<vmem_shared>>
      tpu.enqueue_indirect_dma source(%dma_start3A_170 : memref<125x64xf32, #tpu.memory_space<vmem>>) target(%dma_start3A_176 : memref<10000x64xf32, #tpu.memory_space<vmem_shared>>) offsets(%dma_start3A_173 : memref<125xi32, #tpu.memory_space<vmem>>) semaphore(%arg17 : memref<!tpu.dma_semaphore, #tpu.memory_space<semaphore_mem>>) {add = true}
      %mul3A_177 = arith.constant 4 : i32
      %mul3A_178 = arith.muli %scan3A_63, %mul3A_177 : i32
      %add3A_179 = arith.constant 3 : i32
      %add3A_180 = arith.addi %mul3A_178, %add3A_179 : i32
      %dma_wait3A_181 = arith.constant 3 : i32
      %dma_wait3A_182 = arith.constant 0 : i32
      %dma_wait3A_183 = arith.constant 0 : i32
      %dma_wait3A_184 = tpu.memref_slice %arg9[%dma_wait3A_181, %dma_wait3A_182, %dma_wait3A_183] : memref<4x125x64xf32, #tpu.memory_space<vmem>> -> memref<1x125x64xf32, #tpu.memory_space<vmem>>
      %dma_wait3A_185 = tpu.memref_squeeze %dma_wait3A_184 : memref<1x125x64xf32, #tpu.memory_space<vmem>> -> memref<125x64xf32, #tpu.memory_space<vmem>>
      %dma_wait3A_186 = arith.constant 0 : i32
      %dma_wait3A_187 = tpu.memref_slice %arg7[%add3A_180, %dma_wait3A_186] : memref<80x125xi32, #tpu.memory_space<vmem>> -> memref<1x125xi32, #tpu.memory_space<vmem>>
      %dma_wait3A_188 = tpu.memref_squeeze %dma_wait3A_187 : memref<1x125xi32, #tpu.memory_space<vmem>> -> memref<125xi32, #tpu.memory_space<vmem>>
      %dma_wait3A_189 = arith.constant 0 : i32
      %dma_wait3A_190 = arith.constant 0 : i32
      %dma_wait3A_191 = tpu.memref_slice %arg2[%dma_wait3A_189, %dma_wait3A_190] : memref<10000x64xf32, #tpu.memory_space<hbm>> -> memref<10000x64xf32, #tpu.memory_space<hbm>>
      tpu.wait_indirect_dma semaphore(%arg14 : memref<!tpu.dma_semaphore, #tpu.memory_space<semaphore_mem>>) src(%dma_wait3A_191 : memref<10000x64xf32, #tpu.memory_space<hbm>>) dst(%dma_wait3A_185 : memref<125x64xf32, #tpu.memory_space<vmem>>)
      %ge3A_192 = arith.constant 1 : i32
      %ge3A_193 = arith.cmpi sge, %add3A_180, %ge3A_192 : i32
      %convert_element_type3A_194 = arith.extui %ge3A_193 : i1 to i32
      %cond3A_195 = arith.constant 0 : i32
      %cond3A_196 = arith.cmpi ne, %convert_element_type3A_194, %cond3A_195 : i32
      scf.if %cond3A_196 {
        %sub3A = arith.constant 1 : i32
        %sub3A_216 = arith.subi %add3A_180, %sub3A : i32
        %dma_wait3A_217 = arith.constant 2 : i32
        %dma_wait3A_218 = arith.constant 0 : i32
        %dma_wait3A_219 = arith.constant 0 : i32
        %dma_wait3A_220 = tpu.memref_slice %arg9[%dma_wait3A_217, %dma_wait3A_218, %dma_wait3A_219] : memref<4x125x64xf32, #tpu.memory_space<vmem>> -> memref<1x125x64xf32, #tpu.memory_space<vmem>>
        %dma_wait3A_221 = tpu.memref_squeeze %dma_wait3A_220 : memref<1x125x64xf32, #tpu.memory_space<vmem>> -> memref<125x64xf32, #tpu.memory_space<vmem>>
        %dma_wait3A_222 = arith.constant 0 : i32
        %dma_wait3A_223 = tpu.memref_slice %arg8[%sub3A_216, %dma_wait3A_222] : memref<80x125xi32, #tpu.memory_space<vmem>> -> memref<1x125xi32, #tpu.memory_space<vmem>>
        %dma_wait3A_224 = tpu.memref_squeeze %dma_wait3A_223 : memref<1x125xi32, #tpu.memory_space<vmem>> -> memref<125xi32, #tpu.memory_space<vmem>>
        %dma_wait3A_225 = arith.constant 0 : i32
        %dma_wait3A_226 = arith.constant 0 : i32
        %dma_wait3A_227 = tpu.memref_slice %arg10[%dma_wait3A_225, %dma_wait3A_226] : memref<10000x64xf32, #tpu.memory_space<vmem_shared>> -> memref<10000x64xf32, #tpu.memory_space<vmem_shared>>
        tpu.wait_indirect_dma semaphore(%arg17 : memref<!tpu.dma_semaphore, #tpu.memory_space<semaphore_mem>>) src(%dma_wait3A_221 : memref<125x64xf32, #tpu.memory_space<vmem>>) dst(%dma_wait3A_227 : memref<10000x64xf32, #tpu.memory_space<vmem_shared>>)
      } else {
      }
      %add3A_197 = arith.constant 3 : i32
      %add3A_198 = arith.addi %add3A_180, %add3A_197 : i32
      %lt3A_199 = arith.constant 80 : i32
      %lt3A_200 = arith.cmpi slt, %add3A_198, %lt3A_199 : i32
      %convert_element_type3A_201 = arith.extui %lt3A_200 : i1 to i32
      %cond3A_202 = arith.constant 0 : i32
      %cond3A_203 = arith.cmpi ne, %convert_element_type3A_201, %cond3A_202 : i32
      scf.if %cond3A_203 {
        %add3A_216 = arith.constant 3 : i32
        %add3A_217 = arith.addi %add3A_180, %add3A_216 : i32
        %dma_start3A_218 = arith.constant 2 : i32
        %dma_start3A_219 = arith.constant 0 : i32
        %dma_start3A_220 = arith.constant 0 : i32
        %dma_start3A_221 = tpu.memref_slice %arg9[%dma_start3A_218, %dma_start3A_219, %dma_start3A_220] : memref<4x125x64xf32, #tpu.memory_space<vmem>> -> memref<1x125x64xf32, #tpu.memory_space<vmem>>
        %dma_start3A_222 = tpu.memref_squeeze %dma_start3A_221 : memref<1x125x64xf32, #tpu.memory_space<vmem>> -> memref<125x64xf32, #tpu.memory_space<vmem>>
        %dma_start3A_223 = arith.constant 0 : i32
        %dma_start3A_224 = tpu.memref_slice %arg7[%add3A_217, %dma_start3A_223] : memref<80x125xi32, #tpu.memory_space<vmem>> -> memref<1x125xi32, #tpu.memory_space<vmem>>
        %dma_start3A_225 = tpu.memref_squeeze %dma_start3A_224 : memref<1x125xi32, #tpu.memory_space<vmem>> -> memref<125xi32, #tpu.memory_space<vmem>>
        %dma_start3A_226 = arith.constant 0 : i32
        %dma_start3A_227 = arith.constant 0 : i32
        %dma_start3A_228 = tpu.memref_slice %arg2[%dma_start3A_226, %dma_start3A_227] : memref<10000x64xf32, #tpu.memory_space<hbm>> -> memref<10000x64xf32, #tpu.memory_space<hbm>>
        tpu.enqueue_indirect_dma source(%dma_start3A_228 : memref<10000x64xf32, #tpu.memory_space<hbm>>) target(%dma_start3A_222 : memref<125x64xf32, #tpu.memory_space<vmem>>) offsets(%dma_start3A_225 : memref<125xi32, #tpu.memory_space<vmem>>) semaphore(%arg13 : memref<!tpu.dma_semaphore, #tpu.memory_space<semaphore_mem>>)
      } else {
      }
      %dma_start3A_204 = arith.constant 3 : i32
      %dma_start3A_205 = arith.constant 0 : i32
      %dma_start3A_206 = arith.constant 0 : i32
      %dma_start3A_207 = tpu.memref_slice %arg9[%dma_start3A_204, %dma_start3A_205, %dma_start3A_206] : memref<4x125x64xf32, #tpu.memory_space<vmem>> -> memref<1x125x64xf32, #tpu.memory_space<vmem>>
      %dma_start3A_208 = tpu.memref_squeeze %dma_start3A_207 : memref<1x125x64xf32, #tpu.memory_space<vmem>> -> memref<125x64xf32, #tpu.memory_space<vmem>>
      %dma_start3A_209 = arith.constant 0 : i32
      %dma_start3A_210 = tpu.memref_slice %arg8[%add3A_180, %dma_start3A_209] : memref<80x125xi32, #tpu.memory_space<vmem>> -> memref<1x125xi32, #tpu.memory_space<vmem>>
      %dma_start3A_211 = tpu.memref_squeeze %dma_start3A_210 : memref<1x125xi32, #tpu.memory_space<vmem>> -> memref<125xi32, #tpu.memory_space<vmem>>
      %dma_start3A_212 = arith.constant 0 : i32
      %dma_start3A_213 = arith.constant 0 : i32
      %dma_start3A_214 = tpu.memref_slice %arg10[%dma_start3A_212, %dma_start3A_213] : memref<10000x64xf32, #tpu.memory_space<vmem_shared>> -> memref<10000x64xf32, #tpu.memory_space<vmem_shared>>
      tpu.enqueue_indirect_dma source(%dma_start3A_208 : memref<125x64xf32, #tpu.memory_space<vmem>>) target(%dma_start3A_214 : memref<10000x64xf32, #tpu.memory_space<vmem_shared>>) offsets(%dma_start3A_211 : memref<125xi32, #tpu.memory_space<vmem>>) semaphore(%arg18 : memref<!tpu.dma_semaphore, #tpu.memory_space<semaphore_mem>>) {add = true}
      %scan3A_215 = arith.constant 0 : i32
      scf.yield %scan3A_215 : i32
    }
    %scan3A_45 = arith.constant 20 : i32
    %dma_wait3A = arith.constant 3 : i32
    %dma_wait3A_46 = arith.constant 79 : i32
    %dma_wait3A_47 = arith.constant 0 : i32
    %dma_wait3A_48 = arith.constant 0 : i32
    %dma_wait3A_49 = tpu.memref_slice %arg9[%dma_wait3A, %dma_wait3A_47, %dma_wait3A_48] : memref<4x125x64xf32, #tpu.memory_space<vmem>> -> memref<1x125x64xf32, #tpu.memory_space<vmem>>
    %dma_wait3A_50 = tpu.memref_squeeze %dma_wait3A_49 : memref<1x125x64xf32, #tpu.memory_space<vmem>> -> memref<125x64xf32, #tpu.memory_space<vmem>>
    %dma_wait3A_51 = arith.constant 0 : i32
    %dma_wait3A_52 = tpu.memref_slice %arg8[%dma_wait3A_46, %dma_wait3A_51] : memref<80x125xi32, #tpu.memory_space<vmem>> -> memref<1x125xi32, #tpu.memory_space<vmem>>
    %dma_wait3A_53 = tpu.memref_squeeze %dma_wait3A_52 : memref<1x125xi32, #tpu.memory_space<vmem>> -> memref<125xi32, #tpu.memory_space<vmem>>
    %dma_wait3A_54 = arith.constant 0 : i32
    %dma_wait3A_55 = arith.constant 0 : i32
    %dma_wait3A_56 = tpu.memref_slice %arg10[%dma_wait3A_54, %dma_wait3A_55] : memref<10000x64xf32, #tpu.memory_space<vmem_shared>> -> memref<10000x64xf32, #tpu.memory_space<vmem_shared>>
    tpu.wait_indirect_dma semaphore(%arg18 : memref<!tpu.dma_semaphore, #tpu.memory_space<semaphore_mem>>) src(%dma_wait3A_50 : memref<125x64xf32, #tpu.memory_space<vmem>>) dst(%dma_wait3A_56 : memref<10000x64xf32, #tpu.memory_space<vmem_shared>>)
    %barrier3A_57 = arith.constant 0 : index
    tpu.barrier barrier_id(%barrier3A_57)
    "tpu.region"() ({
      %run_scoped3A = tpu.sem_alloc : memref<!tpu.dma_semaphore, #tpu.memory_space<semaphore_mem>>
      %dma_start3A_63 = arith.constant 0 : i32
      %dma_start3A_64 = tpu.memref_slice %arg6[%arg0, %multiple_of3A, %dma_start3A_63] : memref<2x10000x64xf32, #tpu.memory_space<hbm>> -> memref<1x624x64xf32, #tpu.memory_space<hbm>>
      %dma_start3A_65 = tpu.memref_squeeze %dma_start3A_64 : memref<1x624x64xf32, #tpu.memory_space<hbm>> -> memref<624x64xf32, #tpu.memory_space<hbm>>
      %dma_start3A_66 = arith.constant 0 : i32
      %dma_start3A_67 = tpu.memref_slice %arg10[%multiple_of3A, %dma_start3A_66] : memref<10000x64xf32, #tpu.memory_space<vmem_shared>> -> memref<624x64xf32, #tpu.memory_space<vmem_shared>>
      tpu.enqueue_dma source(%dma_start3A_67 : memref<624x64xf32, #tpu.memory_space<vmem_shared>>) target(%dma_start3A_65 : memref<624x64xf32, #tpu.memory_space<hbm>>) target_semaphore(%run_scoped3A : memref<!tpu.dma_semaphore, #tpu.memory_space<semaphore_mem>>)
      %dma_wait3A_68 = arith.constant 0 : i32
      %dma_wait3A_69 = tpu.memref_slice %arg6[%arg0, %multiple_of3A, %dma_wait3A_68] : memref<2x10000x64xf32, #tpu.memory_space<hbm>> -> memref<1x624x64xf32, #tpu.memory_space<hbm>>
      %dma_wait3A_70 = tpu.memref_squeeze %dma_wait3A_69 : memref<1x624x64xf32, #tpu.memory_space<hbm>> -> memref<624x64xf32, #tpu.memory_space<hbm>>
      %dma_wait3A_71 = arith.constant 0 : i32
      %dma_wait3A_72 = tpu.memref_slice %arg10[%multiple_of3A, %dma_wait3A_71] : memref<10000x64xf32, #tpu.memory_space<vmem_shared>> -> memref<624x64xf32, #tpu.memory_space<vmem_shared>>
      tpu.wait_dma2 semaphore(%run_scoped3A : memref<!tpu.dma_semaphore, #tpu.memory_space<semaphore_mem>>) src(%dma_wait3A_72 : memref<624x64xf32, #tpu.memory_space<vmem_shared>>) dst(%dma_wait3A_70 : memref<624x64xf32, #tpu.memory_space<hbm>>)
      tpu.yield
    }) : () -> ()
    %eq3A_58 = arith.constant 15 : i32
    %eq3A_59 = arith.cmpi eq, %arg1, %eq3A_58 : i32
    %convert_element_type3A_60 = arith.extui %eq3A_59 : i1 to i32
    %cond3A_61 = arith.constant 0 : i32
    %cond3A_62 = arith.cmpi ne, %convert_element_type3A_60, %cond3A_61 : i32
    scf.if %cond3A_62 {
      "tpu.region"() ({
        %run_scoped3A = tpu.sem_alloc : memref<!tpu.dma_semaphore, #tpu.memory_space<semaphore_mem>>
        %dma_start3A_63 = arith.constant 9984 : i32
        %dma_start3A_64 = arith.constant 0 : i32
        %dma_start3A_65 = tpu.memref_slice %arg6[%arg0, %dma_start3A_63, %dma_start3A_64] : memref<2x10000x64xf32, #tpu.memory_space<hbm>> -> memref<1x16x64xf32, #tpu.memory_space<hbm>>
        %dma_start3A_66 = tpu.memref_squeeze %dma_start3A_65 : memref<1x16x64xf32, #tpu.memory_space<hbm>> -> memref<16x64xf32, #tpu.memory_space<hbm>>
        %dma_start3A_67 = arith.constant 9984 : i32
        %dma_start3A_68 = arith.constant 0 : i32
        %dma_start3A_69 = tpu.memref_slice %arg10[%dma_start3A_67, %dma_start3A_68] : memref<10000x64xf32, #tpu.memory_space<vmem_shared>> -> memref<16x64xf32, #tpu.memory_space<vmem_shared>>
        tpu.enqueue_dma source(%dma_start3A_69 : memref<16x64xf32, #tpu.memory_space<vmem_shared>>) target(%dma_start3A_66 : memref<16x64xf32, #tpu.memory_space<hbm>>) target_semaphore(%run_scoped3A : memref<!tpu.dma_semaphore, #tpu.memory_space<semaphore_mem>>)
        %dma_wait3A_70 = arith.constant 9984 : i32
        %dma_wait3A_71 = arith.constant 0 : i32
        %dma_wait3A_72 = tpu.memref_slice %arg6[%arg0, %dma_wait3A_70, %dma_wait3A_71] : memref<2x10000x64xf32, #tpu.memory_space<hbm>> -> memref<1x16x64xf32, #tpu.memory_space<hbm>>
        %dma_wait3A_73 = tpu.memref_squeeze %dma_wait3A_72 : memref<1x16x64xf32, #tpu.memory_space<hbm>> -> memref<16x64xf32, #tpu.memory_space<hbm>>
        %dma_wait3A_74 = arith.constant 9984 : i32
        %dma_wait3A_75 = arith.constant 0 : i32
        %dma_wait3A_76 = tpu.memref_slice %arg10[%dma_wait3A_74, %dma_wait3A_75] : memref<10000x64xf32, #tpu.memory_space<vmem_shared>> -> memref<16x64xf32, #tpu.memory_space<vmem_shared>>
        tpu.wait_dma2 semaphore(%run_scoped3A : memref<!tpu.dma_semaphore, #tpu.memory_space<semaphore_mem>>) src(%dma_wait3A_76 : memref<16x64xf32, #tpu.memory_space<vmem_shared>>) dst(%dma_wait3A_73 : memref<16x64xf32, #tpu.memory_space<hbm>>)
        tpu.yield
      }) : () -> ()
    } else {
    }
    return
  }
}

#map = affine_map<(d0, d1) -> (0, 0)>
module attributes {stable_mosaic.version = 14 : i64} {
  func.func @k(%arg0: i32, %arg1: i32, %arg2: memref<2x320000xi32, #tpu.memory_space<hbm>>, %arg3: memref<32x10000xf32, #tpu.memory_space<hbm>>, %arg4: memref<32x10000xf32, #tpu.memory_space<hbm>>, %arg5: memref<10000xi32, #tpu.memory_space<vmem>>, %arg6: memref<10000xf32, #tpu.memory_space<vmem>>) attributes {dimension_semantics = [#tpu.dimension_semantics<core_parallel>, #tpu.dimension_semantics<subcore_parallel>], iteration_bounds = array<i64: 2, 16>, scalar_prefetch = 0 : i64, scratch_operands = 2 : i64, tpu.core_type = #tpu.core_type<sc_vector_subcore>, window_params = [{transform_indices = #map}, {transform_indices = #map}, {transform_indices = #map}]} {
    %mul3A = arith.constant 2 : i32
    %mul3A_0 = arith.muli %arg1, %mul3A : i32
    %add3A = arith.addi %mul3A_0, %arg0 : i32
    %broadcast_in_dim3A = arith.constant 0.000000e+00 : f32
    %broadcast_in_dim3A_1 = vector.broadcast %broadcast_in_dim3A : f32 to vector<16xf32>
    %broadcast_in_dim3A_2 = arith.constant 1.000000e+00 : f32
    %broadcast_in_dim3A_3 = vector.broadcast %broadcast_in_dim3A_2 : f32 to vector<16xf32>
    %scan3A = arith.constant 0 : i32
    %scan3A_4 = arith.constant 0 : i32
    %scan3A_5 = arith.constant 625 : i32
    %scan3A_6 = arith.addi %scan3A_4, %scan3A_5 : i32
    %scan3A_7 = arith.constant 1 : i32
    %scan3A_8 = scf.for %scan3A_36 = %scan3A_4 to %scan3A_6 step %scan3A_7 iter_args(%scan3A_37 = %scan3A) -> (i32)  : i32 {
      %mul3A_38 = arith.constant 16 : i32
      %mul3A_39 = arith.muli %scan3A_36, %mul3A_38 : i32
      %swap3A = arith.index_cast %mul3A_39 : i32 to index
      %swap3A_40 = tpu.vector_load %arg6[%swap3A] {strides = array<i32>} : memref<10000xf32, #tpu.memory_space<vmem>>, vector<16xf32>,
      tpu.vector_store %arg6[%swap3A], %broadcast_in_dim3A_1 {strides = array<i32>} : memref<10000xf32, #tpu.memory_space<vmem>>, vector<16xf32>,
      %scan3A_41 = arith.constant 0 : i32
      scf.yield %scan3A_41 : i32
    }
    %scan3A_9 = arith.constant 625 : i32
    %mul3A_10 = arith.constant 10000 : i32
    %mul3A_11 = arith.muli %add3A, %mul3A_10 : i32
    %run_scoped3A = arith.constant 0 : i32
    "tpu.region"() ({
      %run_scoped3A_36 = tpu.sem_alloc : memref<!tpu.dma_semaphore, #tpu.memory_space<semaphore_mem>>
      %dma_start3A = tpu.memref_slice %arg2[%run_scoped3A, %mul3A_11] : memref<2x320000xi32, #tpu.memory_space<hbm>> -> memref<1x10000xi32, #tpu.memory_space<hbm>>
      %dma_start3A_37 = tpu.memref_squeeze %dma_start3A : memref<1x10000xi32, #tpu.memory_space<hbm>> -> memref<10000xi32, #tpu.memory_space<hbm>>
      %dma_start3A_38 = tpu.memref_slice %arg2[%run_scoped3A, %mul3A_11] : memref<2x320000xi32, #tpu.memory_space<hbm>> -> memref<1x10000xi32, #tpu.memory_space<hbm>>
      %dma_start3A_39 = tpu.memref_squeeze %dma_start3A_38 : memref<1x10000xi32, #tpu.memory_space<hbm>> -> memref<10000xi32, #tpu.memory_space<hbm>>
      tpu.enqueue_dma source(%dma_start3A_39 : memref<10000xi32, #tpu.memory_space<hbm>>) target(%arg5 : memref<10000xi32, #tpu.memory_space<vmem>>) target_semaphore(%run_scoped3A_36 : memref<!tpu.dma_semaphore, #tpu.memory_space<semaphore_mem>>)
      %dma_wait3A = tpu.memref_slice %arg2[%run_scoped3A, %mul3A_11] : memref<2x320000xi32, #tpu.memory_space<hbm>> -> memref<1x10000xi32, #tpu.memory_space<hbm>>
      %dma_wait3A_40 = tpu.memref_squeeze %dma_wait3A : memref<1x10000xi32, #tpu.memory_space<hbm>> -> memref<10000xi32, #tpu.memory_space<hbm>>
      %dma_wait3A_41 = tpu.memref_slice %arg2[%run_scoped3A, %mul3A_11] : memref<2x320000xi32, #tpu.memory_space<hbm>> -> memref<1x10000xi32, #tpu.memory_space<hbm>>
      %dma_wait3A_42 = tpu.memref_squeeze %dma_wait3A_41 : memref<1x10000xi32, #tpu.memory_space<hbm>> -> memref<10000xi32, #tpu.memory_space<hbm>>
      tpu.wait_dma2 semaphore(%run_scoped3A_36 : memref<!tpu.dma_semaphore, #tpu.memory_space<semaphore_mem>>) src(%dma_wait3A_42 : memref<10000xi32, #tpu.memory_space<hbm>>) dst(%arg5 : memref<10000xi32, #tpu.memory_space<vmem>>)
      tpu.yield
    }) : () -> ()
    %scan3A_12 = arith.constant 0 : i32
    %scan3A_13 = arith.constant 0 : i32
    %scan3A_14 = arith.constant 625 : i32
    %scan3A_15 = arith.addi %scan3A_13, %scan3A_14 : i32
    %scan3A_16 = arith.constant 1 : i32
    %scan3A_17 = scf.for %scan3A_36 = %scan3A_13 to %scan3A_15 step %scan3A_16 iter_args(%scan3A_37 = %scan3A_12) -> (i32)  : i32 {
      %mul3A_38 = arith.constant 16 : i32
      %mul3A_39 = arith.muli %scan3A_36, %mul3A_38 : i32
      %get3A = arith.index_cast %mul3A_39 : i32 to index
      %get3A_40 = tpu.vector_load %arg5[%get3A] {strides = array<i32>} : memref<10000xi32, #tpu.memory_space<vmem>>, vector<16xi32>,
      tpu.vector_store_idx %arg6[%get3A_40], %broadcast_in_dim3A_3 {add = true} : memref<10000xf32, #tpu.memory_space<vmem>>[vector<16xi32>], vector<16xf32>,
      %scan3A_41 = arith.constant 0 : i32
      scf.yield %scan3A_41 : i32
    }
    %scan3A_18 = arith.constant 625 : i32
    "tpu.region"() ({
      %run_scoped3A_36 = tpu.sem_alloc : memref<!tpu.dma_semaphore, #tpu.memory_space<semaphore_mem>>
      %dma_start3A = arith.constant 0 : i32
      %dma_start3A_37 = tpu.memref_slice %arg3[%add3A, %dma_start3A] : memref<32x10000xf32, #tpu.memory_space<hbm>> -> memref<1x10000xf32, #tpu.memory_space<hbm>>
      %dma_start3A_38 = tpu.memref_squeeze %dma_start3A_37 : memref<1x10000xf32, #tpu.memory_space<hbm>> -> memref<10000xf32, #tpu.memory_space<hbm>>
      %dma_start3A_39 = arith.constant 0 : i32
      %dma_start3A_40 = tpu.memref_slice %arg3[%add3A, %dma_start3A_39] : memref<32x10000xf32, #tpu.memory_space<hbm>> -> memref<1x10000xf32, #tpu.memory_space<hbm>>
      %dma_start3A_41 = tpu.memref_squeeze %dma_start3A_40 : memref<1x10000xf32, #tpu.memory_space<hbm>> -> memref<10000xf32, #tpu.memory_space<hbm>>
      tpu.enqueue_dma source(%arg6 : memref<10000xf32, #tpu.memory_space<vmem>>) target(%dma_start3A_41 : memref<10000xf32, #tpu.memory_space<hbm>>) target_semaphore(%run_scoped3A_36 : memref<!tpu.dma_semaphore, #tpu.memory_space<semaphore_mem>>)
      %dma_wait3A = arith.constant 0 : i32
      %dma_wait3A_42 = tpu.memref_slice %arg3[%add3A, %dma_wait3A] : memref<32x10000xf32, #tpu.memory_space<hbm>> -> memref<1x10000xf32, #tpu.memory_space<hbm>>
      %dma_wait3A_43 = tpu.memref_squeeze %dma_wait3A_42 : memref<1x10000xf32, #tpu.memory_space<hbm>> -> memref<10000xf32, #tpu.memory_space<hbm>>
      %dma_wait3A_44 = arith.constant 0 : i32
      %dma_wait3A_45 = tpu.memref_slice %arg3[%add3A, %dma_wait3A_44] : memref<32x10000xf32, #tpu.memory_space<hbm>> -> memref<1x10000xf32, #tpu.memory_space<hbm>>
      %dma_wait3A_46 = tpu.memref_squeeze %dma_wait3A_45 : memref<1x10000xf32, #tpu.memory_space<hbm>> -> memref<10000xf32, #tpu.memory_space<hbm>>
      tpu.wait_dma2 semaphore(%run_scoped3A_36 : memref<!tpu.dma_semaphore, #tpu.memory_space<semaphore_mem>>) src(%arg6 : memref<10000xf32, #tpu.memory_space<vmem>>) dst(%dma_wait3A_46 : memref<10000xf32, #tpu.memory_space<hbm>>)
      tpu.yield
    }) : () -> ()
    %scan3A_19 = arith.constant 0 : i32
    %scan3A_20 = arith.constant 0 : i32
    %scan3A_21 = arith.constant 625 : i32
    %scan3A_22 = arith.addi %scan3A_20, %scan3A_21 : i32
    %scan3A_23 = arith.constant 1 : i32
    %scan3A_24 = scf.for %scan3A_36 = %scan3A_20 to %scan3A_22 step %scan3A_23 iter_args(%scan3A_37 = %scan3A_19) -> (i32)  : i32 {
      %mul3A_38 = arith.constant 16 : i32
      %mul3A_39 = arith.muli %scan3A_36, %mul3A_38 : i32
      %swap3A = arith.index_cast %mul3A_39 : i32 to index
      %swap3A_40 = tpu.vector_load %arg6[%swap3A] {strides = array<i32>} : memref<10000xf32, #tpu.memory_space<vmem>>, vector<16xf32>,
      tpu.vector_store %arg6[%swap3A], %broadcast_in_dim3A_1 {strides = array<i32>} : memref<10000xf32, #tpu.memory_space<vmem>>, vector<16xf32>,
      %scan3A_41 = arith.constant 0 : i32
      scf.yield %scan3A_41 : i32
    }
    %scan3A_25 = arith.constant 625 : i32
    %mul3A_26 = arith.constant 10000 : i32
    %mul3A_27 = arith.muli %add3A, %mul3A_26 : i32
    %run_scoped3A_28 = arith.constant 1 : i32
    "tpu.region"() ({
      %run_scoped3A_36 = tpu.sem_alloc : memref<!tpu.dma_semaphore, #tpu.memory_space<semaphore_mem>>
      %dma_start3A = tpu.memref_slice %arg2[%run_scoped3A_28, %mul3A_27] : memref<2x320000xi32, #tpu.memory_space<hbm>> -> memref<1x10000xi32, #tpu.memory_space<hbm>>
      %dma_start3A_37 = tpu.memref_squeeze %dma_start3A : memref<1x10000xi32, #tpu.memory_space<hbm>> -> memref<10000xi32, #tpu.memory_space<hbm>>
      %dma_start3A_38 = tpu.memref_slice %arg2[%run_scoped3A_28, %mul3A_27] : memref<2x320000xi32, #tpu.memory_space<hbm>> -> memref<1x10000xi32, #tpu.memory_space<hbm>>
      %dma_start3A_39 = tpu.memref_squeeze %dma_start3A_38 : memref<1x10000xi32, #tpu.memory_space<hbm>> -> memref<10000xi32, #tpu.memory_space<hbm>>
      tpu.enqueue_dma source(%dma_start3A_39 : memref<10000xi32, #tpu.memory_space<hbm>>) target(%arg5 : memref<10000xi32, #tpu.memory_space<vmem>>) target_semaphore(%run_scoped3A_36 : memref<!tpu.dma_semaphore, #tpu.memory_space<semaphore_mem>>)
      %dma_wait3A = tpu.memref_slice %arg2[%run_scoped3A_28, %mul3A_27] : memref<2x320000xi32, #tpu.memory_space<hbm>> -> memref<1x10000xi32, #tpu.memory_space<hbm>>
      %dma_wait3A_40 = tpu.memref_squeeze %dma_wait3A : memref<1x10000xi32, #tpu.memory_space<hbm>> -> memref<10000xi32, #tpu.memory_space<hbm>>
      %dma_wait3A_41 = tpu.memref_slice %arg2[%run_scoped3A_28, %mul3A_27] : memref<2x320000xi32, #tpu.memory_space<hbm>> -> memref<1x10000xi32, #tpu.memory_space<hbm>>
      %dma_wait3A_42 = tpu.memref_squeeze %dma_wait3A_41 : memref<1x10000xi32, #tpu.memory_space<hbm>> -> memref<10000xi32, #tpu.memory_space<hbm>>
      tpu.wait_dma2 semaphore(%run_scoped3A_36 : memref<!tpu.dma_semaphore, #tpu.memory_space<semaphore_mem>>) src(%dma_wait3A_42 : memref<10000xi32, #tpu.memory_space<hbm>>) dst(%arg5 : memref<10000xi32, #tpu.memory_space<vmem>>)
      tpu.yield
    }) : () -> ()
    %scan3A_29 = arith.constant 0 : i32
    %scan3A_30 = arith.constant 0 : i32
    %scan3A_31 = arith.constant 625 : i32
    %scan3A_32 = arith.addi %scan3A_30, %scan3A_31 : i32
    %scan3A_33 = arith.constant 1 : i32
    %scan3A_34 = scf.for %scan3A_36 = %scan3A_30 to %scan3A_32 step %scan3A_33 iter_args(%scan3A_37 = %scan3A_29) -> (i32)  : i32 {
      %mul3A_38 = arith.constant 16 : i32
      %mul3A_39 = arith.muli %scan3A_36, %mul3A_38 : i32
      %get3A = arith.index_cast %mul3A_39 : i32 to index
      %get3A_40 = tpu.vector_load %arg5[%get3A] {strides = array<i32>} : memref<10000xi32, #tpu.memory_space<vmem>>, vector<16xi32>,
      tpu.vector_store_idx %arg6[%get3A_40], %broadcast_in_dim3A_3 {add = true} : memref<10000xf32, #tpu.memory_space<vmem>>[vector<16xi32>], vector<16xf32>,
      %scan3A_41 = arith.constant 0 : i32
      scf.yield %scan3A_41 : i32
    }
    %scan3A_35 = arith.constant 625 : i32
    "tpu.region"() ({
      %run_scoped3A_36 = tpu.sem_alloc : memref<!tpu.dma_semaphore, #tpu.memory_space<semaphore_mem>>
      %dma_start3A = arith.constant 0 : i32
      %dma_start3A_37 = tpu.memref_slice %arg4[%add3A, %dma_start3A] : memref<32x10000xf32, #tpu.memory_space<hbm>> -> memref<1x10000xf32, #tpu.memory_space<hbm>>
      %dma_start3A_38 = tpu.memref_squeeze %dma_start3A_37 : memref<1x10000xf32, #tpu.memory_space<hbm>> -> memref<10000xf32, #tpu.memory_space<hbm>>
      %dma_start3A_39 = arith.constant 0 : i32
      %dma_start3A_40 = tpu.memref_slice %arg4[%add3A, %dma_start3A_39] : memref<32x10000xf32, #tpu.memory_space<hbm>> -> memref<1x10000xf32, #tpu.memory_space<hbm>>
      %dma_start3A_41 = tpu.memref_squeeze %dma_start3A_40 : memref<1x10000xf32, #tpu.memory_space<hbm>> -> memref<10000xf32, #tpu.memory_space<hbm>>
      tpu.enqueue_dma source(%arg6 : memref<10000xf32, #tpu.memory_space<vmem>>) target(%dma_start3A_41 : memref<10000xf32, #tpu.memory_space<hbm>>) target_semaphore(%run_scoped3A_36 : memref<!tpu.dma_semaphore, #tpu.memory_space<semaphore_mem>>)
      %dma_wait3A = arith.constant 0 : i32
      %dma_wait3A_42 = tpu.memref_slice %arg4[%add3A, %dma_wait3A] : memref<32x10000xf32, #tpu.memory_space<hbm>> -> memref<1x10000xf32, #tpu.memory_space<hbm>>
      %dma_wait3A_43 = tpu.memref_squeeze %dma_wait3A_42 : memref<1x10000xf32, #tpu.memory_space<hbm>> -> memref<10000xf32, #tpu.memory_space<hbm>>
      %dma_wait3A_44 = arith.constant 0 : i32
      %dma_wait3A_45 = tpu.memref_slice %arg4[%add3A, %dma_wait3A_44] : memref<32x10000xf32, #tpu.memory_space<hbm>> -> memref<1x10000xf32, #tpu.memory_space<hbm>>
      %dma_wait3A_46 = tpu.memref_squeeze %dma_wait3A_45 : memref<1x10000xf32, #tpu.memory_space<hbm>> -> memref<10000xf32, #tpu.memory_space<hbm>>
      tpu.wait_dma2 semaphore(%run_scoped3A_36 : memref<!tpu.dma_semaphore, #tpu.memory_space<semaphore_mem>>) src(%arg6 : memref<10000xf32, #tpu.memory_space<vmem>>) dst(%dma_wait3A_46 : memref<10000xf32, #tpu.memory_space<hbm>>)
      tpu.yield
    }) : () -> ()
    return
  }
}

module attributes {stable_mosaic.version = 14 : i64} {
  func.func @_mm1_body(%arg0: memref<10000x128xf32, #tpu.memory_space<vmem>>, %arg1: memref<128x128xf32, #tpu.memory_space<vmem>>, %arg2: memref<32x10000xf32, #tpu.memory_space<vmem>>, %arg3: memref<32x10000xf32, #tpu.memory_space<vmem>>, %arg4: memref<10000x64xf32, #tpu.memory_space<vmem>>, %arg5: memref<10000x64xf32, #tpu.memory_space<vmem>>, %arg6: memref<10000x1xf32, #tpu.memory_space<vmem>>, %arg7: memref<10000x1xf32, #tpu.memory_space<vmem>>) attributes {dimension_semantics = [], scalar_prefetch = 0 : i64, scratch_operands = 0 : i64, tpu.core_type = #tpu.core_type<tc>} {
    %get3A = arith.constant 0 : index
    %get3A_0 = arith.constant 0 : index
    %get3A_1 = vector.load %arg2[%get3A, %get3A_0] : memref<32x10000xf32, #tpu.memory_space<vmem>>, vector<32x10000xf32>
    %reduce_sum3A = arith.constant dense<0.000000e+00> : vector<10000xf32>
    %reduce_sum3A_2 = vector.multi_reduction <add>, %get3A_1, %reduce_sum3A [0] : vector<32x10000xf32> to vector<10000xf32>
    %max3A = arith.constant 1.000000e+00 : f32
    %max3A_3 = vector.broadcast %max3A : f32 to vector<10000xf32>
    %max3A_4 = arith.maximumf %reduce_sum3A_2, %max3A_3 : vector<10000xf32>
    %rsqrt3A = math.rsqrt %max3A_4 : vector<10000xf32>
    %broadcast_in_dim3A = vector.shape_cast %rsqrt3A : vector<10000xf32> to vector<10000x1xf32>
    %get3A_5 = arith.constant 0 : index
    %get3A_6 = arith.constant 0 : index
    %get3A_7 = vector.load %arg3[%get3A_5, %get3A_6] : memref<32x10000xf32, #tpu.memory_space<vmem>>, vector<32x10000xf32>
    %reduce_sum3A_8 = arith.constant dense<0.000000e+00> : vector<10000xf32>
    %reduce_sum3A_9 = vector.multi_reduction <add>, %get3A_7, %reduce_sum3A_8 [0] : vector<32x10000xf32> to vector<10000xf32>
    %max3A_10 = arith.constant 1.000000e+00 : f32
    %max3A_11 = vector.broadcast %max3A_10 : f32 to vector<10000xf32>
    %max3A_12 = arith.maximumf %reduce_sum3A_9, %max3A_11 : vector<10000xf32>
    %rsqrt3A_13 = math.rsqrt %max3A_12 : vector<10000xf32>
    %broadcast_in_dim3A_14 = vector.shape_cast %rsqrt3A_13 : vector<10000xf32> to vector<10000x1xf32>
    %swap3A = arith.constant 0 : index
    %swap3A_15 = arith.constant 0 : index
    %swap3A_16 = vector.load %arg6[%swap3A, %swap3A_15] : memref<10000x1xf32, #tpu.memory_space<vmem>>, vector<10000x1xf32>
    tpu.vector_store %arg6[%swap3A, %swap3A_15], %broadcast_in_dim3A {strides = array<i32>} : memref<10000x1xf32, #tpu.memory_space<vmem>>, vector<10000x1xf32>,
    %swap3A_17 = arith.constant 0 : index
    %swap3A_18 = arith.constant 0 : index
    %swap3A_19 = vector.load %arg7[%swap3A_17, %swap3A_18] : memref<10000x1xf32, #tpu.memory_space<vmem>>, vector<10000x1xf32>
    tpu.vector_store %arg7[%swap3A_17, %swap3A_18], %broadcast_in_dim3A_14 {strides = array<i32>} : memref<10000x1xf32, #tpu.memory_space<vmem>>, vector<10000x1xf32>,
    %get3A_20 = arith.constant 0 : index
    %get3A_21 = arith.constant 0 : index
    %get3A_22 = vector.load %arg0[%get3A_20, %get3A_21] : memref<10000x128xf32, #tpu.memory_space<vmem>>, vector<10000x128xf32>
    %mul3A = vector.broadcast %broadcast_in_dim3A : vector<10000x1xf32> to vector<10000x128xf32>
    %mul3A_23 = arith.mulf %get3A_22, %mul3A : vector<10000x128xf32>
    %get3A_24 = arith.constant 0 : index
    %get3A_25 = arith.constant 0 : index
    %get3A_26 = vector.load %arg1[%get3A_24, %get3A_25] : memref<128x128xf32, #tpu.memory_space<vmem>>, vector<128x128xf32>
    %dot_general3A = arith.constant dense<0.000000e+00> : vector<10000x128xf32>
    %dot_general3A_27 = tpu.matmul %mul3A_23, %get3A_26, %dot_general3A {dimension_numbers = #tpu.dot_dimension_numbers<[1], [0], [0], [1], [0, 0, 1, 1], [], []>, transpose_lhs_hint = false} : vector<10000x128xf32>, vector<128x128xf32>, vector<10000x128xf32> -> vector<10000x128xf32>
    %slice3A = vector.extract_strided_slice %dot_general3A_27 {offsets = [0, 0], sizes = [10000, 64], strides = [1, 1]} : vector<10000x128xf32> to vector<10000x64xf32>
    %swap3A_28 = arith.constant 0 : index
    %swap3A_29 = arith.constant 0 : index
    %swap3A_30 = vector.load %arg4[%swap3A_28, %swap3A_29] : memref<10000x64xf32, #tpu.memory_space<vmem>>, vector<10000x64xf32>
    tpu.vector_store %arg4[%swap3A_28, %swap3A_29], %slice3A {strides = array<i32>} : memref<10000x64xf32, #tpu.memory_space<vmem>>, vector<10000x64xf32>,
    %slice3A_31 = vector.extract_strided_slice %dot_general3A_27 {offsets = [0, 64], sizes = [10000, 64], strides = [1, 1]} : vector<10000x128xf32> to vector<10000x64xf32>
    %swap3A_32 = arith.constant 0 : index
    %swap3A_33 = arith.constant 0 : index
    %swap3A_34 = vector.load %arg5[%swap3A_32, %swap3A_33] : memref<10000x64xf32, #tpu.memory_space<vmem>>, vector<10000x64xf32>
    tpu.vector_store %arg5[%swap3A_32, %swap3A_33], %slice3A_31 {strides = array<i32>} : memref<10000x64xf32, #tpu.memory_space<vmem>>, vector<10000x64xf32>,
    return
  }
}

module attributes {stable_mosaic.version = 14 : i64} {
  func.func @_mm2_body(%arg0: i32, %arg1: memref<2x1000x128xf32, #tpu.memory_space<vmem>>, %arg2: memref<2x1000x128xf32, #tpu.memory_space<vmem>>, %arg3: memref<1000x128xf32, #tpu.memory_space<vmem>>, %arg4: memref<1000x128xf32, #tpu.memory_space<vmem>>, %arg5: memref<128x64xf32, #tpu.memory_space<vmem>>, %arg6: memref<1000x128xf32, #tpu.memory_space<vmem>>) attributes {dimension_semantics = [#tpu.dimension_semantics<arbitrary>], iteration_bounds = array<i64: 5>, scalar_prefetch = 0 : i64, scratch_operands = 0 : i64, tpu.core_type = #tpu.core_type<tc>, window_params = [{transform_indices = @transform_0, window_bounds = array<i64: 2, 1000, 128>}, {transform_indices = @transform_1, window_bounds = array<i64: 2, 1000, 128>}, {transform_indices = @transform_2, window_bounds = array<i64: 1000, 128>}, {transform_indices = @transform_3, window_bounds = array<i64: 1000, 128>}, {pipeline_mode = #tpu.pipeline_mode<synchronous>, transform_indices = @transform_4, window_bounds = array<i64: 128, 64>}, {transform_indices = @transform_5, window_bounds = array<i64: 1000, 128>}]} {
    %get3A = arith.constant 0 : index
    %get3A_0 = arith.constant 0 : index
    %get3A_1 = vector.load %arg4[%get3A, %get3A_0] : memref<1000x128xf32, #tpu.memory_space<vmem>>, vector<1000x128xf32>
    %get3A_2 = arith.constant 0 : index
    %get3A_3 = arith.constant 0 : index
    %get3A_4 = vector.load %arg3[%get3A_2, %get3A_3] : memref<1000x128xf32, #tpu.memory_space<vmem>>, vector<1000x128xf32>
    %get3A_5 = arith.constant 0 : index
    %get3A_6 = arith.constant 0 : index
    %get3A_7 = arith.constant 0 : index
    %get3A_8 = vector.load %arg1[%get3A_5, %get3A_6, %get3A_7] : memref<2x1000x128xf32, #tpu.memory_space<vmem>>, vector<1x1000x128xf32>
    %get3A_9 = vector.shape_cast %get3A_8 : vector<1x1000x128xf32> to vector<1000x128xf32>
    %get3A_10 = arith.constant 1 : index
    %get3A_11 = arith.constant 0 : index
    %get3A_12 = arith.constant 0 : index
    %get3A_13 = vector.load %arg1[%get3A_10, %get3A_11, %get3A_12] : memref<2x1000x128xf32, #tpu.memory_space<vmem>>, vector<1x1000x128xf32>
    %get3A_14 = vector.shape_cast %get3A_13 : vector<1x1000x128xf32> to vector<1000x128xf32>
    %add3A = arith.addf %get3A_9, %get3A_14 : vector<1000x128xf32>
    %mul3A = arith.mulf %add3A, %get3A_1 : vector<1000x128xf32>
    %max3A = arith.constant 0.000000e+00 : f32
    %max3A_15 = vector.broadcast %max3A : f32 to vector<1000x128xf32>
    %max3A_16 = arith.maximumf %mul3A, %max3A_15 : vector<1000x128xf32>
    %mul3A_17 = arith.mulf %max3A_16, %get3A_4 : vector<1000x128xf32>
    %get3A_18 = arith.constant 0 : index
    %get3A_19 = arith.constant 0 : index
    %get3A_20 = arith.constant 0 : index
    %get3A_21 = vector.load %arg2[%get3A_18, %get3A_19, %get3A_20] : memref<2x1000x128xf32, #tpu.memory_space<vmem>>, vector<1x1000x128xf32>
    %get3A_22 = vector.shape_cast %get3A_21 : vector<1x1000x128xf32> to vector<1000x128xf32>
    %get3A_23 = arith.constant 1 : index
    %get3A_24 = arith.constant 0 : index
    %get3A_25 = arith.constant 0 : index
    %get3A_26 = vector.load %arg2[%get3A_23, %get3A_24, %get3A_25] : memref<2x1000x128xf32, #tpu.memory_space<vmem>>, vector<1x1000x128xf32>
    %get3A_27 = vector.shape_cast %get3A_26 : vector<1x1000x128xf32> to vector<1000x128xf32>
    %add3A_28 = arith.addf %get3A_22, %get3A_27 : vector<1000x128xf32>
    %mul3A_29 = arith.mulf %add3A_28, %get3A_1 : vector<1000x128xf32>
    %max3A_30 = arith.constant 0.000000e+00 : f32
    %max3A_31 = vector.broadcast %max3A_30 : f32 to vector<1000x128xf32>
    %max3A_32 = arith.maximumf %mul3A_29, %max3A_31 : vector<1000x128xf32>
    %mul3A_33 = arith.mulf %max3A_32, %get3A_4 : vector<1000x128xf32>
    %get3A_34 = arith.constant 0 : index
    %get3A_35 = arith.constant 0 : index
    %get3A_36 = vector.load %arg5[%get3A_34, %get3A_35] : memref<128x64xf32, #tpu.memory_space<vmem>>, vector<128x64xf32>
    %broadcast_in_dim3A = arith.constant 0.000000e+00 : f32
    %broadcast_in_dim3A_37 = vector.broadcast %broadcast_in_dim3A : f32 to vector<64x64xf32>
    %slice3A = vector.extract_strided_slice %get3A_36 {offsets = [0, 0], sizes = [64, 64], strides = [1, 1]} : vector<128x64xf32> to vector<64x64xf32>
    %concatenate3A = tpu.concatenate %slice3A, %broadcast_in_dim3A_37 in 1 : vector<64x64xf32>, vector<64x64xf32> -> vector<64x128xf32>
    %slice3A_38 = vector.extract_strided_slice %get3A_36 {offsets = [0, 0], sizes = [64, 64], strides = [1, 1]} : vector<128x64xf32> to vector<64x64xf32>
    %concatenate3A_39 = tpu.concatenate %broadcast_in_dim3A_37, %slice3A_38 in 1 : vector<64x64xf32>, vector<64x64xf32> -> vector<64x128xf32>
    %concatenate3A_40 = tpu.concatenate %concatenate3A, %concatenate3A_39 in 0 : vector<64x128xf32>, vector<64x128xf32> -> vector<128x128xf32>
    %slice3A_41 = vector.extract_strided_slice %get3A_36 {offsets = [64, 0], sizes = [64, 64], strides = [1, 1]} : vector<128x64xf32> to vector<64x64xf32>
    %concatenate3A_42 = tpu.concatenate %slice3A_41, %broadcast_in_dim3A_37 in 1 : vector<64x64xf32>, vector<64x64xf32> -> vector<64x128xf32>
    %slice3A_43 = vector.extract_strided_slice %get3A_36 {offsets = [64, 0], sizes = [64, 64], strides = [1, 1]} : vector<128x64xf32> to vector<64x64xf32>
    %concatenate3A_44 = tpu.concatenate %broadcast_in_dim3A_37, %slice3A_43 in 1 : vector<64x64xf32>, vector<64x64xf32> -> vector<64x128xf32>
    %concatenate3A_45 = tpu.concatenate %concatenate3A_42, %concatenate3A_44 in 0 : vector<64x128xf32>, vector<64x128xf32> -> vector<128x128xf32>
    %dot_general3A = arith.constant dense<0.000000e+00> : vector<1000x128xf32>
    %dot_general3A_46 = tpu.matmul %mul3A_17, %concatenate3A_40, %dot_general3A {dimension_numbers = #tpu.dot_dimension_numbers<[1], [0], [0], [1], [0, 0, 1, 1], [], []>, transpose_lhs_hint = false} : vector<1000x128xf32>, vector<128x128xf32>, vector<1000x128xf32> -> vector<1000x128xf32>
    %dot_general3A_47 = arith.constant dense<0.000000e+00> : vector<1000x128xf32>
    %dot_general3A_48 = tpu.matmul %mul3A_33, %concatenate3A_45, %dot_general3A_47 {dimension_numbers = #tpu.dot_dimension_numbers<[1], [0], [0], [1], [0, 0, 1, 1], [], []>, transpose_lhs_hint = false} : vector<1000x128xf32>, vector<128x128xf32>, vector<1000x128xf32> -> vector<1000x128xf32>
    %add3A_49 = arith.addf %dot_general3A_46, %dot_general3A_48 : vector<1000x128xf32>
    %swap3A = arith.constant 0 : index
    %swap3A_50 = arith.constant 0 : index
    %swap3A_51 = vector.load %arg6[%swap3A, %swap3A_50] : memref<1000x128xf32, #tpu.memory_space<vmem>>, vector<1000x128xf32>
    tpu.vector_store %arg6[%swap3A, %swap3A_50], %add3A_49 {strides = array<i32>} : memref<1000x128xf32, #tpu.memory_space<vmem>>, vector<1000x128xf32>,
    return
  }
  func.func @transform_0(%arg0: i32) -> (i32, i32, i32) {
    %c0_i32 = arith.constant 0 : i32
    %c0_i32_0 = arith.constant 0 : i32
    %c0_i32_1 = arith.constant 0 : i32
    return %c0_i32, %arg0, %c0_i32_0 : i32, i32, i32
  }
  func.func @transform_1(%arg0: i32) -> (i32, i32, i32) {
    %c0_i32 = arith.constant 0 : i32
    %c0_i32_0 = arith.constant 0 : i32
    %c0_i32_1 = arith.constant 0 : i32
    return %c0_i32, %arg0, %c0_i32_0 : i32, i32, i32
  }
  func.func @transform_2(%arg0: i32) -> (i32, i32) {
    %c0_i32 = arith.constant 0 : i32
    %c0_i32_0 = arith.constant 0 : i32
    return %arg0, %c0_i32 : i32, i32
  }
  func.func @transform_3(%arg0: i32) -> (i32, i32) {
    %c0_i32 = arith.constant 0 : i32
    %c0_i32_0 = arith.constant 0 : i32
    return %arg0, %c0_i32 : i32, i32
  }
  func.func @transform_4(%arg0: i32) -> (i32, i32) {
    %c0_i32 = arith.constant 0 : i32
    %c0_i32_0 = arith.constant 0 : i32
    %c0_i32_1 = arith.constant 0 : i32
    return %c0_i32, %c0_i32_0 : i32, i32
  }
  func.func @transform_5(%arg0: i32) -> (i32, i32) {
    %c0_i32 = arith.constant 0 : i32
    %c0_i32_0 = arith.constant 0 : i32
    return %arg0, %c0_i32 : i32, i32
  }
}

module attributes {stable_mosaic.version = 14 : i64} {
  func.func @_fin_body(%arg0: i32, %arg1: memref<2x1000x128xf32, #tpu.memory_space<vmem>>, %arg2: memref<1000x128xf32, #tpu.memory_space<vmem>>, %arg3: memref<1000x128xf32, #tpu.memory_space<vmem>>) attributes {dimension_semantics = [#tpu.dimension_semantics<arbitrary>], iteration_bounds = array<i64: 5>, scalar_prefetch = 0 : i64, scratch_operands = 0 : i64, tpu.core_type = #tpu.core_type<tc>, window_params = [{transform_indices = @transform_0, window_bounds = array<i64: 2, 1000, 128>}, {transform_indices = @transform_1, window_bounds = array<i64: 1000, 128>}, {transform_indices = @transform_2, window_bounds = array<i64: 1000, 128>}]} {
    %get3A = arith.constant 0 : index
    %get3A_0 = arith.constant 0 : index
    %get3A_1 = arith.constant 0 : index
    %get3A_2 = vector.load %arg1[%get3A, %get3A_0, %get3A_1] : memref<2x1000x128xf32, #tpu.memory_space<vmem>>, vector<1x1000x128xf32>
    %get3A_3 = vector.shape_cast %get3A_2 : vector<1x1000x128xf32> to vector<1000x128xf32>
    %get3A_4 = arith.constant 1 : index
    %get3A_5 = arith.constant 0 : index
    %get3A_6 = arith.constant 0 : index
    %get3A_7 = vector.load %arg1[%get3A_4, %get3A_5, %get3A_6] : memref<2x1000x128xf32, #tpu.memory_space<vmem>>, vector<1x1000x128xf32>
    %get3A_8 = vector.shape_cast %get3A_7 : vector<1x1000x128xf32> to vector<1000x128xf32>
    %add3A = arith.addf %get3A_3, %get3A_8 : vector<1000x128xf32>
    %get3A_9 = arith.constant 0 : index
    %get3A_10 = arith.constant 0 : index
    %get3A_11 = vector.load %arg2[%get3A_9, %get3A_10] : memref<1000x128xf32, #tpu.memory_space<vmem>>, vector<1000x128xf32>
    %mul3A = arith.mulf %add3A, %get3A_11 : vector<1000x128xf32>
    %swap3A = arith.constant 0 : index
    %swap3A_12 = arith.constant 0 : index
    %swap3A_13 = vector.load %arg3[%swap3A, %swap3A_12] : memref<1000x128xf32, #tpu.memory_space<vmem>>, vector<1000x128xf32>
    tpu.vector_store %arg3[%swap3A, %swap3A_12], %mul3A {strides = array<i32>} : memref<1000x128xf32, #tpu.memory_space<vmem>>, vector<1000x128xf32>,
    return
  }
  func.func @transform_0(%arg0: i32) -> (i32, i32, i32) {
    %c0_i32 = arith.constant 0 : i32
    %c0_i32_0 = arith.constant 0 : i32
    %c0_i32_1 = arith.constant 0 : i32
    return %c0_i32, %arg0, %c0_i32_0 : i32, i32, i32
  }
  func.func @transform_1(%arg0: i32) -> (i32, i32) {
    %c0_i32 = arith.constant 0 : i32
    %c0_i32_0 = arith.constant 0 : i32
    return %arg0, %c0_i32 : i32, i32
  }
  func.func @transform_2(%arg0: i32) -> (i32, i32) {
    %c0_i32 = arith.constant 0 : i32
    %c0_i32_0 = arith.constant 0 : i32
    return %arg0, %c0_i32 : i32, i32
  }
}

</mosaic_0001>

<sc_bundles>
// kernel: kernel.12.cloned.1.call-start
scs
__scs_entry_jumppad:
0x0: {  	(pc) =	sbr.rel $0x88, $3  }
0x1: {  	(tag) =	ssettag $0x0;
	lr =	simm.s32 $0x1  }
0x2: {  	[smem:$0x3F9D] =	sst lr;
	_ =	strace $0xD0000000  }
0x3: {  	_ = 	snop  }
0x4: {  	_ = 	snop  }
0x5: {  	_ = 	snop  }
0x6: {  	_ = 	snop  }
0x7: {  	_ = 	snop  }
__scs_overlays_trampoline_lowered:
0x8: {  	[smem:$0x3FAC] =	sst s0  }
0x9: {  	[smem:$0x3FAD] =	sst s1  }
0xa: {  	[smem:$0x3FAE] =	sst s2  }
0xb: {  	[smem:$0x3FAF] =	sst s3  }
0xc: {  	[smem:$0x3FB0] =	sst s4  }
0xd: {  	[smem:$0x3FB1] =	sst s5  }
0xe: {  	[smem:$0x3FB2] =	sst s6  }
0xf: {  	[smem:$0x3FB3] =	sst s7  }
0x10: {  	[smem:$0x3FB4] =	sst s8  }
0x11: {  	[smem:$0x3FB5] =	sst s9;
	s0 =	simm.s32 @!p0 $0x0  }
0x12: {  	s1 =	sld [smem:$0x3F9B];
	s0 =	simm.s32 @p0 $0x1  }
0x13: {  	[smem:$0x3FB6] =	sst s0;
	s0 =	simm.s32 @!p1 $0x0  }
0x14: {  	s2 =	sld [smem:$0x3F9A];
	s0 =	simm.s32 @p1 $0x1  }
0x15: {  	[smem:$0x3FB7] =	sst s0;
	s0 =	simm.s32 @!p2 $0x0  }
0x16: {  	s3 =	sld [smem:$0x3FDB];
	s0 =	simm.s32 @p2 $0x1  }
0x17: {  	s4 =	simm.s32 $0x1BF5;
	[smem:$0x3FB9] =	sst s0  }
0x18: {  	s0 =	sld [smem:$0x3F9C];
	_ =	swait.ge [sflag:s4], $0x0  }
0x19: {  	s7 =	sld [smem:$0x3F9D]  }
0x1a: {  	s8 =	sadd.s32 $0xFFFFE003, lr  }
0x1b: {  	s9 =	sadd.s32 $0xFFFFFEF7, lr;
	s5 =	simm.s32 $0xFFFFFFFF;
	p2 =	slt.u32 s8, $0xFFFFF086  }
0x1c: {  	p1 =	slt.u32 s9, $0xF7A;
	s5 =	simm.s32 @!p2 $0x0  }
0x1d: {  	s5 =	simm.s32 @p1 $0x1;
	p0 =	seq.s32 s7, s2  }
0x1e: {  	s7 =	smul.u32 @!p0 $0xF7A, s2;
	p2 =	seq.s32 @!p0 s5, $0x0  }
0x1f: {  	s9 =	smul.u32 $0xF7A, s1;
	s8 =	simm.s32 @!p0 $0x1BF5;
	p2 =	por !p2, p0  }
0x20: {  	[sflag:s8] =	ssyncset.s32 @!p0 $0xFFFFF086;
	s6 =	sadd.s32 @!p0 s3, s7;
	s7 =	simm.s32 @!p0 $0x108  }
0x21: {  	s3 =	sadd.s32 s3, s9;
	s6 =	sadd.s32 @!p0 $0x88, s6;
	s7 =	simm.s32 @p2 $0x1082  }
0x22: {  	[simem:s7], [sflag:s8] =	dma.local @!p0 [hbm:s6], $0xF7A  }
0x23: {  	s9 =	sor.u32 $0xD0000000, s2;
	s6 =	simm.s32 $0x108;
	_ =	swait.ge @!p0 [sflag:s8], $0x0  }
0x24: {  	s3 =	sadd.s32 $0x88, s3;
	s6 =	simm.s32 @!p1 $0x1082;
	[sflag:s4] =	ssyncset.s32 $0xFFFFF086  }
0x25: {  	[simem:s6], [sflag:s4] =	dma.local [hbm:s3], $0xF7A  }
0x26: {  	[smem:$0x3F9D] =	sst s1;
	(tag) =	ssettag s2;
	_ =	strace s9  }
0x27: {  	s1 =	sld [smem:$0x3FAD]  }
0x28: {  	s2 =	sld [smem:$0x3FAE]  }
0x29: {  	s4 =	sld [smem:$0x3FB0]  }
0x2a: {  	p0 =	seq.s32 s5, $0x0;
	s5 =	sld [smem:$0x3FB1]  }
0x2b: {  	s6 =	sld [smem:$0x3FB2]  }
0x2c: {  	s7 =	sld [smem:$0x3FB3]  }
0x2d: {  	s3 =	simm.s32 $0x108;
	s8 =	sld [smem:$0x3FB4]  }
0x2e: {  	s3 =	simm.s32 @!p0 $0x1082;
	s9 =	sld [smem:$0x3FB5]  }
0x2f: {  	lr =	sadd.s32 s0, s3;
	s0 =	sld [smem:$0x3FAC]  }
0x30: {  	s3 =	sld [smem:$0x3FAF]  }
0x31: {  	[smem:$0x3FB8] =	sst s10  }
0x32: {  	s10 =	sld [smem:$0x3FB6];
	_ =	sdelay $0x3  }
0x33: {  	p0 =	seq.s32 s10, $0x1;
	s10 =	sld [smem:$0x3FB8];
	_ =	sdelay $0x3  }
0x34: {  	[smem:$0x3FB8] =	sst s10  }
0x35: {  	s10 =	sld [smem:$0x3FB7];
	_ =	sdelay $0x3  }
0x36: {  	p1 =	seq.s32 s10, $0x1;
	s10 =	sld [smem:$0x3FB8];
	_ =	sdelay $0x3  }
0x37: {  	[smem:$0x3FB8] =	sst s10  }
0x38: {  	s10 =	sld [smem:$0x3FB9]  }
0x39: {  	_ = 	snop;
	(pc) =	sbr.ind lr, $3  }
0x3a: {  	_ = 	snop  }
0x3b: {  	_ = 	snop  }
0x3c: {  	p2 =	seq.s32 s10, $0x1;
	s10 =	sld [smem:$0x3FB8]  }
0x3d: {  	_ =	shalt  }
0x3e: {  	_ =	shalt  }
0x3f: {  	_ =	shalt  }
0x40: {  	_ =	shalt  }
0x41: {  	_ =	shalt  }
0x42: {  	_ =	shalt  }
0x43: {  	_ =	shalt  }
0x44: {  	_ =	shalt  }
0x45: {  	_ =	shalt  }
0x46: {  	_ =	shalt  }
0x47: {  	_ =	shalt  }
0x48: {  	_ =	shalt  }
0x49: {  	_ =	shalt  }
0x4a: {  	_ =	shalt  }
0x4b: {  	_ =	shalt  }
0x4c: {  	_ =	shalt  }
0x4d: {  	_ =	shalt  }
0x4e: {  	_ =	shalt  }
0x4f: {  	_ =	shalt  }
0x50: {  	_ =	shalt  }
0x51: {  	_ =	shalt  }
0x52: {  	_ =	shalt  }
0x53: {  	_ =	shalt  }
0x54: {  	_ =	shalt  }
0x55: {  	_ =	shalt  }
0x56: {  	_ =	shalt  }
0x57: {  	_ =	shalt  }
0x58: {  	_ =	shalt  }
0x59: {  	_ =	shalt  }
0x5a: {  	_ =	shalt  }
0x5b: {  	_ =	shalt  }
0x5c: {  	_ =	shalt  }
0x5d: {  	_ =	shalt  }
0x5e: {  	_ =	shalt  }
0x5f: {  	_ =	shalt  }
0x60: {  	_ =	shalt  }
0x61: {  	_ =	shalt  }
0x62: {  	_ =	shalt  }
0x63: {  	_ =	shalt  }
0x64: {  	_ =	shalt  }
0x65: {  	_ =	shalt  }
0x66: {  	_ =	shalt  }
0x67: {  	_ =	shalt  }
0x68: {  	_ =	shalt  }
0x69: {  	_ =	shalt  }
0x6a: {  	_ =	shalt  }
0x6b: {  	_ =	shalt  }
0x6c: {  	_ =	shalt  }
0x6d: {  	_ =	shalt  }
0x6e: {  	_ =	shalt  }
0x6f: {  	_ =	shalt  }
0x70: {  	_ =	shalt  }
0x71: {  	_ =	shalt  }
0x72: {  	_ =	shalt  }
0x73: {  	_ =	shalt  }
0x74: {  	_ =	shalt  }
0x75: {  	_ =	shalt  }
0x76: {  	_ =	shalt  }
0x77: {  	_ =	shalt  }
0x78: {  	_ =	shalt  }
0x79: {  	_ =	shalt  }
0x7a: {  	_ =	shalt  }
0x7b: {  	_ =	shalt  }
0x7c: {  	_ =	shalt  }
0x7d: {  	_ =	shalt  }
0x7e: {  	_ =	shalt  }
0x7f: {  	_ =	shalt  }
0x80: {  	_ =	shalt  }
0x81: {  	_ =	shalt  }
0x82: {  	_ =	shalt  }
0x83: {  	_ =	shalt  }
0x84: {  	_ =	shalt  }
0x85: {  	_ =	shalt  }
0x86: {  	_ =	shalt  }
0x87: {  	_ =	shalt  }
.Lfunc_end0:
.L_simem_size_0:
called_computation.1_lowered:
.L_overlay_start_0:
0x88: {  	s2 =	sld [smem:$0x3FD9]  }
0x89: {  	s3 =	sld [smem:$0x3FFE];
	_ =	sdelay $0x1  }
0x8a: {  	s1 =	srdreg.scid  }
0x8b: {  	s0 =	sand.u32 $0x1, s1  }
0x8c: {  	s17 =	sshll.u32 s0, $0xA;
	s2 =	sadd.s32 s3, s2  }
0x8d: {  	s2 =	sadd.s32 s2, s17  }
0x8e: {  	[smem:$0x3FC4] =	sst s2  }
0x8f: {  	_ = 	snop  }
0x90: {  	s18 =	sld [smem:$0x3FD0];
	(tm) =	ssettm $0x1  }
0x91: {  	s19 =	sld [smem:$0x3FFB];
	_ =	sdelay $0x3  }
0x92: {  	_ =	strace s19  }
0x93: {  	s2 =	sld [smem:$0x3FFC];
	_ =	sdelay $0x3  }
0x94: {  	_ =	strace s2  }
0x95: {  	s2 =	sld [smem:$0x3FFD];
	_ =	sdelay $0x3  }
0x96: {  	_ =	strace s2  }
0x97: {  	_ =	strace $0x8FFFFFFF  }
0x98: {  	s20 =	sld [smem:$0x3FDB];
	_ =	sdelay $0x1  }
0x99: {  	s4 =	simm.s32 $_scs_section_size  }
0x9a: {  	s5 =	simm.s32 $_size__tile_overlayer_lowered;
	s6 =	simm.s32 $_tile_overlayer_lowered  }
0x9b: {  	s7 =	simm.s32 $0x1BFF;
	s21 =	sshll.u32 s6, $0x1;
	s4 =	sadd.s32 s4, s20  }
0x9c: {  	s22 =	simm.s32 $0x0;
	s5 =	sshll.u32 s5, $0x1;
	s6 =	sadd.s32 s21, s4  }
0x9d: {  	[timem:s22], [sflag:s7] =	dma.local [hbm:s6], s5  }
0x9e: {  	_ =	swait.ge [sflag:s7], s5  }
0x9f: {  	s5 =	ssub.s32 $0x0, s5;
	[sflag:s7] =	ssyncset.done $0x0  }
0xa0: {  	[sflag:s7] =	ssyncadd.s32 s5;
	_ =	sdelay $0x1  }
0xa1: {  	s23 =	simm.s32 $0x1B8B  }
0xa2: {  	_ =	swait.ge [sflag:s23], $0x1  }
0xa3: {  	[sflag:s23] =	ssyncset.done $0x0  }
0xa4: {  	[sflag:s23] =	ssyncadd.s32 $0xFFFFFFFF  }
0xa5: {  	s5 =	sld [smem:$0x0]  }
0xa6: {  	s6 =	sand.u32 $0xFFFFFFFE, s1  }
0xa7: {  	p0 =	sne.s32 s1, s6  }
0xa8: {  	s6 =	sshll.u32 @p0 s6, $0xE  }
0xa9: {  	s6 =	sadd.s32 @p0 $0x11B8D, s6;
	s7 =	sshll.u32 @p0 s5, $0x11  }
0xaa: {  	s6 =	sor.u32 @p0 s7, s6  }
0xab: {  	[sflag:s6] =	ssyncadd.remote.s32 @p0 $0x1;
	_ =	sdelay $0x1  }
0xac: {  	s6 =	simm.s32 @p0 $0x1B8D  }
0xad: {  	_ =	swait.eq @p0 [sflag:s6], $0x1  }
0xae: {  	[sflag:s6] =	ssyncadd.s32 @p0 $0xFFFFFFFF  }
0xaf: {  	s7 =	sshll.u32 @!p0 s1, $0xE  }
0xb0: {  	s7 =	sor.u32 @!p0 $0x4000, s7;
	s6 =	simm.s32 @!p0 $0x1B8D  }
0xb1: {  	s5 =	sshll.u32 @!p0 s5, $0x11;
	s7 =	sadd.s32 @!p0 $0x11B8D, s7;
	_ =	swait.eq @!p0 [sflag:s6], $0x1  }
0xb2: {  	s5 =	sor.u32 @!p0 s5, s7;
	[sflag:s6] =	ssyncadd.s32 @!p0 $0xFFFFFFFF  }
0xb3: {  	s25 =	simm.s32 $0x1B8E;
	s24 =	sld [smem:$0x3FFE];
	[sflag:s5] =	ssyncadd.remote.s32 @!p0 $0x1  }
0xb4: {  	s26 =	simm.s32 $execute0_lowered;
	[smem:$0x3FD2] =	sst s25  }
0xb5: {  	s6 =	sshll.u32 s26, $0x1;
	_ =	strace $0x8000004C;
	[dreg:$0x1] =	wrdreg $0xFFFFFFFF  }
0xb6: {  	s28 =	simm.s32 $_size_execute0_lowered;
	s4 =	sadd.s32 s4, s6;
	[dreg:$0x0] =	wrdreg $0x0  }
0xb7: {  	s6 =	sshll.u32 s28, $0x1;
	[dreg:$0x2] =	wrdreg s4  }
0xb8: {  	[dreg:$0x3] =	wrdreg s6  }
0xb9: {  	[dreg:$0x4] =	wrdreg $0xC0  }
0xba: {  	_ =	task [dreg:s22], $0x5FFFF  }
0xbb: {  	[dreg:$0x1] =	wrdreg $0xFFFFFFFF  }
0xbc: {  	[dreg:$0x0] =	wrdreg $0x60  }
0xbd: {  	[dreg:$0x2] =	wrdreg s18  }
0xbe: {  	[dreg:$0x3] =	wrdreg s24  }
0xbf: {  	[dreg:$0x4] =	wrdreg $0xCD000  }
0xc0: {  	[dreg:$0x5] =	wrdreg $0x9  }
0xc1: {  	_ =	task.clear_ibuf [dreg:s22], $0x6FFFF;
	_ =	strace $0x9000004C  }
0xc2: {  	s29 =	simm.s32 $0x9;
	_ =	strace $0x8000004E  }
0xc3: {  	_ =	swait.ge [sflag:s29], $0x1  }
0xc4: {  	[sflag:s29] =	ssyncadd.s32 $0xFFFFFFFF  }
0xc5: {  	_ =	strace $0x9000004E  }
0xc6: {  	_ =	sfence  }
0xc7: {  	s30 =	sld [smem:$0x0];
	_ =	sdelay $0x2  }
0xc8: {  	s31 =	sshll.u32 s1, $0xD;
	s1 =	sshrl.u32 s1, $0x2  }
0xc9: {  	s4 =	sand.u32 $0x4000, s31;
	s1 =	sadd.s32 s1, s30  }
0xca: {  	s0 =	sor.u32 s4, s0;
	s1 =	sshll.u32 s1, $0x11  }
0xcb: {  	s0 =	sor.u32 s1, s0  }
0xcc: {  	s0 =	sadd.s32 $0x8F2B, s0  }
0xcd: {  	[sflag:s0] =	ssyncadd.remote.s32 $0x1  }
0xce: {  	_ =	sfence.sel $0xFFFF  }
0xcf: {  	[dreg:$0x0] =	wrdreg $0xFFFFFFFF;
	(pc) =	sbr.abs _section_cstart, $3  }
0xd0: {  	[dreg:$0x1] =	wrdreg $0xFFFFFFFF  }
0xd1: {  	_ =	task.clear_ibuf [dreg:s22], $0x2FFFF;
	_ =	strace $0x9FFFFFFF  }
0xd2: {  	(tm) =	ssettm $0x7FFFFFFF  }
0xd3: {  	_ =	shalt  }
tec
execute0_lowered:
.L_overlay_start_1:
0x0: {  	(tag) =	ssettag $0x1  }
0x1: {  	s2 =	rddreg [dreg:$0x0]  }
0x2: {  	s0 =	rddreg [dreg:$0x1]  }
0x3: {  	s3 =	rddreg [dreg:$0x2]  }
0x4: {  	s1 =	srdreg.scid;
	s17 =	stileid.u32;
	s4 =	simm.s32 $0x0  }
0x5: {  	s13 =	simm.s32 $0x9;
	s14 =	simm.s32 $0x2800;
	s15 =	simm.s32 $0x7D  }
0x6: {  	s16 =	simm.s32 $0x5000;
	s18 =	simm.s32 $0x6F40;
	s20 =	simm.s32 $0x8E80  }
0x7: {  	s23 =	simm.s32 $0x1;
	s28 =	simm.s32 $0x5;
	s31 =	simm.s32 $0x3  }
0x8: {  	s19 =	simm.s32 $0x4;
	s24 =	simm.s32 $0x7;
	s1 =	sand.u32 $0x1, s1  }
0x9: {  	s5 =	sshll.u32 s17, $0x1;
	s6 =	smul.u32 $0x9C00, s17;
	[smem:$0x7FF] =	sst s4  }
0xa: {  	s10 =	sadd.s32 $0x8B400, s0;
	s29 =	sadd.s32 $0x9C000, s3;
	p0 =	sne.s32 s17, $0xF  }
0xb: {  	s30 =	sshll.u32 s17, $0x6;
	s17 =	simm.s32 $0x0;
	s5 =	sor.u32 s1, s5  }
0xc: {  	_ =	strace $0x8000004D;
	s8 =	ssub.s32 $0x2, s1;
	s1 =	smul.u32 $0x9C400, s1  }
0xd: {  	[dreg:$0x7] =	wrdreg s29;
	s21 =	sor.u32 $0x1C09, s30;
	s5 =	smul.u32 $0x500, s5  }
0xe: {  	s7 =	sshrl.u32 s6, $0x3;
	s9 =	sshrl.u32 s8, $0x1;
	s26 =	sadd.s32 s6, s3  }
0xf: {  	s7 =	sadd.s32 s7, s0;
	s12 =	ssub.s32 s8, s9;
	s6 =	sadd.s32 s6, s1  }
0x10: {  	s1 =	sshrl.u32 s1, $0x3;
	s22 =	sshrl.u32 s26, $0x3;
	s26 =	simm.s32 $0x2  }
0x11: {  	s5 =	sadd.s32 s5, s0;
	s7 =	sadd.s32 $0x50800, s7;
	s6 =	sshrl.u32 s6, $0x3  }
.Ltmp0:
0x12: {  	s1 =	sadd.s32 s10, s1;
	s0 =	sadd.s32 $0x64000, s0;
	(pc) =	sbr.rel .LBB2_1-.Ltmp0, $4  }
0x13: {  	s12 =	smax.u32 s12, $0x1;
	s25 =	sadd.s32 $0x1F600, s5;
	[dreg:$0x6] =	wrdreg s7  }
0x14: {  	s5 =	sadd.s32 $0x15600, s5;
	[dreg:$0x8] =	wrdreg s0;
	s10 =	sadd.s32 s10, s6  }
0x15: {  	s11 =	sadd.s32 $0x13800, s1;
	s0 =	simm.s32 $0x6;
	[dreg:$0x4] =	wrdreg s25  }
0x16: {  	s1 =	simm.s32 $0x8;
	[dreg:$0x5] =	wrdreg s5;
	s25 =	simm.s32 $0xADC0  }
.LBB2_4:
0x17: {  	[spmem:s3] =	stream.indirect.scatter.add.f32 [tilespmem:s25], [sflag:$0x8], $0x40, s6, s15, $0xb8;
	[tilespmem:$0x16940] =	vst v63  }
0x18: {  	_ =	swait.ge [sflag:s1], $0x1F40  }
0x19: {  	[sflag:s1] =	ssyncset.done $0x0  }
0x1a: {  	[sflag:s1] =	ssyncadd.s32 $0xFFFFE0C0  }
0x1b: {  	[bflag:$0x0] =	sbarrier.arrive $0xFFFF  }
0x1c: {  	[hbm:s10], [sflag:s21] =	dma.local [spmem:s22], $0x1380  }
0x1d: {  	s17 =	sadd.s32 $0x1, s17;
	_ =	swait.ge [sflag:s13], $0x1380  }
0x1e: {  	p1 =	sne.s32 s17, s12;
	[sflag:s13] =	ssyncset.done $0x0  }
.Ltmp1:
0x1f: {  	s5 =	simm.s32 @!p0 $0x9;
	[sflag:s13] =	ssyncadd.s32 $0xFFFFEC80;
	(pc) =	sbr.rel @!p1 .LBB2_5-.Ltmp1, $4  }
0x20: {  	[hbm:s11], [sflag:s21] =	dma.local @!p0 [spmem:s29], $0x80  }
0x21: {  	_ =	swait.ge @!p0 [sflag:s5], $0x80  }
0x22: {  	[sflag:s5] =	ssyncset.done @!p0 $0x0  }
0x23: {  	[sflag:s5] =	ssyncadd.s32 @!p0 $0xFFFFFF80  }
.LBB2_1:
0x24: {  	s5 =	rddreg [dreg:$0x4]  }
0x25: {  	[tilespmem:s4], [sflag:$0x9] =	stream.linear.gather [hbm4b:s5+s4], $0x2800, $0x38;
	[tilespmem:$0x16940] =	vst v63  }
0x26: {  	_ =	swait.ge [sflag:s13], $0x2800  }
0x27: {  	[sflag:s13] =	ssyncset.done $0x0  }
0x28: {  	s7 =	rddreg [dreg:$0x5];
	[sflag:s13] =	ssyncadd.s32 $0xFFFFD800  }
0x29: {  	[tilespmem:s14], [sflag:$0x9] =	stream.linear.gather [hbm4b:s7+s4], $0x2800, $0x38;
	[tilespmem:$0x16940] =	vst v63  }
0x2a: {  	_ =	swait.ge [sflag:s13], $0x2800  }
0x2b: {  	[sflag:s13] =	ssyncset.done $0x0  }
0x2c: {  	[sflag:s13] =	ssyncadd.s32 $0xFFFFD800  }
0x2d: {  	[tilespmem:s16], [sflag:$0x1] =	stream.indirect.gather [hbm4b:s2+s15], $0x40, s4, s15, $0xb8;
	[tilespmem:$0x16940] =	vst v63  }
0x2e: {  	s8 =	simm.s32 $0x80  }
0x2f: {  	[tilespmem:s18], [sflag:$0x2] =	stream.indirect.gather [hbm4b:s2+s15], $0x40, s8, s15, $0xb8;
	[tilespmem:$0x16940] =	vst v63  }
0x30: {  	s9 =	simm.s32 $0x100;
	s6 =	rddreg [dreg:$0x6]  }
0x31: {  	[tilespmem:s20], [sflag:$0x3] =	stream.indirect.gather [hbm4b:s2+s15], $0x40, s9, s15, $0xb8;
	[tilespmem:$0x16940] =	vst v63  }
0x32: {  	[spmem:s22], [sflag:s21] =	dma.local [hbm:s6], $0x1380  }
0x33: {  	_ =	swait.ge [sflag:s13], $0x1380  }
0x34: {  	[sflag:s13] =	ssyncset.done $0x0;
	s5 =	rddreg [dreg:$0x7]  }
0x35: {  	[sflag:s13] =	ssyncadd.s32 $0xFFFFEC80;
	s29 =	sshrl.u32 @!p0 s5, $0x3;
	s5 =	rddreg [dreg:$0x8]  }
0x36: {  	[spmem:s29], [sflag:s21] =	dma.local @!p0 [hbm:s5], $0x80  }
0x37: {  	s5 =	simm.s32 @!p0 $0x9  }
0x38: {  	_ =	swait.ge @!p0 [sflag:s5], $0x80  }
0x39: {  	[sflag:s5] =	ssyncset.done @!p0 $0x0  }
0x3a: {  	[sflag:s5] =	ssyncadd.s32 @!p0 $0xFFFFFF80  }
0x3b: {  	[bflag:$0x0] =	sbarrier.arrive $0xFFFF  }
0x3c: {  	_ =	swait.ge [sflag:s23], $0x1F40  }
0x3d: {  	[sflag:s23] =	ssyncset.done $0x0  }
0x3e: {  	s7 =	simm.s32 $0x180;
	[sflag:s23] =	ssyncadd.s32 $0xFFFFE0C0  }
0x3f: {  	[tilespmem:s25], [sflag:$0x4] =	stream.indirect.gather [hbm4b:s2+s15], $0x40, s7, s15, $0xb8;
	[tilespmem:$0x16940] =	vst v63  }
0x40: {  	_ = 	snop  }
0x41: {  	[spmem:s3] =	stream.indirect.scatter.add.f32 [tilespmem:s16], [sflag:$0x5], $0x40, s14, s15, $0xb8;
	[tilespmem:$0x16940] =	vst v63  }
0x42: {  	_ =	swait.ge [sflag:s26], $0x1F40  }
0x43: {  	[sflag:s26] =	ssyncset.done $0x0  }
0x44: {  	[sflag:s26] =	ssyncadd.s32 $0xFFFFE0C0  }
0x45: {  	_ =	swait.ge [sflag:s28], $0x1F40  }
0x46: {  	[sflag:s28] =	ssyncset.done $0x0  }
0x47: {  	s8 =	simm.s32 $0x200;
	[sflag:s28] =	ssyncadd.s32 $0xFFFFE0C0  }
0x48: {  	[tilespmem:s16], [sflag:$0x1] =	stream.indirect.gather [hbm4b:s2+s15], $0x40, s8, s15, $0xb8;
	[tilespmem:$0x16940] =	vst v63  }
0x49: {  	s9 =	simm.s32 $0x2880  }
0x4a: {  	[spmem:s3] =	stream.indirect.scatter.add.f32 [tilespmem:s18], [sflag:$0x6], $0x40, s9, s15, $0xb8;
	[tilespmem:$0x16940] =	vst v63  }
0x4b: {  	_ =	swait.ge [sflag:s31], $0x1F40  }
0x4c: {  	[sflag:s31] =	ssyncset.done $0x0  }
0x4d: {  	[sflag:s31] =	ssyncadd.s32 $0xFFFFE0C0  }
0x4e: {  	_ =	swait.ge [sflag:s0], $0x1F40  }
0x4f: {  	[sflag:s0] =	ssyncset.done $0x0  }
0x50: {  	s6 =	simm.s32 $0x280;
	[sflag:s0] =	ssyncadd.s32 $0xFFFFE0C0  }
0x51: {  	[tilespmem:s18], [sflag:$0x2] =	stream.indirect.gather [hbm4b:s2+s15], $0x40, s6, s15, $0xb8;
	[tilespmem:$0x16940] =	vst v63  }
0x52: {  	s7 =	simm.s32 $0x2900  }
0x53: {  	[spmem:s3] =	stream.indirect.scatter.add.f32 [tilespmem:s20], [sflag:$0x7], $0x40, s7, s15, $0xb8;
	[tilespmem:$0x16940] =	vst v63  }
0x54: {  	_ =	swait.ge [sflag:s19], $0x1F40  }
0x55: {  	[sflag:s19] =	ssyncset.done $0x0  }
0x56: {  	[sflag:s19] =	ssyncadd.s32 $0xFFFFE0C0  }
0x57: {  	_ =	swait.ge [sflag:s24], $0x1F40  }
0x58: {  	[sflag:s24] =	ssyncset.done $0x0  }
0x59: {  	s8 =	simm.s32 $0x300;
	[sflag:s24] =	ssyncadd.s32 $0xFFFFE0C0  }
0x5a: {  	[tilespmem:s20], [sflag:$0x3] =	stream.indirect.gather [hbm4b:s2+s15], $0x40, s8, s15, $0xb8;
	[tilespmem:$0x16940] =	vst v63  }
0x5b: {  	s30 =	simm.s32 $0x0;
	s9 =	simm.s32 $0x2980  }
0x5c: {  	[spmem:s3] =	stream.indirect.scatter.add.f32 [tilespmem:s25], [sflag:$0x8], $0x40, s9, s15, $0xb8;
	[tilespmem:$0x16940] =	vst v63  }
.LBB2_2:
0x5d: {  	_ =	swait.ge [sflag:s23], $0x1F40  }
0x5e: {  	[sflag:s23] =	ssyncset.done $0x0  }
0x5f: {  	[sflag:s23] =	ssyncadd.s32 $0xFFFFE0C0  }
0x60: {  	_ =	swait.ge [sflag:s1], $0x1F40  }
0x61: {  	s5 =	sshra.s32 s30, $0x2;
	[sflag:s1] =	ssyncset.done $0x0  }
0x62: {  	s6 =	sadd.s32 $0x380, s5;
	[sflag:s1] =	ssyncadd.s32 $0xFFFFE0C0  }
0x63: {  	[tilespmem:s25], [sflag:$0x4] =	stream.indirect.gather [hbm4b:s2+s15], $0x40, s6, s15, $0xb8;
	[tilespmem:$0x16940] =	vst v63  }
0x64: {  	s8 =	sadd.s32 $0x2A00, s5  }
0x65: {  	[spmem:s3] =	stream.indirect.scatter.add.f32 [tilespmem:s16], [sflag:$0x5], $0x40, s8, s15, $0xb8;
	[tilespmem:$0x16940] =	vst v63  }
0x66: {  	_ =	swait.ge [sflag:s26], $0x1F40  }
0x67: {  	[sflag:s26] =	ssyncset.done $0x0  }
0x68: {  	[sflag:s26] =	ssyncadd.s32 $0xFFFFE0C0  }
0x69: {  	p1 =	seq.s32 s30, $0x9000;
	_ =	swait.ge [sflag:s28], $0x1F40  }
0x6a: {  	s7 =	simm.s32 @p1 $0x7D;
	s6 =	sshra.s32 @p1 s30, $0x2;
	[sflag:s28] =	ssyncset.done $0x0  }
0x6b: {  	s6 =	sadd.s32 @p1 $0x2A80, s6;
	s8 =	simm.s32 @p1 $0x6F40;
	[sflag:s28] =	ssyncadd.s32 $0xFFFFE0C0  }
0x6c: {  	[spmem:s3] =	stream.indirect.scatter.add.f32 @p1 [tilespmem:s8], [sflag:$0x6], $0x40, s6, s7, $0xb8;
	[tilespmem:$0x16940] =	vst v63  }
0x6d: {  	s6 =	simm.s32 @p1 $0x3  }
0x6e: {  	_ =	swait.ge @p1 [sflag:s6], $0x1F40  }
0x6f: {  	[sflag:s6] =	ssyncset.done @p1 $0x0  }
0x70: {  	[sflag:s6] =	ssyncadd.s32 @p1 $0xFFFFE0C0;
	s6 =	simm.s32 @p1 $0x6  }
0x71: {  	_ =	swait.ge @p1 [sflag:s6], $0x1F40  }
0x72: {  	[sflag:s6] =	ssyncset.done @p1 $0x0  }
0x73: {  	[sflag:s6] =	ssyncadd.s32 @p1 $0xFFFFE0C0;
	s6 =	sshra.s32 @!p1 s30, $0x2  }
0x74: {  	s9 =	simm.s32 @!p1 $0x5000;
	s8 =	simm.s32 @!p1 $0x7D;
	s7 =	sadd.s32 @!p1 $0x400, s6  }
0x75: {  	[tilespmem:s9], [sflag:$0x1] =	stream.indirect.gather @!p1 [hbm4b:s2+s8], $0x40, s7, s8, $0xb8;
	[tilespmem:$0x16940] =	vst v63  }
0x76: {  	s7 =	sadd.s32 @!p1 $0x2A80, s6;
	s9 =	simm.s32 @!p1 $0x6F40  }
0x77: {  	[spmem:s3] =	stream.indirect.scatter.add.f32 @!p1 [tilespmem:s9], [sflag:$0x6], $0x40, s7, s8, $0xb8;
	[tilespmem:$0x16940] =	vst v63  }
0x78: {  	s7 =	simm.s32 @!p1 $0x3  }
0x79: {  	_ =	swait.ge @!p1 [sflag:s7], $0x1F40  }
0x7a: {  	[sflag:s7] =	ssyncset.done @!p1 $0x0  }
0x7b: {  	[sflag:s7] =	ssyncadd.s32 @!p1 $0xFFFFE0C0;
	s7 =	simm.s32 @!p1 $0x6  }
0x7c: {  	_ =	swait.ge @!p1 [sflag:s7], $0x1F40  }
0x7d: {  	[sflag:s7] =	ssyncset.done @!p1 $0x0  }
0x7e: {  	s6 =	sadd.s32 @!p1 $0x480, s6;
	[sflag:s7] =	ssyncadd.s32 @!p1 $0xFFFFE0C0  }
0x7f: {  	[tilespmem:s9], [sflag:$0x2] =	stream.indirect.gather @!p1 [hbm4b:s2+s8], $0x40, s6, s8, $0xb8;
	[tilespmem:$0x16940] =	vst v63  }
0x80: {  	s9 =	sadd.s32 $0x2B00, s5  }
0x81: {  	[spmem:s3] =	stream.indirect.scatter.add.f32 [tilespmem:s20], [sflag:$0x7], $0x40, s9, s15, $0xb8;
	[tilespmem:$0x16940] =	vst v63  }
0x82: {  	_ =	swait.ge [sflag:s19], $0x1F40  }
.Ltmp2:
0x83: {  	[sflag:s19] =	ssyncset.done $0x0;
	(pc) =	sbr.rel @p1 .LBB2_4-.Ltmp2, $4  }
0x84: {  	[sflag:s19] =	ssyncadd.s32 $0xFFFFE0C0  }
0x85: {  	_ =	swait.ge [sflag:s24], $0x1F40  }
0x86: {  	[sflag:s24] =	ssyncset.done $0x0  }
0x87: {  	s6 =	sadd.s32 $0x2B80, s5;
	[sflag:s24] =	ssyncadd.s32 $0xFFFFE0C0  }
.Ltmp3:
0x88: {  	(pc) =	sbr.rel .LBB2_2-.Ltmp3, $4  }
0x89: {  	s5 =	sadd.s32 $0x500, s5  }
0x8a: {  	[tilespmem:s20], [sflag:$0x3] =	stream.indirect.gather [hbm4b:s2+s15], $0x40, s5, s15, $0xb8;
	[tilespmem:$0x16940] =	vst v63  }
0x8b: {  	s30 =	sadd.s32 $0x800, s30  }
0x8c: {  	[spmem:s3] =	stream.indirect.scatter.add.f32 [tilespmem:s25], [sflag:$0x8], $0x40, s6, s15, $0xb8;
	[tilespmem:$0x16940] =	vst v63  }
.LBB2_5:
0x8d: {  	_ =	sfence.sel $0x180000  }
0x8e: {  	[bflag:$0x0] =	sbarrier.arrive $0xFFFF  }
0x8f: {  	_ =	strace $0x9000004D  }
0x90: {  	s0 =	stileid.u32;
	[bflag:$0x2] =	sbarrier.arrive $0xFFFF  }
0x91: {  	p0 =	sne.s32 s0, $0x0;
	s0 =	rddreg [dreg:$0x3]  }
0x92: {  	s0 =	sadd.s32 @!p0 $0x100000, s0  }
0x93: {  	[sflag:s0] =	ssyncadd.tile.s32 @!p0 $0x1;
	_ =	shalt  }
.Lfunc_end2:
_tile_overlayer_lowered:
.L_overlay_start_2:
0x94: {  	(tag) =	ssettag $0x2  }
0x95: {  	s0 =	rddreg [dreg:$0x0];
	s2 =	stileid.u32  }
0x96: {  	s1 =	rddreg [dreg:$0x1];
	p0 =	sne.s32 s2, $0x0  }
0x97: {  	s3 =	rddreg [dreg:$0x2];
	[bflag:$0x3] =	sbarrier.arrive $0xFFFF;
	s2 =	simm.s32 @!p0 $0x1C09  }
0x98: {  	[timem:s3], [sflag:s2] =	dma.local @!p0 [hbm:s0], s1  }
0x99: {  	s0 =	simm.s32 @!p0 $0x9  }
0x9a: {  	_ =	swait.ge @!p0 [sflag:s0], s1  }
0x9b: {  	s1 =	ssub.s32 @!p0 $0x0, s1;
	[sflag:s0] =	ssyncset.done @!p0 $0x0  }
0x9c: {  	[sflag:s0] =	ssyncadd.s32 @!p0 s1  }
0x9d: {  	[bflag:$0x3] =	sbarrier.arrive $0xFFFF  }
0x9e: {  	_ =	shalt  }

// kernel: kernel.15.cloned.1.call-start
scs
__scs_entry_jumppad:
0x0: {  	(pc) =	sbr.rel $0x88, $3  }
0x1: {  	(tag) =	ssettag $0x0;
	lr =	simm.s32 $0x1  }
0x2: {  	[smem:$0x3F9D] =	sst lr;
	_ =	strace $0xD0000000  }
0x3: {  	_ = 	snop  }
0x4: {  	_ = 	snop  }
0x5: {  	_ = 	snop  }
0x6: {  	_ = 	snop  }
0x7: {  	_ = 	snop  }
__scs_overlays_trampoline_lowered:
0x8: {  	[smem:$0x3FAC] =	sst s0  }
0x9: {  	[smem:$0x3FAD] =	sst s1  }
0xa: {  	[smem:$0x3FAE] =	sst s2  }
0xb: {  	[smem:$0x3FAF] =	sst s3  }
0xc: {  	[smem:$0x3FB0] =	sst s4  }
0xd: {  	[smem:$0x3FB1] =	sst s5  }
0xe: {  	[smem:$0x3FB2] =	sst s6  }
0xf: {  	[smem:$0x3FB3] =	sst s7  }
0x10: {  	[smem:$0x3FB4] =	sst s8  }
0x11: {  	[smem:$0x3FB5] =	sst s9;
	s0 =	simm.s32 @!p0 $0x0  }
0x12: {  	s1 =	sld [smem:$0x3F9B];
	s0 =	simm.s32 @p0 $0x1  }
0x13: {  	[smem:$0x3FB6] =	sst s0;
	s0 =	simm.s32 @!p1 $0x0  }
0x14: {  	s2 =	sld [smem:$0x3F9A];
	s0 =	simm.s32 @p1 $0x1  }
0x15: {  	[smem:$0x3FB7] =	sst s0;
	s0 =	simm.s32 @!p2 $0x0  }
0x16: {  	s3 =	sld [smem:$0x3FDB];
	s0 =	simm.s32 @p2 $0x1  }
0x17: {  	s4 =	simm.s32 $0x1BF5;
	[smem:$0x3FB9] =	sst s0  }
0x18: {  	s0 =	sld [smem:$0x3F9C];
	_ =	swait.ge [sflag:s4], $0x0  }
0x19: {  	s7 =	sld [smem:$0x3F9D]  }
0x1a: {  	s8 =	sadd.s32 $0xFFFFE003, lr  }
0x1b: {  	s9 =	sadd.s32 $0xFFFFFEF7, lr;
	s5 =	simm.s32 $0xFFFFFFFF;
	p2 =	slt.u32 s8, $0xFFFFF086  }
0x1c: {  	p1 =	slt.u32 s9, $0xF7A;
	s5 =	simm.s32 @!p2 $0x0  }
0x1d: {  	s5 =	simm.s32 @p1 $0x1;
	p0 =	seq.s32 s7, s2  }
0x1e: {  	s7 =	smul.u32 @!p0 $0xF7A, s2;
	p2 =	seq.s32 @!p0 s5, $0x0  }
0x1f: {  	s9 =	smul.u32 $0xF7A, s1;
	s8 =	simm.s32 @!p0 $0x1BF5;
	p2 =	por !p2, p0  }
0x20: {  	[sflag:s8] =	ssyncset.s32 @!p0 $0xFFFFF086;
	s6 =	sadd.s32 @!p0 s3, s7;
	s7 =	simm.s32 @!p0 $0x108  }
0x21: {  	s3 =	sadd.s32 s3, s9;
	s6 =	sadd.s32 @!p0 $0x88, s6;
	s7 =	simm.s32 @p2 $0x1082  }
0x22: {  	[simem:s7], [sflag:s8] =	dma.local @!p0 [hbm:s6], $0xF7A  }
0x23: {  	s9 =	sor.u32 $0xD0000000, s2;
	s6 =	simm.s32 $0x108;
	_ =	swait.ge @!p0 [sflag:s8], $0x0  }
0x24: {  	s3 =	sadd.s32 $0x88, s3;
	s6 =	simm.s32 @!p1 $0x1082;
	[sflag:s4] =	ssyncset.s32 $0xFFFFF086  }
0x25: {  	[simem:s6], [sflag:s4] =	dma.local [hbm:s3], $0xF7A  }
0x26: {  	[smem:$0x3F9D] =	sst s1;
	(tag) =	ssettag s2;
	_ =	strace s9  }
0x27: {  	s1 =	sld [smem:$0x3FAD]  }
0x28: {  	s2 =	sld [smem:$0x3FAE]  }
0x29: {  	s4 =	sld [smem:$0x3FB0]  }
0x2a: {  	p0 =	seq.s32 s5, $0x0;
	s5 =	sld [smem:$0x3FB1]  }
0x2b: {  	s6 =	sld [smem:$0x3FB2]  }
0x2c: {  	s7 =	sld [smem:$0x3FB3]  }
0x2d: {  	s3 =	simm.s32 $0x108;
	s8 =	sld [smem:$0x3FB4]  }
0x2e: {  	s3 =	simm.s32 @!p0 $0x1082;
	s9 =	sld [smem:$0x3FB5]  }
0x2f: {  	lr =	sadd.s32 s0, s3;
	s0 =	sld [smem:$0x3FAC]  }
0x30: {  	s3 =	sld [smem:$0x3FAF]  }
0x31: {  	[smem:$0x3FB8] =	sst s10  }
0x32: {  	s10 =	sld [smem:$0x3FB6];
	_ =	sdelay $0x3  }
0x33: {  	p0 =	seq.s32 s10, $0x1;
	s10 =	sld [smem:$0x3FB8];
	_ =	sdelay $0x3  }
0x34: {  	[smem:$0x3FB8] =	sst s10  }
0x35: {  	s10 =	sld [smem:$0x3FB7];
	_ =	sdelay $0x3  }
0x36: {  	p1 =	seq.s32 s10, $0x1;
	s10 =	sld [smem:$0x3FB8];
	_ =	sdelay $0x3  }
0x37: {  	[smem:$0x3FB8] =	sst s10  }
0x38: {  	s10 =	sld [smem:$0x3FB9]  }
0x39: {  	_ = 	snop;
	(pc) =	sbr.ind lr, $3  }
0x3a: {  	_ = 	snop  }
0x3b: {  	_ = 	snop  }
0x3c: {  	p2 =	seq.s32 s10, $0x1;
	s10 =	sld [smem:$0x3FB8]  }
0x3d: {  	_ =	shalt  }
0x3e: {  	_ =	shalt  }
0x3f: {  	_ =	shalt  }
0x40: {  	_ =	shalt  }
0x41: {  	_ =	shalt  }
0x42: {  	_ =	shalt  }
0x43: {  	_ =	shalt  }
0x44: {  	_ =	shalt  }
0x45: {  	_ =	shalt  }
0x46: {  	_ =	shalt  }
0x47: {  	_ =	shalt  }
0x48: {  	_ =	shalt  }
0x49: {  	_ =	shalt  }
0x4a: {  	_ =	shalt  }
0x4b: {  	_ =	shalt  }
0x4c: {  	_ =	shalt  }
0x4d: {  	_ =	shalt  }
0x4e: {  	_ =	shalt  }
0x4f: {  	_ =	shalt  }
0x50: {  	_ =	shalt  }
0x51: {  	_ =	shalt  }
0x52: {  	_ =	shalt  }
0x53: {  	_ =	shalt  }
0x54: {  	_ =	shalt  }
0x55: {  	_ =	shalt  }
0x56: {  	_ =	shalt  }
0x57: {  	_ =	shalt  }
0x58: {  	_ =	shalt  }
0x59: {  	_ =	shalt  }
0x5a: {  	_ =	shalt  }
0x5b: {  	_ =	shalt  }
0x5c: {  	_ =	shalt  }
0x5d: {  	_ =	shalt  }
0x5e: {  	_ =	shalt  }
0x5f: {  	_ =	shalt  }
0x60: {  	_ =	shalt  }
0x61: {  	_ =	shalt  }
0x62: {  	_ =	shalt  }
0x63: {  	_ =	shalt  }
0x64: {  	_ =	shalt  }
0x65: {  	_ =	shalt  }
0x66: {  	_ =	shalt  }
0x67: {  	_ =	shalt  }
0x68: {  	_ =	shalt  }
0x69: {  	_ =	shalt  }
0x6a: {  	_ =	shalt  }
0x6b: {  	_ =	shalt  }
0x6c: {  	_ =	shalt  }
0x6d: {  	_ =	shalt  }
0x6e: {  	_ =	shalt  }
0x6f: {  	_ =	shalt  }
0x70: {  	_ =	shalt  }
0x71: {  	_ =	shalt  }
0x72: {  	_ =	shalt  }
0x73: {  	_ =	shalt  }
0x74: {  	_ =	shalt  }
0x75: {  	_ =	shalt  }
0x76: {  	_ =	shalt  }
0x77: {  	_ =	shalt  }
0x78: {  	_ =	shalt  }
0x79: {  	_ =	shalt  }
0x7a: {  	_ =	shalt  }
0x7b: {  	_ =	shalt  }
0x7c: {  	_ =	shalt  }
0x7d: {  	_ =	shalt  }
0x7e: {  	_ =	shalt  }
0x7f: {  	_ =	shalt  }
0x80: {  	_ =	shalt  }
0x81: {  	_ =	shalt  }
0x82: {  	_ =	shalt  }
0x83: {  	_ =	shalt  }
0x84: {  	_ =	shalt  }
0x85: {  	_ =	shalt  }
0x86: {  	_ =	shalt  }
0x87: {  	_ =	shalt  }
.Lfunc_end0:
.L_simem_size_0:
called_computation.2_lowered:
.L_overlay_start_0:
0x88: {  	s2 =	sld [smem:$0x3FD9]  }
0x89: {  	s3 =	sld [smem:$0x3FFE];
	_ =	sdelay $0x1  }
0x8a: {  	s1 =	srdreg.scid  }
0x8b: {  	s0 =	sand.u32 $0x1, s1  }
0x8c: {  	s16 =	sshll.u32 s0, $0xA;
	s2 =	sadd.s32 s3, s2  }
0x8d: {  	s2 =	sadd.s32 s2, s16  }
0x8e: {  	[smem:$0x3FC4] =	sst s2  }
0x8f: {  	_ = 	snop  }
0x90: {  	(tm) =	ssettm $0x1  }
0x91: {  	s17 =	sld [smem:$0x3FFB];
	_ =	sdelay $0x3  }
0x92: {  	_ =	strace s17  }
0x93: {  	s2 =	sld [smem:$0x3FFC];
	_ =	sdelay $0x3  }
0x94: {  	_ =	strace s2  }
0x95: {  	s2 =	sld [smem:$0x3FFD];
	_ =	sdelay $0x3  }
0x96: {  	_ =	strace s2  }
0x97: {  	_ =	strace $0x8FFFFFFF  }
0x98: {  	s18 =	sld [smem:$0x3FDB];
	_ =	sdelay $0x1  }
0x99: {  	s19 =	simm.s32 $_scs_section_size  }
0x9a: {  	s4 =	simm.s32 $_size__tile_overlayer_lowered;
	s5 =	simm.s32 $_tile_overlayer_lowered  }
0x9b: {  	s22 =	simm.s32 $0x1BFF;
	s21 =	sshll.u32 s5, $0x1;
	s2 =	sadd.s32 s19, s18  }
0x9c: {  	s6 =	simm.s32 $0x0;
	s20 =	sshll.u32 s4, $0x1;
	s4 =	sadd.s32 s21, s2  }
0x9d: {  	[timem:s6], [sflag:s22] =	dma.local [hbm:s4], s20  }
0x9e: {  	_ =	swait.ge [sflag:s22], s20  }
0x9f: {  	s3 =	ssub.s32 $0x0, s20;
	[sflag:s22] =	ssyncset.done $0x0  }
0xa0: {  	[sflag:s22] =	ssyncadd.s32 s3;
	_ =	sdelay $0x1  }
0xa1: {  	s23 =	simm.s32 $0x1B8B  }
0xa2: {  	_ =	swait.ge [sflag:s23], $0x1  }
0xa3: {  	[sflag:s23] =	ssyncset.done $0x0  }
0xa4: {  	s25 =	simm.s32 $0x1B8E;
	s24 =	sld [smem:$0x3FFE];
	[sflag:s23] =	ssyncadd.s32 $0xFFFFFFFF  }
0xa5: {  	s26 =	simm.s32 $execute0_lowered;
	[smem:$0x3FD2] =	sst s25  }
0xa6: {  	s4 =	sshll.u32 s26, $0x1;
	_ =	strace $0x80000049;
	[dreg:$0x1] =	wrdreg $0xFFFFFFFF  }
0xa7: {  	s28 =	simm.s32 $_size_execute0_lowered;
	s2 =	sadd.s32 s2, s4;
	[dreg:$0x0] =	wrdreg $0x0  }
0xa8: {  	s4 =	sshll.u32 s28, $0x1;
	[dreg:$0x2] =	wrdreg s2  }
0xa9: {  	[dreg:$0x3] =	wrdreg s4  }
0xaa: {  	[dreg:$0x4] =	wrdreg $0xC0  }
0xab: {  	_ =	task [dreg:s6], $0x5FFFF  }
0xac: {  	[dreg:$0x1] =	wrdreg $0xFFFFFFFF  }
0xad: {  	[dreg:$0x0] =	wrdreg $0x60  }
0xae: {  	[dreg:$0x2] =	wrdreg s24  }
0xaf: {  	[dreg:$0x3] =	wrdreg $0xCD000  }
0xb0: {  	[dreg:$0x4] =	wrdreg $0xA  }
0xb1: {  	_ =	task.clear_ibuf [dreg:s6], $0x5FFFF;
	_ =	strace $0x90000049  }
0xb2: {  	s29 =	simm.s32 $0xA;
	_ =	strace $0x8000004B  }
0xb3: {  	_ =	swait.ge [sflag:s29], $0x1  }
0xb4: {  	[sflag:s29] =	ssyncadd.s32 $0xFFFFFFFF  }
0xb5: {  	_ =	strace $0x9000004B  }
0xb6: {  	_ =	sfence  }
0xb7: {  	s30 =	sld [smem:$0x0];
	_ =	sdelay $0x2  }
0xb8: {  	s31 =	sshll.u32 s1, $0xD;
	s1 =	sshrl.u32 s1, $0x2  }
0xb9: {  	s3 =	sand.u32 $0x4000, s31;
	s1 =	sadd.s32 s1, s30  }
0xba: {  	s0 =	sor.u32 s3, s0;
	s1 =	sshll.u32 s1, $0x11  }
0xbb: {  	s0 =	sor.u32 s1, s0  }
0xbc: {  	s0 =	sadd.s32 $0x8F2B, s0  }
0xbd: {  	[sflag:s0] =	ssyncadd.remote.s32 $0x1  }
0xbe: {  	_ =	sfence.sel $0xFFFF  }
0xbf: {  	[dreg:$0x0] =	wrdreg $0xFFFFFFFF;
	(pc) =	sbr.abs _section_cstart, $3  }
0xc0: {  	[dreg:$0x1] =	wrdreg $0xFFFFFFFF  }
0xc1: {  	_ =	task.clear_ibuf [dreg:s6], $0x2FFFF;
	_ =	strace $0x9FFFFFFF  }
0xc2: {  	(tm) =	ssettm $0x7FFFFFFF  }
0xc3: {  	_ =	shalt  }
tec
execute0_lowered:
.L_overlay_start_1:
0x0: {  	(tag) =	ssettag $0x1  }
0x1: {  	s0 =	rddreg [dreg:$0x0]  }
0x2: {  	s2 =	rddreg [dreg:$0x1];
	s1 =	srdreg.scid  }
0x3: {  	s17 =	stileid.u32;
	s3 =	simm.s32 $0x0;
	s13 =	simm.s32 $0x9  }
0x4: {  	s14 =	simm.s32 $0x2800;
	s15 =	simm.s32 $0x7D;
	s16 =	simm.s32 $0x5000  }
0x5: {  	s18 =	simm.s32 $0x6F40;
	s20 =	simm.s32 $0x8E80;
	s23 =	simm.s32 $0x1  }
0x6: {  	s28 =	simm.s32 $0x5;
	s31 =	simm.s32 $0x3;
	s19 =	simm.s32 $0x4  }
0x7: {  	s24 =	simm.s32 $0x7;
	s1 =	sand.u32 $0x1, s1;
	s4 =	sshll.u32 s17, $0x1  }
0x8: {  	[smem:$0x7FF] =	sst s3;
	s5 =	smul.u32 $0x9C00, s17;
	s10 =	sadd.s32 $0x64200, s0  }
0x9: {  	s29 =	sadd.s32 $0x9C000, s2;
	p0 =	sne.s32 s17, $0xF;
	s30 =	sshll.u32 s17, $0x6  }
0xa: {  	s17 =	simm.s32 $0x0;
	s4 =	sor.u32 s1, s4;
	_ =	strace $0x8000004A  }
0xb: {  	s8 =	ssub.s32 $0x2, s1;
	s1 =	smul.u32 $0x9C400, s1;
	[dreg:$0x6] =	wrdreg s29  }
0xc: {  	s21 =	sor.u32 $0x1C09, s30;
	s6 =	smul.u32 $0x500, s4;
	s4 =	sadd.s32 $0x1A00, s0  }
0xd: {  	s7 =	sshrl.u32 s5, $0x3;
	s9 =	sshrl.u32 s8, $0x1;
	s26 =	sadd.s32 s5, s2  }
0xe: {  	s7 =	sadd.s32 s7, s0;
	s12 =	ssub.s32 s8, s9;
	s5 =	sadd.s32 s5, s1  }
0xf: {  	s1 =	sshrl.u32 s1, $0x3;
	s22 =	sshrl.u32 s26, $0x3;
	s26 =	simm.s32 $0x2  }
0x10: {  	s6 =	sadd.s32 s6, s0;
	s7 =	sadd.s32 $0x50800, s7;
	s5 =	sshrl.u32 s5, $0x3  }
.Ltmp0:
0x11: {  	s1 =	sadd.s32 s10, s1;
	s0 =	sadd.s32 $0x64000, s0;
	(pc) =	sbr.rel .LBB2_1-.Ltmp0, $4  }
0x12: {  	s12 =	smax.u32 s12, $0x1;
	s25 =	sadd.s32 $0x1F600, s6;
	[dreg:$0x5] =	wrdreg s7  }
0x13: {  	s6 =	sadd.s32 $0x15600, s6;
	[dreg:$0x7] =	wrdreg s0;
	s10 =	sadd.s32 s10, s5  }
0x14: {  	s11 =	sadd.s32 $0x13800, s1;
	s0 =	simm.s32 $0x6;
	[dreg:$0x3] =	wrdreg s25  }
0x15: {  	s1 =	simm.s32 $0x8;
	[dreg:$0x4] =	wrdreg s6;
	s25 =	simm.s32 $0xADC0  }
.LBB2_4:
0x16: {  	[spmem:s2] =	stream.indirect.scatter.add.f32 [tilespmem:s25], [sflag:$0x8], $0x40, s6, s15, $0xb8;
	[tilespmem:$0x16940] =	vst v63  }
0x17: {  	_ =	swait.ge [sflag:s1], $0x1F40  }
0x18: {  	[sflag:s1] =	ssyncset.done $0x0  }
0x19: {  	[sflag:s1] =	ssyncadd.s32 $0xFFFFE0C0  }
0x1a: {  	[bflag:$0x0] =	sbarrier.arrive $0xFFFF  }
0x1b: {  	[hbm:s10], [sflag:s21] =	dma.local [spmem:s22], $0x1380  }
0x1c: {  	s17 =	sadd.s32 $0x1, s17;
	_ =	swait.ge [sflag:s13], $0x1380  }
0x1d: {  	p1 =	sne.s32 s17, s12;
	[sflag:s13] =	ssyncset.done $0x0  }
.Ltmp1:
0x1e: {  	s5 =	simm.s32 @!p0 $0x9;
	[sflag:s13] =	ssyncadd.s32 $0xFFFFEC80;
	(pc) =	sbr.rel @!p1 .LBB2_5-.Ltmp1, $4  }
0x1f: {  	[hbm:s11], [sflag:s21] =	dma.local @!p0 [spmem:s29], $0x80  }
0x20: {  	_ =	swait.ge @!p0 [sflag:s5], $0x80  }
0x21: {  	[sflag:s5] =	ssyncset.done @!p0 $0x0  }
0x22: {  	[sflag:s5] =	ssyncadd.s32 @!p0 $0xFFFFFF80  }
.LBB2_1:
0x23: {  	s5 =	rddreg [dreg:$0x3]  }
0x24: {  	[tilespmem:s3], [sflag:$0x9] =	stream.linear.gather [hbm4b:s5+s3], $0x2800, $0x38;
	[tilespmem:$0x16940] =	vst v63  }
0x25: {  	_ =	swait.ge [sflag:s13], $0x2800  }
0x26: {  	[sflag:s13] =	ssyncset.done $0x0  }
0x27: {  	s7 =	rddreg [dreg:$0x4];
	[sflag:s13] =	ssyncadd.s32 $0xFFFFD800  }
0x28: {  	[tilespmem:s14], [sflag:$0x9] =	stream.linear.gather [hbm4b:s7+s3], $0x2800, $0x38;
	[tilespmem:$0x16940] =	vst v63  }
0x29: {  	_ =	swait.ge [sflag:s13], $0x2800  }
0x2a: {  	[sflag:s13] =	ssyncset.done $0x0  }
0x2b: {  	[sflag:s13] =	ssyncadd.s32 $0xFFFFD800  }
0x2c: {  	[tilespmem:s16], [sflag:$0x1] =	stream.indirect.gather [hbm4b:s4+s15], $0x40, s3, s15, $0xb8;
	[tilespmem:$0x16940] =	vst v63  }
0x2d: {  	s8 =	simm.s32 $0x80  }
0x2e: {  	[tilespmem:s18], [sflag:$0x2] =	stream.indirect.gather [hbm4b:s4+s15], $0x40, s8, s15, $0xb8;
	[tilespmem:$0x16940] =	vst v63  }
0x2f: {  	s9 =	simm.s32 $0x100;
	s6 =	rddreg [dreg:$0x5]  }
0x30: {  	[tilespmem:s20], [sflag:$0x3] =	stream.indirect.gather [hbm4b:s4+s15], $0x40, s9, s15, $0xb8;
	[tilespmem:$0x16940] =	vst v63  }
0x31: {  	[spmem:s22], [sflag:s21] =	dma.local [hbm:s6], $0x1380  }
0x32: {  	_ =	swait.ge [sflag:s13], $0x1380  }
0x33: {  	[sflag:s13] =	ssyncset.done $0x0;
	s5 =	rddreg [dreg:$0x6]  }
0x34: {  	[sflag:s13] =	ssyncadd.s32 $0xFFFFEC80;
	s29 =	sshrl.u32 @!p0 s5, $0x3;
	s5 =	rddreg [dreg:$0x7]  }
0x35: {  	[spmem:s29], [sflag:s21] =	dma.local @!p0 [hbm:s5], $0x80  }
0x36: {  	s5 =	simm.s32 @!p0 $0x9  }
0x37: {  	_ =	swait.ge @!p0 [sflag:s5], $0x80  }
0x38: {  	[sflag:s5] =	ssyncset.done @!p0 $0x0  }
0x39: {  	[sflag:s5] =	ssyncadd.s32 @!p0 $0xFFFFFF80  }
0x3a: {  	[bflag:$0x0] =	sbarrier.arrive $0xFFFF  }
0x3b: {  	_ =	swait.ge [sflag:s23], $0x1F40  }
0x3c: {  	[sflag:s23] =	ssyncset.done $0x0  }
0x3d: {  	s7 =	simm.s32 $0x180;
	[sflag:s23] =	ssyncadd.s32 $0xFFFFE0C0  }
0x3e: {  	[tilespmem:s25], [sflag:$0x4] =	stream.indirect.gather [hbm4b:s4+s15], $0x40, s7, s15, $0xb8;
	[tilespmem:$0x16940] =	vst v63  }
0x3f: {  	_ = 	snop  }
0x40: {  	[spmem:s2] =	stream.indirect.scatter.add.f32 [tilespmem:s16], [sflag:$0x5], $0x40, s14, s15, $0xb8;
	[tilespmem:$0x16940] =	vst v63  }
0x41: {  	_ =	swait.ge [sflag:s26], $0x1F40  }
0x42: {  	[sflag:s26] =	ssyncset.done $0x0  }
0x43: {  	[sflag:s26] =	ssyncadd.s32 $0xFFFFE0C0  }
0x44: {  	_ =	swait.ge [sflag:s28], $0x1F40  }
0x45: {  	[sflag:s28] =	ssyncset.done $0x0  }
0x46: {  	s8 =	simm.s32 $0x200;
	[sflag:s28] =	ssyncadd.s32 $0xFFFFE0C0  }
0x47: {  	[tilespmem:s16], [sflag:$0x1] =	stream.indirect.gather [hbm4b:s4+s15], $0x40, s8, s15, $0xb8;
	[tilespmem:$0x16940] =	vst v63  }
0x48: {  	s9 =	simm.s32 $0x2880  }
0x49: {  	[spmem:s2] =	stream.indirect.scatter.add.f32 [tilespmem:s18], [sflag:$0x6], $0x40, s9, s15, $0xb8;
	[tilespmem:$0x16940] =	vst v63  }
0x4a: {  	_ =	swait.ge [sflag:s31], $0x1F40  }
0x4b: {  	[sflag:s31] =	ssyncset.done $0x0  }
0x4c: {  	[sflag:s31] =	ssyncadd.s32 $0xFFFFE0C0  }
0x4d: {  	_ =	swait.ge [sflag:s0], $0x1F40  }
0x4e: {  	[sflag:s0] =	ssyncset.done $0x0  }
0x4f: {  	s6 =	simm.s32 $0x280;
	[sflag:s0] =	ssyncadd.s32 $0xFFFFE0C0  }
0x50: {  	[tilespmem:s18], [sflag:$0x2] =	stream.indirect.gather [hbm4b:s4+s15], $0x40, s6, s15, $0xb8;
	[tilespmem:$0x16940] =	vst v63  }
0x51: {  	s7 =	simm.s32 $0x2900  }
0x52: {  	[spmem:s2] =	stream.indirect.scatter.add.f32 [tilespmem:s20], [sflag:$0x7], $0x40, s7, s15, $0xb8;
	[tilespmem:$0x16940] =	vst v63  }
0x53: {  	_ =	swait.ge [sflag:s19], $0x1F40  }
0x54: {  	[sflag:s19] =	ssyncset.done $0x0  }
0x55: {  	[sflag:s19] =	ssyncadd.s32 $0xFFFFE0C0  }
0x56: {  	_ =	swait.ge [sflag:s24], $0x1F40  }
0x57: {  	[sflag:s24] =	ssyncset.done $0x0  }
0x58: {  	s8 =	simm.s32 $0x300;
	[sflag:s24] =	ssyncadd.s32 $0xFFFFE0C0  }
0x59: {  	[tilespmem:s20], [sflag:$0x3] =	stream.indirect.gather [hbm4b:s4+s15], $0x40, s8, s15, $0xb8;
	[tilespmem:$0x16940] =	vst v63  }
0x5a: {  	s30 =	simm.s32 $0x0;
	s9 =	simm.s32 $0x2980  }
0x5b: {  	[spmem:s2] =	stream.indirect.scatter.add.f32 [tilespmem:s25], [sflag:$0x8], $0x40, s9, s15, $0xb8;
	[tilespmem:$0x16940] =	vst v63  }
.LBB2_2:
0x5c: {  	_ =	swait.ge [sflag:s23], $0x1F40  }
0x5d: {  	[sflag:s23] =	ssyncset.done $0x0  }
0x5e: {  	[sflag:s23] =	ssyncadd.s32 $0xFFFFE0C0  }
0x5f: {  	_ =	swait.ge [sflag:s1], $0x1F40  }
0x60: {  	s5 =	sshra.s32 s30, $0x2;
	[sflag:s1] =	ssyncset.done $0x0  }
0x61: {  	s6 =	sadd.s32 $0x380, s5;
	[sflag:s1] =	ssyncadd.s32 $0xFFFFE0C0  }
0x62: {  	[tilespmem:s25], [sflag:$0x4] =	stream.indirect.gather [hbm4b:s4+s15], $0x40, s6, s15, $0xb8;
	[tilespmem:$0x16940] =	vst v63  }
0x63: {  	s8 =	sadd.s32 $0x2A00, s5  }
0x64: {  	[spmem:s2] =	stream.indirect.scatter.add.f32 [tilespmem:s16], [sflag:$0x5], $0x40, s8, s15, $0xb8;
	[tilespmem:$0x16940] =	vst v63  }
0x65: {  	_ =	swait.ge [sflag:s26], $0x1F40  }
0x66: {  	[sflag:s26] =	ssyncset.done $0x0  }
0x67: {  	[sflag:s26] =	ssyncadd.s32 $0xFFFFE0C0  }
0x68: {  	p1 =	seq.s32 s30, $0x9000;
	_ =	swait.ge [sflag:s28], $0x1F40  }
0x69: {  	s7 =	simm.s32 @p1 $0x7D;
	s6 =	sshra.s32 @p1 s30, $0x2;
	[sflag:s28] =	ssyncset.done $0x0  }
0x6a: {  	s6 =	sadd.s32 @p1 $0x2A80, s6;
	s8 =	simm.s32 @p1 $0x6F40;
	[sflag:s28] =	ssyncadd.s32 $0xFFFFE0C0  }
0x6b: {  	[spmem:s2] =	stream.indirect.scatter.add.f32 @p1 [tilespmem:s8], [sflag:$0x6], $0x40, s6, s7, $0xb8;
	[tilespmem:$0x16940] =	vst v63  }
0x6c: {  	s6 =	simm.s32 @p1 $0x3  }
0x6d: {  	_ =	swait.ge @p1 [sflag:s6], $0x1F40  }
0x6e: {  	[sflag:s6] =	ssyncset.done @p1 $0x0  }
0x6f: {  	[sflag:s6] =	ssyncadd.s32 @p1 $0xFFFFE0C0;
	s6 =	simm.s32 @p1 $0x6  }
0x70: {  	_ =	swait.ge @p1 [sflag:s6], $0x1F40  }
0x71: {  	[sflag:s6] =	ssyncset.done @p1 $0x0  }
0x72: {  	[sflag:s6] =	ssyncadd.s32 @p1 $0xFFFFE0C0;
	s6 =	sshra.s32 @!p1 s30, $0x2  }
0x73: {  	s9 =	simm.s32 @!p1 $0x5000;
	s8 =	simm.s32 @!p1 $0x7D;
	s7 =	sadd.s32 @!p1 $0x400, s6  }
0x74: {  	[tilespmem:s9], [sflag:$0x1] =	stream.indirect.gather @!p1 [hbm4b:s4+s8], $0x40, s7, s8, $0xb8;
	[tilespmem:$0x16940] =	vst v63  }
0x75: {  	s7 =	sadd.s32 @!p1 $0x2A80, s6;
	s9 =	simm.s32 @!p1 $0x6F40  }
0x76: {  	[spmem:s2] =	stream.indirect.scatter.add.f32 @!p1 [tilespmem:s9], [sflag:$0x6], $0x40, s7, s8, $0xb8;
	[tilespmem:$0x16940] =	vst v63  }
0x77: {  	s7 =	simm.s32 @!p1 $0x3  }
0x78: {  	_ =	swait.ge @!p1 [sflag:s7], $0x1F40  }
0x79: {  	[sflag:s7] =	ssyncset.done @!p1 $0x0  }
0x7a: {  	[sflag:s7] =	ssyncadd.s32 @!p1 $0xFFFFE0C0;
	s7 =	simm.s32 @!p1 $0x6  }
0x7b: {  	_ =	swait.ge @!p1 [sflag:s7], $0x1F40  }
0x7c: {  	[sflag:s7] =	ssyncset.done @!p1 $0x0  }
0x7d: {  	s6 =	sadd.s32 @!p1 $0x480, s6;
	[sflag:s7] =	ssyncadd.s32 @!p1 $0xFFFFE0C0  }
0x7e: {  	[tilespmem:s9], [sflag:$0x2] =	stream.indirect.gather @!p1 [hbm4b:s4+s8], $0x40, s6, s8, $0xb8;
	[tilespmem:$0x16940] =	vst v63  }
0x7f: {  	s9 =	sadd.s32 $0x2B00, s5  }
0x80: {  	[spmem:s2] =	stream.indirect.scatter.add.f32 [tilespmem:s20], [sflag:$0x7], $0x40, s9, s15, $0xb8;
	[tilespmem:$0x16940] =	vst v63  }
0x81: {  	_ =	swait.ge [sflag:s19], $0x1F40  }
.Ltmp2:
0x82: {  	[sflag:s19] =	ssyncset.done $0x0;
	(pc) =	sbr.rel @p1 .LBB2_4-.Ltmp2, $4  }
0x83: {  	[sflag:s19] =	ssyncadd.s32 $0xFFFFE0C0  }
0x84: {  	_ =	swait.ge [sflag:s24], $0x1F40  }
0x85: {  	[sflag:s24] =	ssyncset.done $0x0  }
0x86: {  	s6 =	sadd.s32 $0x2B80, s5;
	[sflag:s24] =	ssyncadd.s32 $0xFFFFE0C0  }
.Ltmp3:
0x87: {  	(pc) =	sbr.rel .LBB2_2-.Ltmp3, $4  }
0x88: {  	s5 =	sadd.s32 $0x500, s5  }
0x89: {  	[tilespmem:s20], [sflag:$0x3] =	stream.indirect.gather [hbm4b:s4+s15], $0x40, s5, s15, $0xb8;
	[tilespmem:$0x16940] =	vst v63  }
0x8a: {  	s30 =	sadd.s32 $0x800, s30  }
0x8b: {  	[spmem:s2] =	stream.indirect.scatter.add.f32 [tilespmem:s25], [sflag:$0x8], $0x40, s6, s15, $0xb8;
	[tilespmem:$0x16940] =	vst v63  }
.LBB2_5:
0x8c: {  	_ =	sfence.sel $0x180000  }
0x8d: {  	[bflag:$0x0] =	sbarrier.arrive $0xFFFF  }
0x8e: {  	_ =	strace $0x9000004A  }
0x8f: {  	s0 =	stileid.u32;
	[bflag:$0x2] =	sbarrier.arrive $0xFFFF  }
0x90: {  	p0 =	sne.s32 s0, $0x0;
	s0 =	rddreg [dreg:$0x2]  }
0x91: {  	s0 =	sadd.s32 @!p0 $0x100000, s0  }
0x92: {  	[sflag:s0] =	ssyncadd.tile.s32 @!p0 $0x1;
	_ =	shalt  }
.Lfunc_end2:
_tile_overlayer_lowered:
.L_overlay_start_2:
0x93: {  	(tag) =	ssettag $0x2  }
0x94: {  	s0 =	rddreg [dreg:$0x0];
	s2 =	stileid.u32  }
0x95: {  	s1 =	rddreg [dreg:$0x1];
	p0 =	sne.s32 s2, $0x0  }
0x96: {  	s3 =	rddreg [dreg:$0x2];
	[bflag:$0x3] =	sbarrier.arrive $0xFFFF;
	s2 =	simm.s32 @!p0 $0x1C09  }
0x97: {  	[timem:s3], [sflag:s2] =	dma.local @!p0 [hbm:s0], s1  }
0x98: {  	s0 =	simm.s32 @!p0 $0x9  }
0x99: {  	_ =	swait.ge @!p0 [sflag:s0], s1  }
0x9a: {  	s1 =	ssub.s32 @!p0 $0x0, s1;
	[sflag:s0] =	ssyncset.done @!p0 $0x0  }
0x9b: {  	[sflag:s0] =	ssyncadd.s32 @!p0 s1  }
0x9c: {  	[bflag:$0x3] =	sbarrier.arrive $0xFFFF  }
0x9d: {  	_ =	shalt  }

// kernel: kernel.18.cloned.1.call-start
scs
__scs_entry_jumppad:
0x0: {  	(pc) =	sbr.rel $0x88, $3  }
0x1: {  	(tag) =	ssettag $0x0;
	lr =	simm.s32 $0x1  }
0x2: {  	[smem:$0x3F9D] =	sst lr;
	_ =	strace $0xD0000000  }
0x3: {  	_ = 	snop  }
0x4: {  	_ = 	snop  }
0x5: {  	_ = 	snop  }
0x6: {  	_ = 	snop  }
0x7: {  	_ = 	snop  }
__scs_overlays_trampoline_lowered:
0x8: {  	[smem:$0x3FAC] =	sst s0  }
0x9: {  	[smem:$0x3FAD] =	sst s1  }
0xa: {  	[smem:$0x3FAE] =	sst s2  }
0xb: {  	[smem:$0x3FAF] =	sst s3  }
0xc: {  	[smem:$0x3FB0] =	sst s4  }
0xd: {  	[smem:$0x3FB1] =	sst s5  }
0xe: {  	[smem:$0x3FB2] =	sst s6  }
0xf: {  	[smem:$0x3FB3] =	sst s7  }
0x10: {  	[smem:$0x3FB4] =	sst s8  }
0x11: {  	[smem:$0x3FB5] =	sst s9;
	s0 =	simm.s32 @!p0 $0x0  }
0x12: {  	s1 =	sld [smem:$0x3F9B];
	s0 =	simm.s32 @p0 $0x1  }
0x13: {  	[smem:$0x3FB6] =	sst s0;
	s0 =	simm.s32 @!p1 $0x0  }
0x14: {  	s2 =	sld [smem:$0x3F9A];
	s0 =	simm.s32 @p1 $0x1  }
0x15: {  	[smem:$0x3FB7] =	sst s0;
	s0 =	simm.s32 @!p2 $0x0  }
0x16: {  	s3 =	sld [smem:$0x3FDB];
	s0 =	simm.s32 @p2 $0x1  }
0x17: {  	s4 =	simm.s32 $0x1BF5;
	[smem:$0x3FB9] =	sst s0  }
0x18: {  	s0 =	sld [smem:$0x3F9C];
	_ =	swait.ge [sflag:s4], $0x0  }
0x19: {  	s7 =	sld [smem:$0x3F9D]  }
0x1a: {  	s8 =	sadd.s32 $0xFFFFE003, lr  }
0x1b: {  	s9 =	sadd.s32 $0xFFFFFEF7, lr;
	s5 =	simm.s32 $0xFFFFFFFF;
	p2 =	slt.u32 s8, $0xFFFFF086  }
0x1c: {  	p1 =	slt.u32 s9, $0xF7A;
	s5 =	simm.s32 @!p2 $0x0  }
0x1d: {  	s5 =	simm.s32 @p1 $0x1;
	p0 =	seq.s32 s7, s2  }
0x1e: {  	s7 =	smul.u32 @!p0 $0xF7A, s2;
	p2 =	seq.s32 @!p0 s5, $0x0  }
0x1f: {  	s9 =	smul.u32 $0xF7A, s1;
	s8 =	simm.s32 @!p0 $0x1BF5;
	p2 =	por !p2, p0  }
0x20: {  	[sflag:s8] =	ssyncset.s32 @!p0 $0xFFFFF086;
	s6 =	sadd.s32 @!p0 s3, s7;
	s7 =	simm.s32 @!p0 $0x108  }
0x21: {  	s3 =	sadd.s32 s3, s9;
	s6 =	sadd.s32 @!p0 $0x88, s6;
	s7 =	simm.s32 @p2 $0x1082  }
0x22: {  	[simem:s7], [sflag:s8] =	dma.local @!p0 [hbm:s6], $0xF7A  }
0x23: {  	s9 =	sor.u32 $0xD0000000, s2;
	s6 =	simm.s32 $0x108;
	_ =	swait.ge @!p0 [sflag:s8], $0x0  }
0x24: {  	s3 =	sadd.s32 $0x88, s3;
	s6 =	simm.s32 @!p1 $0x1082;
	[sflag:s4] =	ssyncset.s32 $0xFFFFF086  }
0x25: {  	[simem:s6], [sflag:s4] =	dma.local [hbm:s3], $0xF7A  }
0x26: {  	[smem:$0x3F9D] =	sst s1;
	(tag) =	ssettag s2;
	_ =	strace s9  }
0x27: {  	s1 =	sld [smem:$0x3FAD]  }
0x28: {  	s2 =	sld [smem:$0x3FAE]  }
0x29: {  	s4 =	sld [smem:$0x3FB0]  }
0x2a: {  	p0 =	seq.s32 s5, $0x0;
	s5 =	sld [smem:$0x3FB1]  }
0x2b: {  	s6 =	sld [smem:$0x3FB2]  }
0x2c: {  	s7 =	sld [smem:$0x3FB3]  }
0x2d: {  	s3 =	simm.s32 $0x108;
	s8 =	sld [smem:$0x3FB4]  }
0x2e: {  	s3 =	simm.s32 @!p0 $0x1082;
	s9 =	sld [smem:$0x3FB5]  }
0x2f: {  	lr =	sadd.s32 s0, s3;
	s0 =	sld [smem:$0x3FAC]  }
0x30: {  	s3 =	sld [smem:$0x3FAF]  }
0x31: {  	[smem:$0x3FB8] =	sst s10  }
0x32: {  	s10 =	sld [smem:$0x3FB6];
	_ =	sdelay $0x3  }
0x33: {  	p0 =	seq.s32 s10, $0x1;
	s10 =	sld [smem:$0x3FB8];
	_ =	sdelay $0x3  }
0x34: {  	[smem:$0x3FB8] =	sst s10  }
0x35: {  	s10 =	sld [smem:$0x3FB7];
	_ =	sdelay $0x3  }
0x36: {  	p1 =	seq.s32 s10, $0x1;
	s10 =	sld [smem:$0x3FB8];
	_ =	sdelay $0x3  }
0x37: {  	[smem:$0x3FB8] =	sst s10  }
0x38: {  	s10 =	sld [smem:$0x3FB9]  }
0x39: {  	_ = 	snop;
	(pc) =	sbr.ind lr, $3  }
0x3a: {  	_ = 	snop  }
0x3b: {  	_ = 	snop  }
0x3c: {  	p2 =	seq.s32 s10, $0x1;
	s10 =	sld [smem:$0x3FB8]  }
0x3d: {  	_ =	shalt  }
0x3e: {  	_ =	shalt  }
0x3f: {  	_ =	shalt  }
0x40: {  	_ =	shalt  }
0x41: {  	_ =	shalt  }
0x42: {  	_ =	shalt  }
0x43: {  	_ =	shalt  }
0x44: {  	_ =	shalt  }
0x45: {  	_ =	shalt  }
0x46: {  	_ =	shalt  }
0x47: {  	_ =	shalt  }
0x48: {  	_ =	shalt  }
0x49: {  	_ =	shalt  }
0x4a: {  	_ =	shalt  }
0x4b: {  	_ =	shalt  }
0x4c: {  	_ =	shalt  }
0x4d: {  	_ =	shalt  }
0x4e: {  	_ =	shalt  }
0x4f: {  	_ =	shalt  }
0x50: {  	_ =	shalt  }
0x51: {  	_ =	shalt  }
0x52: {  	_ =	shalt  }
0x53: {  	_ =	shalt  }
0x54: {  	_ =	shalt  }
0x55: {  	_ =	shalt  }
0x56: {  	_ =	shalt  }
0x57: {  	_ =	shalt  }
0x58: {  	_ =	shalt  }
0x59: {  	_ =	shalt  }
0x5a: {  	_ =	shalt  }
0x5b: {  	_ =	shalt  }
0x5c: {  	_ =	shalt  }
0x5d: {  	_ =	shalt  }
0x5e: {  	_ =	shalt  }
0x5f: {  	_ =	shalt  }
0x60: {  	_ =	shalt  }
0x61: {  	_ =	shalt  }
0x62: {  	_ =	shalt  }
0x63: {  	_ =	shalt  }
0x64: {  	_ =	shalt  }
0x65: {  	_ =	shalt  }
0x66: {  	_ =	shalt  }
0x67: {  	_ =	shalt  }
0x68: {  	_ =	shalt  }
0x69: {  	_ =	shalt  }
0x6a: {  	_ =	shalt  }
0x6b: {  	_ =	shalt  }
0x6c: {  	_ =	shalt  }
0x6d: {  	_ =	shalt  }
0x6e: {  	_ =	shalt  }
0x6f: {  	_ =	shalt  }
0x70: {  	_ =	shalt  }
0x71: {  	_ =	shalt  }
0x72: {  	_ =	shalt  }
0x73: {  	_ =	shalt  }
0x74: {  	_ =	shalt  }
0x75: {  	_ =	shalt  }
0x76: {  	_ =	shalt  }
0x77: {  	_ =	shalt  }
0x78: {  	_ =	shalt  }
0x79: {  	_ =	shalt  }
0x7a: {  	_ =	shalt  }
0x7b: {  	_ =	shalt  }
0x7c: {  	_ =	shalt  }
0x7d: {  	_ =	shalt  }
0x7e: {  	_ =	shalt  }
0x7f: {  	_ =	shalt  }
0x80: {  	_ =	shalt  }
0x81: {  	_ =	shalt  }
0x82: {  	_ =	shalt  }
0x83: {  	_ =	shalt  }
0x84: {  	_ =	shalt  }
0x85: {  	_ =	shalt  }
0x86: {  	_ =	shalt  }
0x87: {  	_ =	shalt  }
.Lfunc_end0:
.L_simem_size_0:
called_computation.3_lowered:
.L_overlay_start_0:
0x88: {  	s2 =	sld [smem:$0x3FD9]  }
0x89: {  	s3 =	sld [smem:$0x3FFE];
	_ =	sdelay $0x1  }
0x8a: {  	s1 =	srdreg.scid  }
0x8b: {  	s0 =	sand.u32 $0x1, s1  }
0x8c: {  	s17 =	sshll.u32 s0, $0xA;
	s2 =	sadd.s32 s3, s2  }
0x8d: {  	s2 =	sadd.s32 s2, s17  }
0x8e: {  	[smem:$0x3FC4] =	sst s2  }
0x8f: {  	_ = 	snop  }
0x90: {  	s2 =	sld [smem:$0x3FD0];
	(tm) =	ssettm $0x1  }
0x91: {  	s18 =	sld [smem:$0x3FFB];
	_ =	sdelay $0x3  }
0x92: {  	_ =	strace s18  }
0x93: {  	s3 =	sld [smem:$0x3FFC];
	_ =	sdelay $0x3  }
0x94: {  	_ =	strace s3  }
0x95: {  	s3 =	sld [smem:$0x3FFD];
	_ =	sdelay $0x3  }
0x96: {  	_ =	strace s3  }
0x97: {  	_ =	strace $0x8FFFFFFF  }
0x98: {  	s19 =	sld [smem:$0x3FDB];
	_ =	sdelay $0x1  }
0x99: {  	s4 =	simm.s32 $_scs_section_size  }
0x9a: {  	s5 =	simm.s32 $_size__tile_overlayer_lowered;
	s6 =	simm.s32 $_tile_overlayer_lowered  }
0x9b: {  	s22 =	simm.s32 $0x1BFF;
	s21 =	sshll.u32 s6, $0x1;
	s3 =	sadd.s32 s4, s19  }
0x9c: {  	s7 =	simm.s32 $0x0;
	s20 =	sshll.u32 s5, $0x1;
	s5 =	sadd.s32 s21, s3  }
0x9d: {  	[timem:s7], [sflag:s22] =	dma.local [hbm:s5], s20  }
0x9e: {  	_ =	swait.ge [sflag:s22], s20  }
0x9f: {  	s4 =	ssub.s32 $0x0, s20;
	[sflag:s22] =	ssyncset.done $0x0  }
0xa0: {  	[sflag:s22] =	ssyncadd.s32 s4;
	_ =	sdelay $0x1  }
0xa1: {  	s23 =	simm.s32 $0x1B8B  }
0xa2: {  	_ =	swait.ge [sflag:s23], $0x1  }
0xa3: {  	[sflag:s23] =	ssyncset.done $0x0  }
0xa4: {  	s25 =	simm.s32 $0x1B8E;
	s24 =	sld [smem:$0x3FFE];
	[sflag:s23] =	ssyncadd.s32 $0xFFFFFFFF  }
0xa5: {  	s26 =	simm.s32 $execute0_lowered;
	[smem:$0x3FD2] =	sst s25  }
0xa6: {  	s5 =	sshll.u32 s26, $0x1;
	_ =	strace $0x8000004F;
	[dreg:$0x1] =	wrdreg $0xFFFFFFFF  }
0xa7: {  	s28 =	simm.s32 $_size_execute0_lowered;
	s3 =	sadd.s32 s3, s5;
	[dreg:$0x0] =	wrdreg $0x0  }
0xa8: {  	s5 =	sshll.u32 s28, $0x1;
	[dreg:$0x2] =	wrdreg s3  }
0xa9: {  	[dreg:$0x3] =	wrdreg s5  }
0xaa: {  	[dreg:$0x4] =	wrdreg $0xC0  }
0xab: {  	_ =	task [dreg:s7], $0x5FFFF  }
0xac: {  	[dreg:$0x1] =	wrdreg $0xFFFFFFFF  }
0xad: {  	[dreg:$0x0] =	wrdreg $0x60  }
0xae: {  	[dreg:$0x2] =	wrdreg s2  }
0xaf: {  	[dreg:$0x3] =	wrdreg s24  }
0xb0: {  	[dreg:$0x4] =	wrdreg $0xCD000  }
0xb1: {  	[dreg:$0x5] =	wrdreg $0x9  }
0xb2: {  	_ =	task.clear_ibuf [dreg:s7], $0x6FFFF;
	_ =	strace $0x9000004F  }
0xb3: {  	s29 =	simm.s32 $0x9;
	_ =	strace $0x80000051  }
0xb4: {  	_ =	swait.ge [sflag:s29], $0x1  }
0xb5: {  	[sflag:s29] =	ssyncadd.s32 $0xFFFFFFFF  }
0xb6: {  	_ =	strace $0x90000051  }
0xb7: {  	_ =	sfence  }
0xb8: {  	s30 =	sld [smem:$0x0];
	_ =	sdelay $0x2  }
0xb9: {  	s31 =	sshll.u32 s1, $0xD;
	s1 =	sshrl.u32 s1, $0x2  }
0xba: {  	s3 =	sand.u32 $0x4000, s31;
	s1 =	sadd.s32 s1, s30  }
0xbb: {  	s0 =	sor.u32 s3, s0;
	s1 =	sshll.u32 s1, $0x11  }
0xbc: {  	s0 =	sor.u32 s1, s0  }
0xbd: {  	s0 =	sadd.s32 $0x8F2B, s0  }
0xbe: {  	[sflag:s0] =	ssyncadd.remote.s32 $0x1  }
0xbf: {  	_ =	sfence.sel $0xFFFF  }
0xc0: {  	[dreg:$0x0] =	wrdreg $0xFFFFFFFF;
	(pc) =	sbr.abs _section_cstart, $3  }
0xc1: {  	[dreg:$0x1] =	wrdreg $0xFFFFFFFF  }
0xc2: {  	_ =	task.clear_ibuf [dreg:s7], $0x2FFFF;
	_ =	strace $0x9FFFFFFF  }
0xc3: {  	(tm) =	ssettm $0x7FFFFFFF  }
tec
execute0_lowered:
.L_overlay_start_1:
0x0: {  	(tag) =	ssettag $0x1  }
0x1: {  	s2 =	rddreg [dreg:$0x0]  }
0x2: {  	s0 =	rddreg [dreg:$0x1]  }
0x3: {  	s3 =	rddreg [dreg:$0x2]  }
0x4: {  	s1 =	srdreg.scid;
	s17 =	stileid.u32;
	s4 =	simm.s32 $0x0  }
0x5: {  	s13 =	simm.s32 $0x9;
	s14 =	simm.s32 $0x2800;
	s15 =	simm.s32 $0x7D  }
0x6: {  	s16 =	simm.s32 $0x5000;
	s18 =	simm.s32 $0x6F40;
	s20 =	simm.s32 $0x8E80  }
0x7: {  	s23 =	simm.s32 $0x1;
	s28 =	simm.s32 $0x5;
	s31 =	simm.s32 $0x3  }
0x8: {  	s19 =	simm.s32 $0x4;
	s24 =	simm.s32 $0x7;
	s1 =	sand.u32 $0x1, s1  }
0x9: {  	s5 =	sshll.u32 s17, $0x1;
	s6 =	smul.u32 $0x9C00, s17;
	[smem:$0x7FF] =	sst s4  }
0xa: {  	s10 =	sadd.s32 $0x29600, s0;
	s29 =	sadd.s32 $0x9C000, s3;
	p0 =	sne.s32 s17, $0xF  }
0xb: {  	s30 =	sshll.u32 s17, $0x6;
	s17 =	simm.s32 $0x0;
	s5 =	sor.u32 s1, s5  }
0xc: {  	_ =	strace $0x80000050;
	s8 =	ssub.s32 $0x2, s1;
	s1 =	smul.u32 $0x9C400, s1  }
0xd: {  	[dreg:$0x7] =	wrdreg s29;
	s21 =	sor.u32 $0x1C09, s30;
	s5 =	smul.u32 $0x500, s5  }
0xe: {  	s7 =	sshrl.u32 s6, $0x3;
	s9 =	sshrl.u32 s8, $0x1;
	s26 =	sadd.s32 s6, s3  }
0xf: {  	s7 =	sadd.s32 s7, s0;
	s12 =	ssub.s32 s8, s9;
	s6 =	sadd.s32 s6, s1  }
0x10: {  	s1 =	sshrl.u32 s1, $0x3;
	s22 =	sshrl.u32 s26, $0x3;
	s26 =	simm.s32 $0x2  }
0x11: {  	s5 =	sadd.s32 s5, s0;
	s7 =	sadd.s32 $0x50800, s7;
	s6 =	sshrl.u32 s6, $0x3  }
.Ltmp0:
0x12: {  	s1 =	sadd.s32 s10, s1;
	s0 =	sadd.s32 $0x64000, s0;
	(pc) =	sbr.rel .LBB2_1-.Ltmp0, $4  }
0x13: {  	s12 =	smax.u32 s12, $0x1;
	s25 =	sadd.s32 $0x1F600, s5;
	[dreg:$0x6] =	wrdreg s7  }
0x14: {  	s5 =	sadd.s32 $0x15600, s5;
	[dreg:$0x8] =	wrdreg s0;
	s10 =	sadd.s32 s10, s6  }
0x15: {  	s11 =	sadd.s32 $0x13800, s1;
	s0 =	simm.s32 $0x6;
	[dreg:$0x4] =	wrdreg s25  }
0x16: {  	s1 =	simm.s32 $0x8;
	[dreg:$0x5] =	wrdreg s5;
	s25 =	simm.s32 $0xADC0  }
.LBB2_4:
0x17: {  	[spmem:s3] =	stream.indirect.scatter.add.f32 [tilespmem:s25], [sflag:$0x8], $0x40, s6, s15, $0xb8;
	[tilespmem:$0x16940] =	vst v63  }
0x18: {  	_ =	swait.ge [sflag:s1], $0x1F40  }
0x19: {  	[sflag:s1] =	ssyncset.done $0x0  }
0x1a: {  	[sflag:s1] =	ssyncadd.s32 $0xFFFFE0C0  }
0x1b: {  	[bflag:$0x0] =	sbarrier.arrive $0xFFFF  }
0x1c: {  	[hbm:s10], [sflag:s21] =	dma.local [spmem:s22], $0x1380  }
0x1d: {  	s17 =	sadd.s32 $0x1, s17;
	_ =	swait.ge [sflag:s13], $0x1380  }
0x1e: {  	p1 =	sne.s32 s17, s12;
	[sflag:s13] =	ssyncset.done $0x0  }
.Ltmp1:
0x1f: {  	s5 =	simm.s32 @!p0 $0x9;
	[sflag:s13] =	ssyncadd.s32 $0xFFFFEC80;
	(pc) =	sbr.rel @!p1 .LBB2_5-.Ltmp1, $4  }
0x20: {  	[hbm:s11], [sflag:s21] =	dma.local @!p0 [spmem:s29], $0x80  }
0x21: {  	_ =	swait.ge @!p0 [sflag:s5], $0x80  }
0x22: {  	[sflag:s5] =	ssyncset.done @!p0 $0x0  }
0x23: {  	[sflag:s5] =	ssyncadd.s32 @!p0 $0xFFFFFF80  }
.LBB2_1:
0x24: {  	s5 =	rddreg [dreg:$0x4]  }
0x25: {  	[tilespmem:s4], [sflag:$0x9] =	stream.linear.gather [hbm4b:s5+s4], $0x2800, $0x38;
	[tilespmem:$0x16940] =	vst v63  }
0x26: {  	_ =	swait.ge [sflag:s13], $0x2800  }
0x27: {  	[sflag:s13] =	ssyncset.done $0x0  }
0x28: {  	s7 =	rddreg [dreg:$0x5];
	[sflag:s13] =	ssyncadd.s32 $0xFFFFD800  }
0x29: {  	[tilespmem:s14], [sflag:$0x9] =	stream.linear.gather [hbm4b:s7+s4], $0x2800, $0x38;
	[tilespmem:$0x16940] =	vst v63  }
0x2a: {  	_ =	swait.ge [sflag:s13], $0x2800  }
0x2b: {  	[sflag:s13] =	ssyncset.done $0x0  }
0x2c: {  	[sflag:s13] =	ssyncadd.s32 $0xFFFFD800  }
0x2d: {  	[tilespmem:s16], [sflag:$0x1] =	stream.indirect.gather [hbm4b:s2+s15], $0x40, s4, s15, $0xb8;
	[tilespmem:$0x16940] =	vst v63  }
0x2e: {  	s8 =	simm.s32 $0x80  }
0x2f: {  	[tilespmem:s18], [sflag:$0x2] =	stream.indirect.gather [hbm4b:s2+s15], $0x40, s8, s15, $0xb8;
	[tilespmem:$0x16940] =	vst v63  }
0x30: {  	s9 =	simm.s32 $0x100;
	s6 =	rddreg [dreg:$0x6]  }
0x31: {  	[tilespmem:s20], [sflag:$0x3] =	stream.indirect.gather [hbm4b:s2+s15], $0x40, s9, s15, $0xb8;
	[tilespmem:$0x16940] =	vst v63  }
0x32: {  	[spmem:s22], [sflag:s21] =	dma.local [hbm:s6], $0x1380  }
0x33: {  	_ =	swait.ge [sflag:s13], $0x1380  }
0x34: {  	[sflag:s13] =	ssyncset.done $0x0;
	s5 =	rddreg [dreg:$0x7]  }
0x35: {  	[sflag:s13] =	ssyncadd.s32 $0xFFFFEC80;
	s29 =	sshrl.u32 @!p0 s5, $0x3;
	s5 =	rddreg [dreg:$0x8]  }
0x36: {  	[spmem:s29], [sflag:s21] =	dma.local @!p0 [hbm:s5], $0x80  }
0x37: {  	s5 =	simm.s32 @!p0 $0x9  }
0x38: {  	_ =	swait.ge @!p0 [sflag:s5], $0x80  }
0x39: {  	[sflag:s5] =	ssyncset.done @!p0 $0x0  }
0x3a: {  	[sflag:s5] =	ssyncadd.s32 @!p0 $0xFFFFFF80  }
0x3b: {  	[bflag:$0x0] =	sbarrier.arrive $0xFFFF  }
0x3c: {  	_ =	swait.ge [sflag:s23], $0x1F40  }
0x3d: {  	[sflag:s23] =	ssyncset.done $0x0  }
0x3e: {  	s7 =	simm.s32 $0x180;
	[sflag:s23] =	ssyncadd.s32 $0xFFFFE0C0  }
0x3f: {  	[tilespmem:s25], [sflag:$0x4] =	stream.indirect.gather [hbm4b:s2+s15], $0x40, s7, s15, $0xb8;
	[tilespmem:$0x16940] =	vst v63  }
0x40: {  	_ = 	snop  }
0x41: {  	[spmem:s3] =	stream.indirect.scatter.add.f32 [tilespmem:s16], [sflag:$0x5], $0x40, s14, s15, $0xb8;
	[tilespmem:$0x16940] =	vst v63  }
0x42: {  	_ =	swait.ge [sflag:s26], $0x1F40  }
0x43: {  	[sflag:s26] =	ssyncset.done $0x0  }
0x44: {  	[sflag:s26] =	ssyncadd.s32 $0xFFFFE0C0  }
0x45: {  	_ =	swait.ge [sflag:s28], $0x1F40  }
0x46: {  	[sflag:s28] =	ssyncset.done $0x0  }
0x47: {  	s8 =	simm.s32 $0x200;
	[sflag:s28] =	ssyncadd.s32 $0xFFFFE0C0  }
0x48: {  	[tilespmem:s16], [sflag:$0x1] =	stream.indirect.gather [hbm4b:s2+s15], $0x40, s8, s15, $0xb8;
	[tilespmem:$0x16940] =	vst v63  }
0x49: {  	s9 =	simm.s32 $0x2880  }
0x4a: {  	[spmem:s3] =	stream.indirect.scatter.add.f32 [tilespmem:s18], [sflag:$0x6], $0x40, s9, s15, $0xb8;
	[tilespmem:$0x16940] =	vst v63  }
0x4b: {  	_ =	swait.ge [sflag:s31], $0x1F40  }
0x4c: {  	[sflag:s31] =	ssyncset.done $0x0  }
0x4d: {  	[sflag:s31] =	ssyncadd.s32 $0xFFFFE0C0  }
0x4e: {  	_ =	swait.ge [sflag:s0], $0x1F40  }
0x4f: {  	[sflag:s0] =	ssyncset.done $0x0  }
0x50: {  	s6 =	simm.s32 $0x280;
	[sflag:s0] =	ssyncadd.s32 $0xFFFFE0C0  }
0x51: {  	[tilespmem:s18], [sflag:$0x2] =	stream.indirect.gather [hbm4b:s2+s15], $0x40, s6, s15, $0xb8;
	[tilespmem:$0x16940] =	vst v63  }
0x52: {  	s7 =	simm.s32 $0x2900  }
0x53: {  	[spmem:s3] =	stream.indirect.scatter.add.f32 [tilespmem:s20], [sflag:$0x7], $0x40, s7, s15, $0xb8;
	[tilespmem:$0x16940] =	vst v63  }
0x54: {  	_ =	swait.ge [sflag:s19], $0x1F40  }
0x55: {  	[sflag:s19] =	ssyncset.done $0x0  }
0x56: {  	[sflag:s19] =	ssyncadd.s32 $0xFFFFE0C0  }
0x57: {  	_ =	swait.ge [sflag:s24], $0x1F40  }
0x58: {  	[sflag:s24] =	ssyncset.done $0x0  }
0x59: {  	s8 =	simm.s32 $0x300;
	[sflag:s24] =	ssyncadd.s32 $0xFFFFE0C0  }
0x5a: {  	[tilespmem:s20], [sflag:$0x3] =	stream.indirect.gather [hbm4b:s2+s15], $0x40, s8, s15, $0xb8;
	[tilespmem:$0x16940] =	vst v63  }
0x5b: {  	s30 =	simm.s32 $0x0;
	s9 =	simm.s32 $0x2980  }
0x5c: {  	[spmem:s3] =	stream.indirect.scatter.add.f32 [tilespmem:s25], [sflag:$0x8], $0x40, s9, s15, $0xb8;
	[tilespmem:$0x16940] =	vst v63  }
.LBB2_2:
0x5d: {  	_ =	swait.ge [sflag:s23], $0x1F40  }
0x5e: {  	[sflag:s23] =	ssyncset.done $0x0  }
0x5f: {  	[sflag:s23] =	ssyncadd.s32 $0xFFFFE0C0  }
0x60: {  	_ =	swait.ge [sflag:s1], $0x1F40  }
0x61: {  	s5 =	sshra.s32 s30, $0x2;
	[sflag:s1] =	ssyncset.done $0x0  }
0x62: {  	s6 =	sadd.s32 $0x380, s5;
	[sflag:s1] =	ssyncadd.s32 $0xFFFFE0C0  }
0x63: {  	[tilespmem:s25], [sflag:$0x4] =	stream.indirect.gather [hbm4b:s2+s15], $0x40, s6, s15, $0xb8;
	[tilespmem:$0x16940] =	vst v63  }
0x64: {  	s8 =	sadd.s32 $0x2A00, s5  }
0x65: {  	[spmem:s3] =	stream.indirect.scatter.add.f32 [tilespmem:s16], [sflag:$0x5], $0x40, s8, s15, $0xb8;
	[tilespmem:$0x16940] =	vst v63  }
0x66: {  	_ =	swait.ge [sflag:s26], $0x1F40  }
0x67: {  	[sflag:s26] =	ssyncset.done $0x0  }
0x68: {  	[sflag:s26] =	ssyncadd.s32 $0xFFFFE0C0  }
0x69: {  	p1 =	seq.s32 s30, $0x9000;
	_ =	swait.ge [sflag:s28], $0x1F40  }
0x6a: {  	s7 =	simm.s32 @p1 $0x7D;
	s6 =	sshra.s32 @p1 s30, $0x2;
	[sflag:s28] =	ssyncset.done $0x0  }
0x6b: {  	s6 =	sadd.s32 @p1 $0x2A80, s6;
	s8 =	simm.s32 @p1 $0x6F40;
	[sflag:s28] =	ssyncadd.s32 $0xFFFFE0C0  }
0x6c: {  	[spmem:s3] =	stream.indirect.scatter.add.f32 @p1 [tilespmem:s8], [sflag:$0x6], $0x40, s6, s7, $0xb8;
	[tilespmem:$0x16940] =	vst v63  }
0x6d: {  	s6 =	simm.s32 @p1 $0x3  }
0x6e: {  	_ =	swait.ge @p1 [sflag:s6], $0x1F40  }
0x6f: {  	[sflag:s6] =	ssyncset.done @p1 $0x0  }
0x70: {  	[sflag:s6] =	ssyncadd.s32 @p1 $0xFFFFE0C0;
	s6 =	simm.s32 @p1 $0x6  }
0x71: {  	_ =	swait.ge @p1 [sflag:s6], $0x1F40  }
0x72: {  	[sflag:s6] =	ssyncset.done @p1 $0x0  }
0x73: {  	[sflag:s6] =	ssyncadd.s32 @p1 $0xFFFFE0C0;
	s6 =	sshra.s32 @!p1 s30, $0x2  }
0x74: {  	s9 =	simm.s32 @!p1 $0x5000;
	s8 =	simm.s32 @!p1 $0x7D;
	s7 =	sadd.s32 @!p1 $0x400, s6  }
0x75: {  	[tilespmem:s9], [sflag:$0x1] =	stream.indirect.gather @!p1 [hbm4b:s2+s8], $0x40, s7, s8, $0xb8;
	[tilespmem:$0x16940] =	vst v63  }
0x76: {  	s7 =	sadd.s32 @!p1 $0x2A80, s6;
	s9 =	simm.s32 @!p1 $0x6F40  }
0x77: {  	[spmem:s3] =	stream.indirect.scatter.add.f32 @!p1 [tilespmem:s9], [sflag:$0x6], $0x40, s7, s8, $0xb8;
	[tilespmem:$0x16940] =	vst v63  }
0x78: {  	s7 =	simm.s32 @!p1 $0x3  }
0x79: {  	_ =	swait.ge @!p1 [sflag:s7], $0x1F40  }
0x7a: {  	[sflag:s7] =	ssyncset.done @!p1 $0x0  }
0x7b: {  	[sflag:s7] =	ssyncadd.s32 @!p1 $0xFFFFE0C0;
	s7 =	simm.s32 @!p1 $0x6  }
0x7c: {  	_ =	swait.ge @!p1 [sflag:s7], $0x1F40  }
0x7d: {  	[sflag:s7] =	ssyncset.done @!p1 $0x0  }
0x7e: {  	s6 =	sadd.s32 @!p1 $0x480, s6;
	[sflag:s7] =	ssyncadd.s32 @!p1 $0xFFFFE0C0  }
0x7f: {  	[tilespmem:s9], [sflag:$0x2] =	stream.indirect.gather @!p1 [hbm4b:s2+s8], $0x40, s6, s8, $0xb8;
	[tilespmem:$0x16940] =	vst v63  }
0x80: {  	s9 =	sadd.s32 $0x2B00, s5  }
0x81: {  	[spmem:s3] =	stream.indirect.scatter.add.f32 [tilespmem:s20], [sflag:$0x7], $0x40, s9, s15, $0xb8;
	[tilespmem:$0x16940] =	vst v63  }
0x82: {  	_ =	swait.ge [sflag:s19], $0x1F40  }
.Ltmp2:
0x83: {  	[sflag:s19] =	ssyncset.done $0x0;
	(pc) =	sbr.rel @p1 .LBB2_4-.Ltmp2, $4  }
0x84: {  	[sflag:s19] =	ssyncadd.s32 $0xFFFFE0C0  }
0x85: {  	_ =	swait.ge [sflag:s24], $0x1F40  }
0x86: {  	[sflag:s24] =	ssyncset.done $0x0  }
0x87: {  	s6 =	sadd.s32 $0x2B80, s5;
	[sflag:s24] =	ssyncadd.s32 $0xFFFFE0C0  }
.Ltmp3:
0x88: {  	(pc) =	sbr.rel .LBB2_2-.Ltmp3, $4  }
0x89: {  	s5 =	sadd.s32 $0x500, s5  }
0x8a: {  	[tilespmem:s20], [sflag:$0x3] =	stream.indirect.gather [hbm4b:s2+s15], $0x40, s5, s15, $0xb8;
	[tilespmem:$0x16940] =	vst v63  }
0x8b: {  	s30 =	sadd.s32 $0x800, s30  }
0x8c: {  	[spmem:s3] =	stream.indirect.scatter.add.f32 [tilespmem:s25], [sflag:$0x8], $0x40, s6, s15, $0xb8;
	[tilespmem:$0x16940] =	vst v63  }
.LBB2_5:
0x8d: {  	_ =	sfence.sel $0x180000  }
0x8e: {  	[bflag:$0x0] =	sbarrier.arrive $0xFFFF  }
0x8f: {  	_ =	strace $0x90000050  }
0x90: {  	s0 =	stileid.u32;
	[bflag:$0x2] =	sbarrier.arrive $0xFFFF  }
0x91: {  	p0 =	sne.s32 s0, $0x0;
	s0 =	rddreg [dreg:$0x3]  }
0x92: {  	s0 =	sadd.s32 @!p0 $0x100000, s0  }
0x93: {  	[sflag:s0] =	ssyncadd.tile.s32 @!p0 $0x1;
	_ =	shalt  }
.Lfunc_end2:
_tile_overlayer_lowered:
.L_overlay_start_2:
0x94: {  	(tag) =	ssettag $0x2  }
0x95: {  	s0 =	rddreg [dreg:$0x0];
	s2 =	stileid.u32  }
0x96: {  	s1 =	rddreg [dreg:$0x1];
	p0 =	sne.s32 s2, $0x0  }
0x97: {  	s3 =	rddreg [dreg:$0x2];
	[bflag:$0x3] =	sbarrier.arrive $0xFFFF;
	s2 =	simm.s32 @!p0 $0x1C09  }
0x98: {  	[timem:s3], [sflag:s2] =	dma.local @!p0 [hbm:s0], s1  }
0x99: {  	s0 =	simm.s32 @!p0 $0x9  }
0x9a: {  	_ =	swait.ge @!p0 [sflag:s0], s1  }
0x9b: {  	s1 =	ssub.s32 @!p0 $0x0, s1;
	[sflag:s0] =	ssyncset.done @!p0 $0x0  }
0x9c: {  	[sflag:s0] =	ssyncadd.s32 @!p0 s1  }
0x9d: {  	[bflag:$0x3] =	sbarrier.arrive $0xFFFF  }
0x9e: {  	_ =	shalt  }

// kernel: kernel.9.cloned.1.call-start
scs
__scs_entry_jumppad:
0x0: {  	(pc) =	sbr.rel $0x88, $3  }
0x1: {  	(tag) =	ssettag $0x0;
	lr =	simm.s32 $0x1  }
0x2: {  	[smem:$0x3F9D] =	sst lr;
	_ =	strace $0xD0000000  }
0x3: {  	_ = 	snop  }
0x4: {  	_ = 	snop  }
0x5: {  	_ = 	snop  }
0x6: {  	_ = 	snop  }
0x7: {  	_ = 	snop  }
__scs_overlays_trampoline_lowered:
0x8: {  	[smem:$0x3FAC] =	sst s0  }
0x9: {  	[smem:$0x3FAD] =	sst s1  }
0xa: {  	[smem:$0x3FAE] =	sst s2  }
0xb: {  	[smem:$0x3FAF] =	sst s3  }
0xc: {  	[smem:$0x3FB0] =	sst s4  }
0xd: {  	[smem:$0x3FB1] =	sst s5  }
0xe: {  	[smem:$0x3FB2] =	sst s6  }
0xf: {  	[smem:$0x3FB3] =	sst s7  }
0x10: {  	[smem:$0x3FB4] =	sst s8  }
0x11: {  	[smem:$0x3FB5] =	sst s9;
	s0 =	simm.s32 @!p0 $0x0  }
0x12: {  	s1 =	sld [smem:$0x3F9B];
	s0 =	simm.s32 @p0 $0x1  }
0x13: {  	[smem:$0x3FB6] =	sst s0;
	s0 =	simm.s32 @!p1 $0x0  }
0x14: {  	s2 =	sld [smem:$0x3F9A];
	s0 =	simm.s32 @p1 $0x1  }
0x15: {  	[smem:$0x3FB7] =	sst s0;
	s0 =	simm.s32 @!p2 $0x0  }
0x16: {  	s3 =	sld [smem:$0x3FDB];
	s0 =	simm.s32 @p2 $0x1  }
0x17: {  	s4 =	simm.s32 $0x1BF5;
	[smem:$0x3FB9] =	sst s0  }
0x18: {  	s0 =	sld [smem:$0x3F9C];
	_ =	swait.ge [sflag:s4], $0x0  }
0x19: {  	s7 =	sld [smem:$0x3F9D]  }
0x1a: {  	s8 =	sadd.s32 $0xFFFFE003, lr  }
0x1b: {  	s9 =	sadd.s32 $0xFFFFFEF7, lr;
	s5 =	simm.s32 $0xFFFFFFFF;
	p2 =	slt.u32 s8, $0xFFFFF086  }
0x1c: {  	p1 =	slt.u32 s9, $0xF7A;
	s5 =	simm.s32 @!p2 $0x0  }
0x1d: {  	s5 =	simm.s32 @p1 $0x1;
	p0 =	seq.s32 s7, s2  }
0x1e: {  	s7 =	smul.u32 @!p0 $0xF7A, s2;
	p2 =	seq.s32 @!p0 s5, $0x0  }
0x1f: {  	s9 =	smul.u32 $0xF7A, s1;
	s8 =	simm.s32 @!p0 $0x1BF5;
	p2 =	por !p2, p0  }
0x20: {  	[sflag:s8] =	ssyncset.s32 @!p0 $0xFFFFF086;
	s6 =	sadd.s32 @!p0 s3, s7;
	s7 =	simm.s32 @!p0 $0x108  }
0x21: {  	s3 =	sadd.s32 s3, s9;
	s6 =	sadd.s32 @!p0 $0x88, s6;
	s7 =	simm.s32 @p2 $0x1082  }
0x22: {  	[simem:s7], [sflag:s8] =	dma.local @!p0 [hbm:s6], $0xF7A  }
0x23: {  	s9 =	sor.u32 $0xD0000000, s2;
	s6 =	simm.s32 $0x108;
	_ =	swait.ge @!p0 [sflag:s8], $0x0  }
0x24: {  	s3 =	sadd.s32 $0x88, s3;
	s6 =	simm.s32 @!p1 $0x1082;
	[sflag:s4] =	ssyncset.s32 $0xFFFFF086  }
0x25: {  	[simem:s6], [sflag:s4] =	dma.local [hbm:s3], $0xF7A  }
0x26: {  	[smem:$0x3F9D] =	sst s1;
	(tag) =	ssettag s2;
	_ =	strace s9  }
0x27: {  	s1 =	sld [smem:$0x3FAD]  }
0x28: {  	s2 =	sld [smem:$0x3FAE]  }
0x29: {  	s4 =	sld [smem:$0x3FB0]  }
0x2a: {  	p0 =	seq.s32 s5, $0x0;
	s5 =	sld [smem:$0x3FB1]  }
0x2b: {  	s6 =	sld [smem:$0x3FB2]  }
0x2c: {  	s7 =	sld [smem:$0x3FB3]  }
0x2d: {  	s3 =	simm.s32 $0x108;
	s8 =	sld [smem:$0x3FB4]  }
0x2e: {  	s3 =	simm.s32 @!p0 $0x1082;
	s9 =	sld [smem:$0x3FB5]  }
0x2f: {  	lr =	sadd.s32 s0, s3;
	s0 =	sld [smem:$0x3FAC]  }
0x30: {  	s3 =	sld [smem:$0x3FAF]  }
0x31: {  	[smem:$0x3FB8] =	sst s10  }
0x32: {  	s10 =	sld [smem:$0x3FB6];
	_ =	sdelay $0x3  }
0x33: {  	p0 =	seq.s32 s10, $0x1;
	s10 =	sld [smem:$0x3FB8];
	_ =	sdelay $0x3  }
0x34: {  	[smem:$0x3FB8] =	sst s10  }
0x35: {  	s10 =	sld [smem:$0x3FB7];
	_ =	sdelay $0x3  }
0x36: {  	p1 =	seq.s32 s10, $0x1;
	s10 =	sld [smem:$0x3FB8];
	_ =	sdelay $0x3  }
0x37: {  	[smem:$0x3FB8] =	sst s10  }
0x38: {  	s10 =	sld [smem:$0x3FB9]  }
0x39: {  	_ = 	snop;
	(pc) =	sbr.ind lr, $3  }
0x3a: {  	_ = 	snop  }
0x3b: {  	_ = 	snop  }
0x3c: {  	p2 =	seq.s32 s10, $0x1;
	s10 =	sld [smem:$0x3FB8]  }
0x3d: {  	_ =	shalt  }
0x3e: {  	_ =	shalt  }
0x3f: {  	_ =	shalt  }
0x40: {  	_ =	shalt  }
0x41: {  	_ =	shalt  }
0x42: {  	_ =	shalt  }
0x43: {  	_ =	shalt  }
0x44: {  	_ =	shalt  }
0x45: {  	_ =	shalt  }
0x46: {  	_ =	shalt  }
0x47: {  	_ =	shalt  }
0x48: {  	_ =	shalt  }
0x49: {  	_ =	shalt  }
0x4a: {  	_ =	shalt  }
0x4b: {  	_ =	shalt  }
0x4c: {  	_ =	shalt  }
0x4d: {  	_ =	shalt  }
0x4e: {  	_ =	shalt  }
0x4f: {  	_ =	shalt  }
0x50: {  	_ =	shalt  }
0x51: {  	_ =	shalt  }
0x52: {  	_ =	shalt  }
0x53: {  	_ =	shalt  }
0x54: {  	_ =	shalt  }
0x55: {  	_ =	shalt  }
0x56: {  	_ =	shalt  }
0x57: {  	_ =	shalt  }
0x58: {  	_ =	shalt  }
0x59: {  	_ =	shalt  }
0x5a: {  	_ =	shalt  }
0x5b: {  	_ =	shalt  }
0x5c: {  	_ =	shalt  }
0x5d: {  	_ =	shalt  }
0x5e: {  	_ =	shalt  }
0x5f: {  	_ =	shalt  }
0x60: {  	_ =	shalt  }
0x61: {  	_ =	shalt  }
0x62: {  	_ =	shalt  }
0x63: {  	_ =	shalt  }
0x64: {  	_ =	shalt  }
0x65: {  	_ =	shalt  }
0x66: {  	_ =	shalt  }
0x67: {  	_ =	shalt  }
0x68: {  	_ =	shalt  }
0x69: {  	_ =	shalt  }
0x6a: {  	_ =	shalt  }
0x6b: {  	_ =	shalt  }
0x6c: {  	_ =	shalt  }
0x6d: {  	_ =	shalt  }
0x6e: {  	_ =	shalt  }
0x6f: {  	_ =	shalt  }
0x70: {  	_ =	shalt  }
0x71: {  	_ =	shalt  }
0x72: {  	_ =	shalt  }
0x73: {  	_ =	shalt  }
0x74: {  	_ =	shalt  }
0x75: {  	_ =	shalt  }
0x76: {  	_ =	shalt  }
0x77: {  	_ =	shalt  }
0x78: {  	_ =	shalt  }
0x79: {  	_ =	shalt  }
0x7a: {  	_ =	shalt  }
0x7b: {  	_ =	shalt  }
0x7c: {  	_ =	shalt  }
0x7d: {  	_ =	shalt  }
0x7e: {  	_ =	shalt  }
0x7f: {  	_ =	shalt  }
0x80: {  	_ =	shalt  }
0x81: {  	_ =	shalt  }
0x82: {  	_ =	shalt  }
0x83: {  	_ =	shalt  }
0x84: {  	_ =	shalt  }
0x85: {  	_ =	shalt  }
0x86: {  	_ =	shalt  }
0x87: {  	_ =	shalt  }
.Lfunc_end0:
.L_simem_size_0:
called_computation_lowered:
.L_overlay_start_0:
0x88: {  	s2 =	sld [smem:$0x3FD9]  }
0x89: {  	s3 =	sld [smem:$0x3FFE];
	_ =	sdelay $0x1  }
0x8a: {  	s1 =	srdreg.scid  }
0x8b: {  	s0 =	sand.u32 $0x1, s1  }
0x8c: {  	s17 =	sshll.u32 s0, $0xA;
	s2 =	sadd.s32 s3, s2  }
0x8d: {  	s2 =	sadd.s32 s2, s17  }
0x8e: {  	[smem:$0x3FC4] =	sst s2  }
0x8f: {  	_ = 	snop  }
0x90: {  	s2 =	sld [smem:$0x3FD0];
	(tm) =	ssettm $0x1  }
0x91: {  	s18 =	sld [smem:$0x3FFB];
	_ =	sdelay $0x3  }
0x92: {  	_ =	strace s18  }
0x93: {  	s3 =	sld [smem:$0x3FFC];
	_ =	sdelay $0x3  }
0x94: {  	_ =	strace s3  }
0x95: {  	s3 =	sld [smem:$0x3FFD];
	_ =	sdelay $0x3  }
0x96: {  	_ =	strace s3  }
0x97: {  	_ =	strace $0x8FFFFFFF  }
0x98: {  	s19 =	sld [smem:$0x3FDB];
	_ =	sdelay $0x1  }
0x99: {  	s4 =	simm.s32 $_scs_section_size  }
0x9a: {  	s5 =	simm.s32 $_size__tile_overlayer_lowered;
	s6 =	simm.s32 $_tile_overlayer_lowered  }
0x9b: {  	s22 =	simm.s32 $0x1BFF;
	s21 =	sshll.u32 s6, $0x1;
	s3 =	sadd.s32 s4, s19  }
0x9c: {  	s7 =	simm.s32 $0x0;
	s20 =	sshll.u32 s5, $0x1;
	s5 =	sadd.s32 s21, s3  }
0x9d: {  	[timem:s7], [sflag:s22] =	dma.local [hbm:s5], s20  }
0x9e: {  	_ =	swait.ge [sflag:s22], s20  }
0x9f: {  	s4 =	ssub.s32 $0x0, s20;
	[sflag:s22] =	ssyncset.done $0x0  }
0xa0: {  	[sflag:s22] =	ssyncadd.s32 s4;
	_ =	sdelay $0x1  }
0xa1: {  	s23 =	simm.s32 $0x1B8B  }
0xa2: {  	_ =	swait.ge [sflag:s23], $0x1  }
0xa3: {  	[sflag:s23] =	ssyncset.done $0x0  }
0xa4: {  	s25 =	simm.s32 $0x1B8E;
	s24 =	sld [smem:$0x3FFE];
	[sflag:s23] =	ssyncadd.s32 $0xFFFFFFFF  }
0xa5: {  	s26 =	simm.s32 $execute0_lowered;
	[smem:$0x3FD2] =	sst s25  }
0xa6: {  	s5 =	sshll.u32 s26, $0x1;
	_ =	strace $0x80000046;
	[dreg:$0x1] =	wrdreg $0xFFFFFFFF  }
0xa7: {  	s28 =	simm.s32 $_size_execute0_lowered;
	s3 =	sadd.s32 s3, s5;
	[dreg:$0x0] =	wrdreg $0x0  }
0xa8: {  	s5 =	sshll.u32 s28, $0x1;
	[dreg:$0x2] =	wrdreg s3  }
0xa9: {  	[dreg:$0x3] =	wrdreg s5  }
0xaa: {  	[dreg:$0x4] =	wrdreg $0xC0  }
0xab: {  	_ =	task [dreg:s7], $0x5FFFF  }
0xac: {  	[dreg:$0x1] =	wrdreg $0xFFFFFFFF  }
0xad: {  	[dreg:$0x0] =	wrdreg $0x60  }
0xae: {  	[dreg:$0x2] =	wrdreg s2  }
0xaf: {  	[dreg:$0x3] =	wrdreg s24  }
0xb0: {  	[dreg:$0x4] =	wrdreg $0x9  }
0xb1: {  	_ =	task.clear_ibuf [dreg:s7], $0x5FFFF;
	_ =	strace $0x90000046  }
0xb2: {  	s29 =	simm.s32 $0x9;
	_ =	strace $0x80000048  }
0xb3: {  	_ =	swait.ge [sflag:s29], $0x1  }
0xb4: {  	[sflag:s29] =	ssyncadd.s32 $0xFFFFFFFF  }
0xb5: {  	_ =	strace $0x90000048  }
0xb6: {  	_ =	sfence  }
0xb7: {  	s30 =	sld [smem:$0x0];
	_ =	sdelay $0x2  }
0xb8: {  	s31 =	sshll.u32 s1, $0xD;
	s1 =	sshrl.u32 s1, $0x2  }
0xb9: {  	s3 =	sand.u32 $0x4000, s31;
	s1 =	sadd.s32 s1, s30  }
0xba: {  	s0 =	sor.u32 s3, s0;
	s1 =	sshll.u32 s1, $0x11  }
0xbb: {  	s0 =	sor.u32 s1, s0  }
0xbc: {  	s0 =	sadd.s32 $0x8F2B, s0  }
0xbd: {  	[sflag:s0] =	ssyncadd.remote.s32 $0x1  }
0xbe: {  	_ =	sfence.sel $0xFFFF  }
0xbf: {  	[dreg:$0x0] =	wrdreg $0xFFFFFFFF;
	(pc) =	sbr.abs _section_cstart, $3  }
0xc0: {  	[dreg:$0x1] =	wrdreg $0xFFFFFFFF  }
0xc1: {  	_ =	task.clear_ibuf [dreg:s7], $0x2FFFF;
	_ =	strace $0x9FFFFFFF  }
0xc2: {  	(tm) =	ssettm $0x7FFFFFFF  }
0xc3: {  	_ =	shalt  }
tec
execute0_lowered:
.L_overlay_start_1:
0x0: {  	(tag) =	ssettag $0x1  }
0x1: {  	s1 =	srdreg.scid;
	s0 =	stileid.u32  }
0x2: {  	s4 =	rddreg [dreg:$0x0];
	s3 =	sand.u32 $0x1, s1;
	s30 =	sshll.u32 s0, $0x1  }
0x3: {  	s5 =	rddreg [dreg:$0x1];
	s1 =	sor.u32 s3, s30  }
0x4: {  	s2 =	simm.s32 $0x0;
	s9 =	simm.s32 $0x2710;
	s6 =	smul.u32 $0x2710, s1  }
0x5: {  	s10 =	simm.s32 $0x0;
	[smem:$0x7FF] =	sst s2;
	s3 =	ssub.s32 $0x2, s3  }
0x6: {  	s1 =	rddreg [dreg:$0x2];
	s31 =	sshrl.u32 s3, $0x1;
	s6 =	sshrl.u32 s6, $0x3  }
0x7: {  	s8 =	ssub.s32 s3, s31;
	s7 =	sadd.s32 s6, s5;
	s3 =	sadd.s32 s4, s6  }
0x8: {  	_ =	strace $0x80000047;
	s4 =	sadd.s32 $0xB800, s7;
	s5 =	sadd.s32 $0x9C40, s3  }
0x9: {  	v0 =	vimm.f32 $0.0e+00;
	v1 =	vimm.f32 $1.000000000e+00;
	s6 =	sadd.s32 $0x1A00, s7;
	s7 =	smax.u32 s8, $0x1;
	s8 =	simm.s32 $0x1  }
.LBB2_1:
0xa: {  	s11 =	simm.s32 $0x40;
	s12 =	simm.s32 $0x0  }
.LBB2_2:
0xb: {  	p0 =	sne.s32 s11, $0x9C00;
	[tilespmem:s12+$0x2710] =	vst v0;
	s12 =	smov.u32 s11;
	s11 =	sadd.s32 $0x40, s11  }
.Ltmp0:
0xc: {  	(pc) =	sbr.rel @p0 .LBB2_2-.Ltmp0, $2  }
0xd: {  	_ =	sdelay $0x2  }
0xe: {  	s12 =	sshra.s32 s12, $0x2  }
0xf: {  	[tilespmem:s12+$0x2710] =	vst v0;
	s11 =	simm.s32 $0x0  }
0x10: {  	[tilespmem:s11], [sflag:$0x1] =	stream.linear.gather [hbm4b:s3+s11], $0x2710, $0x38;
	[tilespmem:$0x4E20] =	vst v63  }
0x11: {  	_ =	swait.ge [sflag:s8], $0x2710  }
0x12: {  	[sflag:s8] =	ssyncset.done $0x0  }
0x13: {  	s12 =	simm.s32 $0x0;
	s11 =	simm.s32 $0x40;
	[sflag:s8] =	ssyncadd.s32 $0xFFFFD8F0  }
.LBB2_4:
0x14: {  	p0 =	sne.s32 s11, $0x9C00;
	v2 =	vld [tilespmem:s12+$0x0];
	_ =	sdelay $0x3  }
.Ltmp1:
0x15: {  	(pc) =	sbr.rel @p0 .LBB2_4-.Ltmp1, $2  }
0x16: {  	_ =	sdelay $0x2  }
0x17: {  	s12 =	sshra.s32 s11, $0x2;
	s11 =	sadd.s32 $0x40, s11;
	[tilespmem:v2+s9+$0x0] =	vst.idx.add.f32.msk $0xffff, v1  }
0x18: {  	v2 =	vld [tilespmem:s12+$0x0];
	_ =	sdelay $0x7  }
0x19: {  	s11 =	simm.s32 $0x0;
	[tilespmem:v2+s9+$0x0] =	vst.idx.add.f32.msk $0xffff, v1  }
0x1a: {  	[hbm4b:s4+s11] =	stream.linear.scatter [tilespmem:s9], [sflag:$0x1], $0x2710, $0x38;
	[tilespmem:$0x4E20] =	vst v63  }
0x1b: {  	_ =	swait.ge [sflag:s8], $0x2710  }
0x1c: {  	[sflag:s8] =	ssyncset.done $0x0  }
0x1d: {  	s12 =	simm.s32 $0x0;
	s11 =	simm.s32 $0x40;
	[sflag:s8] =	ssyncadd.s32 $0xFFFFD8F0  }
.LBB2_6:
0x1e: {  	p0 =	sne.s32 s11, $0x9C00;
	[tilespmem:s12+$0x2710] =	vst v0;
	s12 =	smov.u32 s11;
	s11 =	sadd.s32 $0x40, s11  }
.Ltmp2:
0x1f: {  	(pc) =	sbr.rel @p0 .LBB2_6-.Ltmp2, $2  }
0x20: {  	_ =	sdelay $0x2  }
0x21: {  	s12 =	sshra.s32 s12, $0x2  }
0x22: {  	[tilespmem:s12+$0x2710] =	vst v0;
	s11 =	simm.s32 $0x0  }
0x23: {  	[tilespmem:s11], [sflag:$0x1] =	stream.linear.gather [hbm4b:s5+s11], $0x2710, $0x38;
	[tilespmem:$0x4E20] =	vst v63  }
0x24: {  	_ =	swait.ge [sflag:s8], $0x2710  }
0x25: {  	[sflag:s8] =	ssyncset.done $0x0  }
0x26: {  	s12 =	simm.s32 $0x0;
	s11 =	simm.s32 $0x40;
	[sflag:s8] =	ssyncadd.s32 $0xFFFFD8F0  }
.LBB2_8:
0x27: {  	p0 =	sne.s32 s11, $0x9C00;
	v2 =	vld [tilespmem:s12+$0x0];
	_ =	sdelay $0x3  }
.Ltmp3:
0x28: {  	(pc) =	sbr.rel @p0 .LBB2_8-.Ltmp3, $2  }
0x29: {  	_ =	sdelay $0x2  }
0x2a: {  	s12 =	sshra.s32 s11, $0x2;
	s11 =	sadd.s32 $0x40, s11;
	[tilespmem:v2+s9+$0x0] =	vst.idx.add.f32.msk $0xffff, v1  }
0x2b: {  	v2 =	vld [tilespmem:s12+$0x0];
	_ =	sdelay $0x5  }
0x2c: {  	s10 =	sadd.s32 $0x1, s10  }
0x2d: {  	p0 =	sne.s32 s10, s7  }
.Ltmp4:
0x2e: {  	[tilespmem:v2+s9+$0x0] =	vst.idx.add.f32.msk $0xffff, v1;
	(pc) =	sbr.rel @p0 .LBB2_1-.Ltmp4, $4  }
0x2f: {  	[hbm4b:s6+s2] =	stream.linear.scatter [tilespmem:s9], [sflag:$0x1], $0x2710, $0x38;
	[tilespmem:$0x4E20] =	vst v63  }
0x30: {  	_ =	swait.ge [sflag:s8], $0x2710  }
0x31: {  	[sflag:s8] =	ssyncset.done $0x0  }
0x32: {  	[sflag:s8] =	ssyncadd.s32 $0xFFFFD8F0  }
0x33: {  	_ =	sfence.sel $0x180000  }
0x34: {  	[bflag:$0x0] =	sbarrier.arrive $0xFFFF  }
0x35: {  	p0 =	sne.s32 s0, $0x0;
	_ =	strace $0x90000047  }
0x36: {  	s0 =	sadd.s32 @!p0 $0x100000, s1;
	[bflag:$0x2] =	sbarrier.arrive $0xFFFF  }
0x37: {  	[sflag:s0] =	ssyncadd.tile.s32 @!p0 $0x1;
	_ =	shalt  }
.Lfunc_end2:
_tile_overlayer_lowered:
.L_overlay_start_2:
0x38: {  	(tag) =	ssettag $0x2  }
0x39: {  	s0 =	rddreg [dreg:$0x0];
	s2 =	stileid.u32  }
0x3a: {  	s1 =	rddreg [dreg:$0x1];
	p0 =	sne.s32 s2, $0x0  }
0x3b: {  	s3 =	rddreg [dreg:$0x2];
	[bflag:$0x3] =	sbarrier.arrive $0xFFFF;
	s2 =	simm.s32 @!p0 $0x1C01  }
0x3c: {  	[timem:s3], [sflag:s2] =	dma.local @!p0 [hbm:s0], s1  }
0x3d: {  	s0 =	simm.s32 @!p0 $0x1  }
0x3e: {  	_ =	swait.ge @!p0 [sflag:s0], s1  }
0x3f: {  	s1 =	ssub.s32 @!p0 $0x0, s1;
	[sflag:s0] =	ssyncset.done @!p0 $0x0  }
0x40: {  	[sflag:s0] =	ssyncadd.s32 @!p0 s1  }
0x41: {  	[bflag:$0x3] =	sbarrier.arrive $0xFFFF  }
0x42: {  	_ =	shalt  }

</sc_bundles>
